<compile_context>
chip_gen: v7x
topology: tpu7x:2x2x1
jax: 0.10.2.dev20260603
libtpu: 0.0.44.dev20260713+nightly
codegen_flags: <defaults>
</compile_context>

<pallas_src>
import functools

import jax
import jax.numpy as jnp
from jax import lax
from jax.experimental import pallas as pl
from jax.experimental.pallas import tpu as pltpu
from jax.experimental.pallas import tpu_sc as plsc

_B = 128
_V = 100000
_K = 50
_KP = 64
_L = 16
_NVR = _V // _L
_CAP = 2048
_NW = 32
_RW = _B // _NW
_NEG = -3.0e38
_BIG = 3.0e38
_FIN = -1.0e37
_EPS = 1e-5
_EOS = 2
_MINP = 0.001
_EOSR = 100.0
_LNEG = -1.0e30


def _sc_body(logits_hbm, temp_hbm, tl_hbm, topk_hbm, topp_hbm, out_hbm,
             row_v, cand_i, top_v, top_i, temp_v, topk_v, topp_v,
             mark_v, pad_v, fidx_v, lens_v, outb_v, sem):
  cid = lax.axis_index("c")
  sid = lax.axis_index("s")
  wid = sid * 2 + cid

  pltpu.sync_copy(temp_hbm, temp_v)
  pltpu.sync_copy(topk_hbm, topk_v)
  pltpu.sync_copy(topp_hbm, topp_v)

  lanes = lax.iota(jnp.int32, _L)
  zeros_i = lanes * 0
  ones_i = zeros_i + 1
  neg16 = jnp.full((_L,), _NEG, jnp.float32)
  lane0 = lanes == 0

  def store1(ref, pos, val):
    plsc.store_scatter(ref, [jnp.broadcast_to(pos, (_L,))],
                       jnp.broadcast_to(val, (_L,)), mask=lane0)

  def load1(ref, pos):
    return plsc.load_gather(ref, [jnp.broadcast_to(pos, (_L,))])[0]

  def row_body(r, _carry):
    b = wid * _RW + r
    pltpu.sync_copy(logits_hbm.at[b], row_v)

    def ins4(c, x):
      r0, r1, r2, r3 = c
      m0 = jnp.maximum(r0, x)
      y = jnp.minimum(r0, x)
      m1 = jnp.maximum(r1, y)
      y = jnp.minimum(r1, y)
      m2 = jnp.maximum(r2, y)
      y = jnp.minimum(r2, y)
      m3 = jnp.maximum(r3, y)
      return (m0, m1, m2, m3)

    def p1(j, cs):
      out = []
      for s in range(4):
        x = row_v[pl.ds(pl.multiple_of((j * 4 + s) * _L, _L), _L)]
        out.append(ins4(cs[s], x))
      return tuple(out)

    init4 = (neg16, neg16, neg16, neg16)
    cs = lax.fori_loop(0, _NVR // 4, p1, (init4, init4, init4, init4),
                       unroll=2)
    acc = cs[0]
    for s in range(_NVR % 4):
      x = row_v[pl.ds((_NVR // 4 * 4 + s) * _L, _L)]
      acc = ins4(acc, x)
    for s in range(1, 4):
      for r4 in range(4):
        acc = ins4(acc, cs[s][r4])
    c0, c1, c2, c3 = acc

    def pt(_i, c):
      a0, a1, a2, a3 = c
      s = jnp.max(jnp.maximum(jnp.maximum(a0, a1), jnp.maximum(a2, a3)))
      a0 = jnp.where(a0 == s, _NEG, a0)
      a1 = jnp.where(a1 == s, _NEG, a1)
      a2 = jnp.where(a2 == s, _NEG, a2)
      a3 = jnp.where(a3 == s, _NEG, a3)
      return (a0, a1, a2, a3)

    a0, a1, a2, a3 = lax.fori_loop(0, _K - 1, pt, (c0, c1, c2, c3))
    t = jnp.max(jnp.maximum(jnp.maximum(a0, a1), jnp.maximum(a2, a3)))

    def p2(j, off_v):
      base = pl.multiple_of(j * _L, _L)
      x = row_v[pl.ds(base, _L)]
      msk = x >= t
      pos = jnp.minimum(off_v + (jnp.cumsum(jnp.where(msk, 1, 0)) - 1),
                        _CAP - 1)
      plsc.store_scatter(cand_i, [pos], lanes + j * _L, mask=msk)
      cnt = plsc.all_reduce_population_count(msk)
      return jnp.minimum(off_v + cnt, _CAP - _L)

    off = lax.fori_loop(0, _NVR, p2, jnp.broadcast_to(jnp.int32(0), (_L,)),
                        unroll=8)[0]
    nv = (off + _L - 1) >> 4

    for l in range(4):
      top_v[pl.ds(l * _L, _L)] = neg16
      top_i[pl.ds(l * _L, _L)] = zeros_i

    def cand_vals(j):
      ci = cand_i[pl.ds(pl.multiple_of(j * _L, _L), _L)]
      valid = (j * _L + lanes) < off
      v = plsc.load_gather(row_v, [ci], mask=valid)
      return jnp.where(valid, v, _NEG), ci

    def ext(q, _c):
      def fa(j, cur):
        v, _ = cand_vals(j)
        return jnp.maximum(cur, v)

      s = jnp.max(lax.fori_loop(0, nv, fa, neg16))

      def fb(j, pos):
        v, _ = cand_vals(j)
        f = plsc.all_reduce_ffs(v == s)[0]
        return jnp.where((pos < 0) & (f < _L), j * _L + f, pos)

      pos = lax.fori_loop(0, nv, fb, jnp.int32(-1))
      gidx = load1(cand_i, pos)
      store1(top_v, q, s)
      store1(top_i, q, gidx)
      store1(row_v, gidx, jnp.float32(_NEG))
      return 0

    lax.fori_loop(0, _K, ext, 0)

    tmp = load1(temp_v, b)
    kk = jnp.clip(load1(topk_v, b), 1, _K)
    q1p = jnp.float32(1.0) - load1(topp_v, b)

    v = [top_v[pl.ds(l * _L, _L)] for l in range(4)]
    ii = [top_i[pl.ds(l * _L, _L)] for l in range(4)]
    rank = [lanes + l * _L for l in range(4)]

    tmp_v = jnp.broadcast_to(tmp, (_L,))
    w = [jnp.where(vl > _FIN, vl / tmp_v, _NEG) for vl in v]

    mm = [jnp.where(rank[l] < kk, w[l], _BIG) for l in range(4)]
    thr = jnp.min(jnp.minimum(jnp.minimum(mm[0], mm[1]),
                              jnp.minimum(mm[2], mm[3])))
    wk = [jnp.where(w[l] >= thr, w[l], _NEG) for l in range(4)]

    mx = jnp.max(jnp.maximum(jnp.maximum(wk[0], wk[1]),
                             jnp.maximum(wk[2], wk[3])))
    e = [jnp.exp(wk[l] - mx) for l in range(4)]
    tot = jnp.broadcast_to(jnp.sum(((e[0] + e[1]) + (e[2] + e[3]))), (_L,))
    d = [e[l] / tot for l in range(4)]

    asc = [jnp.flip(d[3 - l], axis=0) for l in range(4)]
    base = jnp.float32(0.0)
    acum = []
    for l in range(4):
      acum.append(jnp.cumsum(asc[l]) + base)
      base = base + jnp.sum(asc[l])
    s_desc = [jnp.flip(acum[3 - l], axis=0) for l in range(4)]

    cond = [s_desc[l] <= q1p for l in range(4)]
    cond[0] = cond[0] & (lanes > 0)
    w2 = [jnp.where(cond[l], _NEG, wk[l]) for l in range(4)]

    mx2 = jnp.max(jnp.maximum(jnp.maximum(w2[0], w2[1]),
                              jnp.maximum(w2[2], w2[3])))
    e2 = [jnp.exp(w2[l] - mx2) for l in range(4)]
    tot2 = jnp.broadcast_to(jnp.sum(((e2[0] + e2[1]) + (e2[2] + e2[3]))),
                            (_L,))
    pr = [e2[l] / tot2 for l in range(4)]

    sv = [w2[l] > _FIN for l in range(4)]
    nsur = jnp.int32(0)
    for l in range(4):
      nsur = nsur + jnp.max(plsc.all_reduce_population_count(sv[l]))
    mpad = _K - nsur

    for l2 in range(8):
      mark_v[pl.ds(l2 * _L, _L)] = zeros_i
    for l in range(4):
      plsc.store_scatter(mark_v, [ii[l]], ones_i,
                         mask=sv[l] & (ii[l] < 128))

    def pp_body(l2, fc):
      mk = mark_v[pl.ds(pl.multiple_of(l2 * _L, _L), _L)]
      free = mk == 0
      fcum = jnp.cumsum(jnp.where(free, 1, 0)) + fc
      sel = free & (fcum <= mpad)
      woff = jnp.minimum(fc, mpad)
      plsc.store_compressed(pad_v.at[pl.ds(woff, _L)], lanes + l2 * _L,
                            mask=sel)
      return fc + jnp.max(plsc.all_reduce_population_count(free))

    lax.fori_loop(0, 8, pp_body, jnp.int32(0))

    hcarry = jnp.int32(0)
    fi = []
    for l in range(4):
      hole = (rank[l] < _K) & jnp.logical_not(sv[l])
      hc = jnp.cumsum(jnp.where(hole, 1, 0)) + hcarry
      g = plsc.load_gather(pad_v, [hc - 1], mask=hole)
      f = jnp.where(hole, g, ii[l])
      f = jnp.where(rank[l] < _K, f, 0)
      f = jnp.clip(f, 0, _V - 1)
      fi.append(f)
      fidx_v[pl.ds(l * _L, _L)] = f
      hcarry = hcarry + jnp.max(plsc.all_reduce_population_count(hole))

    pltpu.async_copy(tl_hbm.at[fidx_v], lens_v, sem).wait()

    lw = [jnp.where(rank[l] < _K,
                    lens_v[pl.ds(l * _L, _L)].astype(jnp.float32), _LNEG)
          for l in range(4)]
    lmx = jnp.max(jnp.maximum(jnp.maximum(lw[0], lw[1]),
                              jnp.maximum(lw[2], lw[3])))
    le = [jnp.exp(lw[l] - lmx) for l in range(4)]
    ltot = jnp.broadcast_to(jnp.sum(((le[0] + le[1]) + (le[2] + le[3]))),
                            (_L,))
    ls = [le[l] / ltot for l in range(4)]

    mix = [jnp.float32(0.5) * pr[l] + jnp.float32(0.5) * ls[l]
           for l in range(4)]
    mix = [jnp.where(pr[l] >= _MINP, mix[l], _NEG) for l in range(4)]

    eosm = [(fi[l] == _EOS) & sv[l] for l in range(4)]
    ep = jnp.float32(0.0)
    ne = jnp.int32(0)
    for l in range(4):
      ep = ep + jnp.sum(jnp.where(eosm[l], pr[l], jnp.float32(0.0)))
      ne = ne + jnp.max(plsc.all_reduce_population_count(eosm[l]))
    ep_v = jnp.broadcast_to(ep, (_L,))
    eth = jnp.maximum(ep_v / jnp.full((_L,), _EOSR, jnp.float32),
                      jnp.float32(0.005))
    no_eos = ne == 0
    mix = [jnp.where((pr[l] >= eth) | no_eos, mix[l], _NEG)
           for l in range(4)]

    mxm = jnp.max(jnp.maximum(jnp.maximum(mix[0], mix[1]),
                              jnp.maximum(mix[2], mix[3])))
    cc = jnp.int32(0)
    chosen = jnp.int32(-1)
    for l in range(4):
      eq = mix[l] == mxm
      cl = jnp.cumsum(jnp.where(eq, 1, 0)) + cc
      first = eq & (cl == 1)
      chosen = jnp.maximum(chosen,
                           jnp.max(jnp.where(first, fi[l], jnp.int32(-1))))
      cc = cc + jnp.max(plsc.all_reduce_population_count(eq))

    greedy = ii[0][0]
    chosen = jnp.where(tmp < _EPS, greedy, chosen)
    store1(outb_v, r, chosen)
    return 0

  lax.fori_loop(0, _RW, row_body, 0)
  pltpu.sync_copy(outb_v, out_hbm.at[wid])


@jax.jit
def _run(logits, temperature, token_lengths, top_k, top_p):
  mesh = plsc.VectorSubcoreMesh(core_axis_name="c", subcore_axis_name="s")
  f = functools.partial(
      pl.kernel,
      out_type=jax.ShapeDtypeStruct((_NW, 8), jnp.int32),
      mesh=mesh,
      compiler_params=pltpu.CompilerParams(needs_layout_passes=False),
      scratch_types=[
          pltpu.VMEM((_V,), jnp.float32),
          pltpu.VMEM((_CAP,), jnp.int32),
          pltpu.VMEM((_KP,), jnp.float32),
          pltpu.VMEM((_KP,), jnp.int32),
          pltpu.VMEM((_B,), jnp.float32),
          pltpu.VMEM((_B,), jnp.int32),
          pltpu.VMEM((_B,), jnp.float32),
          pltpu.VMEM((128,), jnp.int32),
          pltpu.VMEM((128,), jnp.int32),
          pltpu.VMEM((_KP,), jnp.int32),
          pltpu.VMEM((_KP,), jnp.int32),
          pltpu.VMEM((8,), jnp.int32),
          pltpu.SemaphoreType.DMA,
      ],
  )(_sc_body)
  return f(logits, temperature, token_lengths, top_k, top_p)


def kernel(logits, temperature, token_lengths, top_k, top_p):
  out = _run(logits.astype(jnp.float32),
             temperature.astype(jnp.float32),
             token_lengths.astype(jnp.int32),
             top_k.astype(jnp.int32),
             top_p.astype(jnp.float32))
  return out[:, :_RW].reshape(-1)

# --- scband reference (transcript-rebuilt; emitter-appended) ---
"""Pipeline reference for scband-sampler-9904194584752 (READ-ONLY COPY).

The authoritative reference and input builder live on the scoring server;
editing this copy changes nothing except your own understanding.
"""

import jax, jax.numpy as jnp
import numpy as np

B = 128
V = 100000
_SAMPLING_EPS = 1e-05
EOS_PROB_RATIO = 100.0
MIN_PROB_THRESHOLD = 0.001
EOS_TOKEN_ID = 2
MIX_RATIO = 0.5
SAMPLE_TOP_K = 50


def setup_inputs(seed: int = 0) -> dict:
    key = jax.random.key(seed)
    k1, k2, k3, k4, k5 = jax.random.split(key, 5)
    logits = jax.random.normal(k1, (B, V), dtype=jnp.float32) * 4.0
    temperature = jax.random.uniform(k2, (B,), dtype=jnp.float32, minval=0.05, maxval=1.0)
    token_lengths = jax.random.randint(k3, (V,), 1, 24, dtype=jnp.int32)
    top_k = jax.random.randint(k4, (B,), 1, 51, dtype=jnp.int32)
    top_p = jax.random.uniform(k5, (B,), dtype=jnp.float32, minval=0.5, maxval=1.0)
    return {"logits": logits, "temperature": temperature, "token_lengths": token_lengths, "top_k": top_k, "top_p": top_p}


def apply_top_k_top_p(logits, k, p):
    # Faithful to vLLM: ascending sort, mask below top-k boundary, top-p on
    # cumulative probs of sorted logits, then scatter back to original order.
    Bv, Vv = logits.shape
    order = jnp.argsort(logits, axis=-1)  # ascending
    logits_sort = jnp.take_along_axis(logits, order, axis=-1)
    k = jnp.clip(k, 1, Vv)
    boundary_idx = (Vv - k).astype(jnp.int32)[:, None]
    top_k_thresh = jnp.take_along_axis(logits_sort, boundary_idx, axis=-1)
    logits_sort = jnp.where(logits_sort < top_k_thresh, -jnp.inf, logits_sort)
    probs_sort = jax.nn.softmax(logits_sort, axis=-1)
    probs_sum = jnp.cumsum(probs_sort, axis=-1)
    top_p_mask = probs_sum <= (1.0 - p)[:, None]
    top_p_mask = top_p_mask.at[:, -1].set(False)  # always keep the max token
    logits_sort = jnp.where(top_p_mask, -jnp.inf, logits_sort)
    inv = jnp.argsort(order, axis=-1)
    return jnp.take_along_axis(logits_sort, inv, axis=-1)


def longest_word_sample(logits, token_lengths, top_k, mix_ratio, eos_token_id):
    kk = min(top_k, logits.shape[-1])
    topk_logits, topk_idx = jax.lax.top_k(logits, kk)
    prob_score = jax.nn.softmax(topk_logits, axis=-1)
    clamped_idx = jnp.clip(topk_idx, 0, token_lengths.shape[0] - 1)
    length_score = jax.nn.softmax(token_lengths[clamped_idx].astype(jnp.float32), axis=-1)
    mix_score = (1.0 - mix_ratio) * prob_score + mix_ratio * length_score
    valid_mask = prob_score >= MIN_PROB_THRESHOLD
    mix_score = jnp.where(valid_mask, mix_score, -jnp.inf)
    eos_in_topk = (topk_idx == eos_token_id) & jnp.isfinite(topk_logits)
    rows_with_eos = eos_in_topk.any(axis=-1)
    eos_prob = (prob_score * eos_in_topk.astype(prob_score.dtype)).sum(axis=-1, keepdims=True)
    eos_threshold = jnp.maximum(eos_prob / EOS_PROB_RATIO, 0.005)
    valid_candidate_mask = prob_score >= eos_threshold
    mix_score = jnp.where(valid_candidate_mask | (~rows_with_eos)[:, None], mix_score, -jnp.inf)
    best_in_topk = jnp.argmax(mix_score, axis=-1)
    chosen = jnp.take_along_axis(topk_idx, best_in_topk[:, None], axis=-1).squeeze(-1)
    return chosen


def reference(logits, temperature, token_lengths, top_k, top_p):
    logits = logits.astype(jnp.float32)
    greedy_sampled = jnp.argmax(logits, axis=-1)
    scaled = logits / temperature[:, None]
    filtered_logits = apply_top_k_top_p(scaled, top_k, top_p)
    random_sampled = longest_word_sample(filtered_logits, token_lengths, SAMPLE_TOP_K, MIX_RATIO, EOS_TOKEN_ID)
    sampled = jnp.where(temperature < _SAMPLING_EPS, greedy_sampled, random_sampled)
    return sampled.astype(jnp.int32)

if __name__ == "__main__":
    import jax
    _d = setup_inputs()
    print(jax.jit(kernel)(*tuple(_d.values())))

</pallas_src>

<mosaic_0001>
#map = affine_map<(d0, d1) -> (0, 0)>
#map1 = affine_map<(d0, d1) -> (0)>
module attributes {stable_mosaic.version = 14 : i64} {
  func.func @_sc_body(%arg0: i32, %arg1: i32, %arg2: memref<128x100000xf32, #tpu.memory_space<hbm>>, %arg3: memref<128xf32, #tpu.memory_space<hbm>>, %arg4: memref<100000xi32, #tpu.memory_space<hbm>>, %arg5: memref<128xi32, #tpu.memory_space<hbm>>, %arg6: memref<128xf32, #tpu.memory_space<hbm>>, %arg7: memref<32x8xi32, #tpu.memory_space<hbm>>, %arg8: memref<100000xf32, #tpu.memory_space<vmem>>, %arg9: memref<2048xi32, #tpu.memory_space<vmem>>, %arg10: memref<64xf32, #tpu.memory_space<vmem>>, %arg11: memref<64xi32, #tpu.memory_space<vmem>>, %arg12: memref<128xf32, #tpu.memory_space<vmem>>, %arg13: memref<128xi32, #tpu.memory_space<vmem>>, %arg14: memref<128xf32, #tpu.memory_space<vmem>>, %arg15: memref<128xi32, #tpu.memory_space<vmem>>, %arg16: memref<128xi32, #tpu.memory_space<vmem>>, %arg17: memref<64xi32, #tpu.memory_space<vmem>>, %arg18: memref<64xi32, #tpu.memory_space<vmem>>, %arg19: memref<8xi32, #tpu.memory_space<vmem>>, %arg20: memref<!tpu.dma_semaphore, #tpu.memory_space<semaphore_mem>>) attributes {dimension_semantics = [#tpu.dimension_semantics<core_parallel>, #tpu.dimension_semantics<subcore_parallel>], iteration_bounds = array<i64: 2, 16>, scalar_prefetch = 0 : i64, scratch_operands = 13 : i64, tpu.core_type = #tpu.core_type<sc_vector_subcore>, window_params = [{transform_indices = #map}, {transform_indices = #map1}, {transform_indices = #map1}, {transform_indices = #map1}, {transform_indices = #map1}, {transform_indices = #map}]} {
    %mul3A = arith.constant 2 : i32
    %mul3A_0 = arith.muli %arg1, %mul3A : i32
    %add3A = arith.addi %mul3A_0, %arg0 : i32
    "tpu.region"() ({
      %run_scoped3A = tpu.sem_alloc : memref<!tpu.dma_semaphore, #tpu.memory_space<semaphore_mem>>
      tpu.enqueue_dma source(%arg3 : memref<128xf32, #tpu.memory_space<hbm>>) target(%arg12 : memref<128xf32, #tpu.memory_space<vmem>>) target_semaphore(%run_scoped3A : memref<!tpu.dma_semaphore, #tpu.memory_space<semaphore_mem>>)
      tpu.wait_dma2 semaphore(%run_scoped3A : memref<!tpu.dma_semaphore, #tpu.memory_space<semaphore_mem>>) src(%arg3 : memref<128xf32, #tpu.memory_space<hbm>>) dst(%arg12 : memref<128xf32, #tpu.memory_space<vmem>>)
      tpu.yield
    }) : () -> ()
    "tpu.region"() ({
      %run_scoped3A = tpu.sem_alloc : memref<!tpu.dma_semaphore, #tpu.memory_space<semaphore_mem>>
      tpu.enqueue_dma source(%arg5 : memref<128xi32, #tpu.memory_space<hbm>>) target(%arg13 : memref<128xi32, #tpu.memory_space<vmem>>) target_semaphore(%run_scoped3A : memref<!tpu.dma_semaphore, #tpu.memory_space<semaphore_mem>>)
      tpu.wait_dma2 semaphore(%run_scoped3A : memref<!tpu.dma_semaphore, #tpu.memory_space<semaphore_mem>>) src(%arg5 : memref<128xi32, #tpu.memory_space<hbm>>) dst(%arg13 : memref<128xi32, #tpu.memory_space<vmem>>)
      tpu.yield
    }) : () -> ()
    "tpu.region"() ({
      %run_scoped3A = tpu.sem_alloc : memref<!tpu.dma_semaphore, #tpu.memory_space<semaphore_mem>>
      tpu.enqueue_dma source(%arg6 : memref<128xf32, #tpu.memory_space<hbm>>) target(%arg14 : memref<128xf32, #tpu.memory_space<vmem>>) target_semaphore(%run_scoped3A : memref<!tpu.dma_semaphore, #tpu.memory_space<semaphore_mem>>)
      tpu.wait_dma2 semaphore(%run_scoped3A : memref<!tpu.dma_semaphore, #tpu.memory_space<semaphore_mem>>) src(%arg6 : memref<128xf32, #tpu.memory_space<hbm>>) dst(%arg14 : memref<128xf32, #tpu.memory_space<vmem>>)
      tpu.yield
    }) : () -> ()
    %iota3A = tpu.iota {dimensions = array<i32: 0>} : vector<16xi32>
    %mul3A_1 = arith.constant 0 : i32
    %mul3A_2 = vector.broadcast %mul3A_1 : i32 to vector<16xi32>
    %mul3A_3 = arith.muli %iota3A, %mul3A_2 : vector<16xi32>
    %add3A_4 = arith.constant 1 : i32
    %add3A_5 = vector.broadcast %add3A_4 : i32 to vector<16xi32>
    %add3A_6 = arith.addi %mul3A_3, %add3A_5 : vector<16xi32>
    %broadcast_in_dim3A = arith.constant -3.000000e+38 : f32
    %broadcast_in_dim3A_7 = vector.broadcast %broadcast_in_dim3A : f32 to vector<16xf32>
    %eq3A = arith.constant 0 : i32
    %eq3A_8 = vector.broadcast %eq3A : i32 to vector<16xi32>
    %eq3A_9 = arith.cmpi eq, %iota3A, %eq3A_8 : vector<16xi32>
    %scan3A = arith.constant 0 : i32
    %scan3A_10 = arith.constant 0 : i32
    %scan3A_11 = arith.constant 4 : i32
    %scan3A_12 = arith.addi %scan3A_10, %scan3A_11 : i32
    %scan3A_13 = arith.constant 1 : i32
    %scan3A_14 = scf.for %scan3A_16 = %scan3A_10 to %scan3A_12 step %scan3A_13 iter_args(%scan3A_17 = %scan3A) -> (i32)  : i32 {
      %mul3A_18 = arith.constant 4 : i32
      %mul3A_19 = arith.muli %add3A, %mul3A_18 : i32
      %add3A_20 = arith.addi %mul3A_19, %scan3A_16 : i32
      "tpu.region"() ({
        %run_scoped3A = tpu.sem_alloc : memref<!tpu.dma_semaphore, #tpu.memory_space<semaphore_mem>>
        %dma_start3A_1199 = arith.constant 0 : i32
        %dma_start3A_1200 = tpu.memref_slice %arg2[%add3A_20, %dma_start3A_1199] : memref<128x100000xf32, #tpu.memory_space<hbm>> -> memref<1x100000xf32, #tpu.memory_space<hbm>>
        %dma_start3A_1201 = tpu.memref_squeeze %dma_start3A_1200 : memref<1x100000xf32, #tpu.memory_space<hbm>> -> memref<100000xf32, #tpu.memory_space<hbm>>
        %dma_start3A_1202 = arith.constant 0 : i32
        %dma_start3A_1203 = tpu.memref_slice %arg2[%add3A_20, %dma_start3A_1202] : memref<128x100000xf32, #tpu.memory_space<hbm>> -> memref<1x100000xf32, #tpu.memory_space<hbm>>
        %dma_start3A_1204 = tpu.memref_squeeze %dma_start3A_1203 : memref<1x100000xf32, #tpu.memory_space<hbm>> -> memref<100000xf32, #tpu.memory_space<hbm>>
        tpu.enqueue_dma source(%dma_start3A_1204 : memref<100000xf32, #tpu.memory_space<hbm>>) target(%arg8 : memref<100000xf32, #tpu.memory_space<vmem>>) target_semaphore(%run_scoped3A : memref<!tpu.dma_semaphore, #tpu.memory_space<semaphore_mem>>)
        %dma_wait3A_1205 = arith.constant 0 : i32
        %dma_wait3A_1206 = tpu.memref_slice %arg2[%add3A_20, %dma_wait3A_1205] : memref<128x100000xf32, #tpu.memory_space<hbm>> -> memref<1x100000xf32, #tpu.memory_space<hbm>>
        %dma_wait3A_1207 = tpu.memref_squeeze %dma_wait3A_1206 : memref<1x100000xf32, #tpu.memory_space<hbm>> -> memref<100000xf32, #tpu.memory_space<hbm>>
        %dma_wait3A_1208 = arith.constant 0 : i32
        %dma_wait3A_1209 = tpu.memref_slice %arg2[%add3A_20, %dma_wait3A_1208] : memref<128x100000xf32, #tpu.memory_space<hbm>> -> memref<1x100000xf32, #tpu.memory_space<hbm>>
        %dma_wait3A_1210 = tpu.memref_squeeze %dma_wait3A_1209 : memref<1x100000xf32, #tpu.memory_space<hbm>> -> memref<100000xf32, #tpu.memory_space<hbm>>
        tpu.wait_dma2 semaphore(%run_scoped3A : memref<!tpu.dma_semaphore, #tpu.memory_space<semaphore_mem>>) src(%dma_wait3A_1210 : memref<100000xf32, #tpu.memory_space<hbm>>) dst(%arg8 : memref<100000xf32, #tpu.memory_space<vmem>>)
        tpu.yield
      }) : () -> ()
      %scan3A_21 = arith.constant 0 : i32
      %scan3A_22 = arith.constant 1562 : i32
      %scan3A_23 = arith.addi %scan3A_21, %scan3A_22 : i32
      %scan3A_24 = arith.constant 2 : i32
      %scan3A_25:16 = scf.for %scan3A_1199 = %scan3A_21 to %scan3A_23 step %scan3A_24 iter_args(%scan3A_1200 = %broadcast_in_dim3A_7, %scan3A_1201 = %broadcast_in_dim3A_7, %scan3A_1202 = %broadcast_in_dim3A_7, %scan3A_1203 = %broadcast_in_dim3A_7, %scan3A_1204 = %broadcast_in_dim3A_7, %scan3A_1205 = %broadcast_in_dim3A_7, %scan3A_1206 = %broadcast_in_dim3A_7, %scan3A_1207 = %broadcast_in_dim3A_7, %scan3A_1208 = %broadcast_in_dim3A_7, %scan3A_1209 = %broadcast_in_dim3A_7, %scan3A_1210 = %broadcast_in_dim3A_7, %scan3A_1211 = %broadcast_in_dim3A_7, %scan3A_1212 = %broadcast_in_dim3A_7, %scan3A_1213 = %broadcast_in_dim3A_7, %scan3A_1214 = %broadcast_in_dim3A_7, %scan3A_1215 = %broadcast_in_dim3A_7) -> (vector<16xf32>, vector<16xf32>, vector<16xf32>, vector<16xf32>, vector<16xf32>, vector<16xf32>, vector<16xf32>, vector<16xf32>, vector<16xf32>, vector<16xf32>, vector<16xf32>, vector<16xf32>, vector<16xf32>, vector<16xf32>, vector<16xf32>, vector<16xf32>)  : i32 {
        %mul3A_1216 = arith.constant 4 : i32
        %mul3A_1217 = arith.muli %scan3A_1199, %mul3A_1216 : i32
        %add3A_1218 = arith.constant 0 : i32
        %add3A_1219 = arith.addi %mul3A_1217, %add3A_1218 : i32
        %mul3A_1220 = arith.constant 16 : i32
        %mul3A_1221 = arith.muli %add3A_1219, %mul3A_1220 : i32
        %multiple_of3A_1222 = tpu.assume_multiple %mul3A_1221, 16 : i32
        %get3A_1223 = arith.index_cast %multiple_of3A_1222 : i32 to index
        %get3A_1224 = tpu.vector_load %arg8[%get3A_1223] {strides = array<i32>} : memref<100000xf32, #tpu.memory_space<vmem>>, vector<16xf32>,
        %max3A_1225 = arith.maximumf %scan3A_1200, %get3A_1224 : vector<16xf32>
        %min3A_1226 = arith.minimumf %scan3A_1200, %get3A_1224 : vector<16xf32>
        %max3A_1227 = arith.maximumf %scan3A_1201, %min3A_1226 : vector<16xf32>
        %min3A_1228 = arith.minimumf %scan3A_1201, %min3A_1226 : vector<16xf32>
        %max3A_1229 = arith.maximumf %scan3A_1202, %min3A_1228 : vector<16xf32>
        %min3A_1230 = arith.minimumf %scan3A_1202, %min3A_1228 : vector<16xf32>
        %max3A_1231 = arith.maximumf %scan3A_1203, %min3A_1230 : vector<16xf32>
        %mul3A_1232 = arith.constant 4 : i32
        %mul3A_1233 = arith.muli %scan3A_1199, %mul3A_1232 : i32
        %add3A_1234 = arith.constant 1 : i32
        %add3A_1235 = arith.addi %mul3A_1233, %add3A_1234 : i32
        %mul3A_1236 = arith.constant 16 : i32
        %mul3A_1237 = arith.muli %add3A_1235, %mul3A_1236 : i32
        %multiple_of3A_1238 = tpu.assume_multiple %mul3A_1237, 16 : i32
        %get3A_1239 = arith.index_cast %multiple_of3A_1238 : i32 to index
        %get3A_1240 = tpu.vector_load %arg8[%get3A_1239] {strides = array<i32>} : memref<100000xf32, #tpu.memory_space<vmem>>, vector<16xf32>,
        %max3A_1241 = arith.maximumf %scan3A_1204, %get3A_1240 : vector<16xf32>
        %min3A_1242 = arith.minimumf %scan3A_1204, %get3A_1240 : vector<16xf32>
        %max3A_1243 = arith.maximumf %scan3A_1205, %min3A_1242 : vector<16xf32>
        %min3A_1244 = arith.minimumf %scan3A_1205, %min3A_1242 : vector<16xf32>
        %max3A_1245 = arith.maximumf %scan3A_1206, %min3A_1244 : vector<16xf32>
        %min3A_1246 = arith.minimumf %scan3A_1206, %min3A_1244 : vector<16xf32>
        %max3A_1247 = arith.maximumf %scan3A_1207, %min3A_1246 : vector<16xf32>
        %mul3A_1248 = arith.constant 4 : i32
        %mul3A_1249 = arith.muli %scan3A_1199, %mul3A_1248 : i32
        %add3A_1250 = arith.constant 2 : i32
        %add3A_1251 = arith.addi %mul3A_1249, %add3A_1250 : i32
        %mul3A_1252 = arith.constant 16 : i32
        %mul3A_1253 = arith.muli %add3A_1251, %mul3A_1252 : i32
        %multiple_of3A_1254 = tpu.assume_multiple %mul3A_1253, 16 : i32
        %get3A_1255 = arith.index_cast %multiple_of3A_1254 : i32 to index
        %get3A_1256 = tpu.vector_load %arg8[%get3A_1255] {strides = array<i32>} : memref<100000xf32, #tpu.memory_space<vmem>>, vector<16xf32>,
        %max3A_1257 = arith.maximumf %scan3A_1208, %get3A_1256 : vector<16xf32>
        %min3A_1258 = arith.minimumf %scan3A_1208, %get3A_1256 : vector<16xf32>
        %max3A_1259 = arith.maximumf %scan3A_1209, %min3A_1258 : vector<16xf32>
        %min3A_1260 = arith.minimumf %scan3A_1209, %min3A_1258 : vector<16xf32>
        %max3A_1261 = arith.maximumf %scan3A_1210, %min3A_1260 : vector<16xf32>
        %min3A_1262 = arith.minimumf %scan3A_1210, %min3A_1260 : vector<16xf32>
        %max3A_1263 = arith.maximumf %scan3A_1211, %min3A_1262 : vector<16xf32>
        %mul3A_1264 = arith.constant 4 : i32
        %mul3A_1265 = arith.muli %scan3A_1199, %mul3A_1264 : i32
        %add3A_1266 = arith.constant 3 : i32
        %add3A_1267 = arith.addi %mul3A_1265, %add3A_1266 : i32
        %mul3A_1268 = arith.constant 16 : i32
        %mul3A_1269 = arith.muli %add3A_1267, %mul3A_1268 : i32
        %multiple_of3A_1270 = tpu.assume_multiple %mul3A_1269, 16 : i32
        %get3A_1271 = arith.index_cast %multiple_of3A_1270 : i32 to index
        %get3A_1272 = tpu.vector_load %arg8[%get3A_1271] {strides = array<i32>} : memref<100000xf32, #tpu.memory_space<vmem>>, vector<16xf32>,
        %max3A_1273 = arith.maximumf %scan3A_1212, %get3A_1272 : vector<16xf32>
        %min3A_1274 = arith.minimumf %scan3A_1212, %get3A_1272 : vector<16xf32>
        %max3A_1275 = arith.maximumf %scan3A_1213, %min3A_1274 : vector<16xf32>
        %min3A_1276 = arith.minimumf %scan3A_1213, %min3A_1274 : vector<16xf32>
        %max3A_1277 = arith.maximumf %scan3A_1214, %min3A_1276 : vector<16xf32>
        %min3A_1278 = arith.minimumf %scan3A_1214, %min3A_1276 : vector<16xf32>
        %max3A_1279 = arith.maximumf %scan3A_1215, %min3A_1278 : vector<16xf32>
        %scan3A_1280 = arith.constant 1 : i32
        %scan3A_1281 = arith.addi %scan3A_1199, %scan3A_1280 : i32
        %mul3A_1282 = arith.constant 4 : i32
        %mul3A_1283 = arith.muli %scan3A_1281, %mul3A_1282 : i32
        %add3A_1284 = arith.constant 0 : i32
        %add3A_1285 = arith.addi %mul3A_1283, %add3A_1284 : i32
        %mul3A_1286 = arith.constant 16 : i32
        %mul3A_1287 = arith.muli %add3A_1285, %mul3A_1286 : i32
        %multiple_of3A_1288 = tpu.assume_multiple %mul3A_1287, 16 : i32
        %get3A_1289 = arith.index_cast %multiple_of3A_1288 : i32 to index
        %get3A_1290 = tpu.vector_load %arg8[%get3A_1289] {strides = array<i32>} : memref<100000xf32, #tpu.memory_space<vmem>>, vector<16xf32>,
        %max3A_1291 = arith.maximumf %max3A_1225, %get3A_1290 : vector<16xf32>
        %min3A_1292 = arith.minimumf %max3A_1225, %get3A_1290 : vector<16xf32>
        %max3A_1293 = arith.maximumf %max3A_1227, %min3A_1292 : vector<16xf32>
        %min3A_1294 = arith.minimumf %max3A_1227, %min3A_1292 : vector<16xf32>
        %max3A_1295 = arith.maximumf %max3A_1229, %min3A_1294 : vector<16xf32>
        %min3A_1296 = arith.minimumf %max3A_1229, %min3A_1294 : vector<16xf32>
        %max3A_1297 = arith.maximumf %max3A_1231, %min3A_1296 : vector<16xf32>
        %mul3A_1298 = arith.constant 4 : i32
        %mul3A_1299 = arith.muli %scan3A_1281, %mul3A_1298 : i32
        %add3A_1300 = arith.constant 1 : i32
        %add3A_1301 = arith.addi %mul3A_1299, %add3A_1300 : i32
        %mul3A_1302 = arith.constant 16 : i32
        %mul3A_1303 = arith.muli %add3A_1301, %mul3A_1302 : i32
        %multiple_of3A_1304 = tpu.assume_multiple %mul3A_1303, 16 : i32
        %get3A_1305 = arith.index_cast %multiple_of3A_1304 : i32 to index
        %get3A_1306 = tpu.vector_load %arg8[%get3A_1305] {strides = array<i32>} : memref<100000xf32, #tpu.memory_space<vmem>>, vector<16xf32>,
        %max3A_1307 = arith.maximumf %max3A_1241, %get3A_1306 : vector<16xf32>
        %min3A_1308 = arith.minimumf %max3A_1241, %get3A_1306 : vector<16xf32>
        %max3A_1309 = arith.maximumf %max3A_1243, %min3A_1308 : vector<16xf32>
        %min3A_1310 = arith.minimumf %max3A_1243, %min3A_1308 : vector<16xf32>
        %max3A_1311 = arith.maximumf %max3A_1245, %min3A_1310 : vector<16xf32>
        %min3A_1312 = arith.minimumf %max3A_1245, %min3A_1310 : vector<16xf32>
        %max3A_1313 = arith.maximumf %max3A_1247, %min3A_1312 : vector<16xf32>
        %mul3A_1314 = arith.constant 4 : i32
        %mul3A_1315 = arith.muli %scan3A_1281, %mul3A_1314 : i32
        %add3A_1316 = arith.constant 2 : i32
        %add3A_1317 = arith.addi %mul3A_1315, %add3A_1316 : i32
        %mul3A_1318 = arith.constant 16 : i32
        %mul3A_1319 = arith.muli %add3A_1317, %mul3A_1318 : i32
        %multiple_of3A_1320 = tpu.assume_multiple %mul3A_1319, 16 : i32
        %get3A_1321 = arith.index_cast %multiple_of3A_1320 : i32 to index
        %get3A_1322 = tpu.vector_load %arg8[%get3A_1321] {strides = array<i32>} : memref<100000xf32, #tpu.memory_space<vmem>>, vector<16xf32>,
        %max3A_1323 = arith.maximumf %max3A_1257, %get3A_1322 : vector<16xf32>
        %min3A_1324 = arith.minimumf %max3A_1257, %get3A_1322 : vector<16xf32>
        %max3A_1325 = arith.maximumf %max3A_1259, %min3A_1324 : vector<16xf32>
        %min3A_1326 = arith.minimumf %max3A_1259, %min3A_1324 : vector<16xf32>
        %max3A_1327 = arith.maximumf %max3A_1261, %min3A_1326 : vector<16xf32>
        %min3A_1328 = arith.minimumf %max3A_1261, %min3A_1326 : vector<16xf32>
        %max3A_1329 = arith.maximumf %max3A_1263, %min3A_1328 : vector<16xf32>
        %mul3A_1330 = arith.constant 4 : i32
        %mul3A_1331 = arith.muli %scan3A_1281, %mul3A_1330 : i32
        %add3A_1332 = arith.constant 3 : i32
        %add3A_1333 = arith.addi %mul3A_1331, %add3A_1332 : i32
        %mul3A_1334 = arith.constant 16 : i32
        %mul3A_1335 = arith.muli %add3A_1333, %mul3A_1334 : i32
        %multiple_of3A_1336 = tpu.assume_multiple %mul3A_1335, 16 : i32
        %get3A_1337 = arith.index_cast %multiple_of3A_1336 : i32 to index
        %get3A_1338 = tpu.vector_load %arg8[%get3A_1337] {strides = array<i32>} : memref<100000xf32, #tpu.memory_space<vmem>>, vector<16xf32>,
        %max3A_1339 = arith.maximumf %max3A_1273, %get3A_1338 : vector<16xf32>
        %min3A_1340 = arith.minimumf %max3A_1273, %get3A_1338 : vector<16xf32>
        %max3A_1341 = arith.maximumf %max3A_1275, %min3A_1340 : vector<16xf32>
        %min3A_1342 = arith.minimumf %max3A_1275, %min3A_1340 : vector<16xf32>
        %max3A_1343 = arith.maximumf %max3A_1277, %min3A_1342 : vector<16xf32>
        %min3A_1344 = arith.minimumf %max3A_1277, %min3A_1342 : vector<16xf32>
        %max3A_1345 = arith.maximumf %max3A_1279, %min3A_1344 : vector<16xf32>
        scf.yield %max3A_1291, %max3A_1293, %max3A_1295, %max3A_1297, %max3A_1307, %max3A_1309, %max3A_1311, %max3A_1313, %max3A_1323, %max3A_1325, %max3A_1327, %max3A_1329, %max3A_1339, %max3A_1341, %max3A_1343, %max3A_1345 : vector<16xf32>, vector<16xf32>, vector<16xf32>, vector<16xf32>, vector<16xf32>, vector<16xf32>, vector<16xf32>, vector<16xf32>, vector<16xf32>, vector<16xf32>, vector<16xf32>, vector<16xf32>, vector<16xf32>, vector<16xf32>, vector<16xf32>, vector<16xf32>
      }
      %scan3A_26 = arith.constant 1562 : i32
      %get3A = arith.constant 99968 : index
      %get3A_27 = tpu.vector_load %arg8[%get3A] {strides = array<i32>} : memref<100000xf32, #tpu.memory_space<vmem>>, vector<16xf32>,
      %max3A = arith.maximumf %scan3A_25#0, %get3A_27 : vector<16xf32>
      %min3A = arith.minimumf %scan3A_25#0, %get3A_27 : vector<16xf32>
      %max3A_28 = arith.maximumf %scan3A_25#1, %min3A : vector<16xf32>
      %min3A_29 = arith.minimumf %scan3A_25#1, %min3A : vector<16xf32>
      %max3A_30 = arith.maximumf %scan3A_25#2, %min3A_29 : vector<16xf32>
      %min3A_31 = arith.minimumf %scan3A_25#2, %min3A_29 : vector<16xf32>
      %max3A_32 = arith.maximumf %scan3A_25#3, %min3A_31 : vector<16xf32>
      %get3A_33 = arith.constant 99984 : index
      %get3A_34 = tpu.vector_load %arg8[%get3A_33] {strides = array<i32>} : memref<100000xf32, #tpu.memory_space<vmem>>, vector<16xf32>,
      %max3A_35 = arith.maximumf %max3A, %get3A_34 : vector<16xf32>
      %min3A_36 = arith.minimumf %max3A, %get3A_34 : vector<16xf32>
      %max3A_37 = arith.maximumf %max3A_28, %min3A_36 : vector<16xf32>
      %min3A_38 = arith.minimumf %max3A_28, %min3A_36 : vector<16xf32>
      %max3A_39 = arith.maximumf %max3A_30, %min3A_38 : vector<16xf32>
      %min3A_40 = arith.minimumf %max3A_30, %min3A_38 : vector<16xf32>
      %max3A_41 = arith.maximumf %max3A_32, %min3A_40 : vector<16xf32>
      %max3A_42 = arith.maximumf %max3A_35, %scan3A_25#4 : vector<16xf32>
      %min3A_43 = arith.minimumf %max3A_35, %scan3A_25#4 : vector<16xf32>
      %max3A_44 = arith.maximumf %max3A_37, %min3A_43 : vector<16xf32>
      %min3A_45 = arith.minimumf %max3A_37, %min3A_43 : vector<16xf32>
      %max3A_46 = arith.maximumf %max3A_39, %min3A_45 : vector<16xf32>
      %min3A_47 = arith.minimumf %max3A_39, %min3A_45 : vector<16xf32>
      %max3A_48 = arith.maximumf %max3A_41, %min3A_47 : vector<16xf32>
      %max3A_49 = arith.maximumf %max3A_42, %scan3A_25#5 : vector<16xf32>
      %min3A_50 = arith.minimumf %max3A_42, %scan3A_25#5 : vector<16xf32>
      %max3A_51 = arith.maximumf %max3A_44, %min3A_50 : vector<16xf32>
      %min3A_52 = arith.minimumf %max3A_44, %min3A_50 : vector<16xf32>
      %max3A_53 = arith.maximumf %max3A_46, %min3A_52 : vector<16xf32>
      %min3A_54 = arith.minimumf %max3A_46, %min3A_52 : vector<16xf32>
      %max3A_55 = arith.maximumf %max3A_48, %min3A_54 : vector<16xf32>
      %max3A_56 = arith.maximumf %max3A_49, %scan3A_25#6 : vector<16xf32>
      %min3A_57 = arith.minimumf %max3A_49, %scan3A_25#6 : vector<16xf32>
      %max3A_58 = arith.maximumf %max3A_51, %min3A_57 : vector<16xf32>
      %min3A_59 = arith.minimumf %max3A_51, %min3A_57 : vector<16xf32>
      %max3A_60 = arith.maximumf %max3A_53, %min3A_59 : vector<16xf32>
      %min3A_61 = arith.minimumf %max3A_53, %min3A_59 : vector<16xf32>
      %max3A_62 = arith.maximumf %max3A_55, %min3A_61 : vector<16xf32>
      %max3A_63 = arith.maximumf %max3A_56, %scan3A_25#7 : vector<16xf32>
      %min3A_64 = arith.minimumf %max3A_56, %scan3A_25#7 : vector<16xf32>
      %max3A_65 = arith.maximumf %max3A_58, %min3A_64 : vector<16xf32>
      %min3A_66 = arith.minimumf %max3A_58, %min3A_64 : vector<16xf32>
      %max3A_67 = arith.maximumf %max3A_60, %min3A_66 : vector<16xf32>
      %min3A_68 = arith.minimumf %max3A_60, %min3A_66 : vector<16xf32>
      %max3A_69 = arith.maximumf %max3A_62, %min3A_68 : vector<16xf32>
      %max3A_70 = arith.maximumf %max3A_63, %scan3A_25#8 : vector<16xf32>
      %min3A_71 = arith.minimumf %max3A_63, %scan3A_25#8 : vector<16xf32>
      %max3A_72 = arith.maximumf %max3A_65, %min3A_71 : vector<16xf32>
      %min3A_73 = arith.minimumf %max3A_65, %min3A_71 : vector<16xf32>
      %max3A_74 = arith.maximumf %max3A_67, %min3A_73 : vector<16xf32>
      %min3A_75 = arith.minimumf %max3A_67, %min3A_73 : vector<16xf32>
      %max3A_76 = arith.maximumf %max3A_69, %min3A_75 : vector<16xf32>
      %max3A_77 = arith.maximumf %max3A_70, %scan3A_25#9 : vector<16xf32>
      %min3A_78 = arith.minimumf %max3A_70, %scan3A_25#9 : vector<16xf32>
      %max3A_79 = arith.maximumf %max3A_72, %min3A_78 : vector<16xf32>
      %min3A_80 = arith.minimumf %max3A_72, %min3A_78 : vector<16xf32>
      %max3A_81 = arith.maximumf %max3A_74, %min3A_80 : vector<16xf32>
      %min3A_82 = arith.minimumf %max3A_74, %min3A_80 : vector<16xf32>
      %max3A_83 = arith.maximumf %max3A_76, %min3A_82 : vector<16xf32>
      %max3A_84 = arith.maximumf %max3A_77, %scan3A_25#10 : vector<16xf32>
      %min3A_85 = arith.minimumf %max3A_77, %scan3A_25#10 : vector<16xf32>
      %max3A_86 = arith.maximumf %max3A_79, %min3A_85 : vector<16xf32>
      %min3A_87 = arith.minimumf %max3A_79, %min3A_85 : vector<16xf32>
      %max3A_88 = arith.maximumf %max3A_81, %min3A_87 : vector<16xf32>
      %min3A_89 = arith.minimumf %max3A_81, %min3A_87 : vector<16xf32>
      %max3A_90 = arith.maximumf %max3A_83, %min3A_89 : vector<16xf32>
      %max3A_91 = arith.maximumf %max3A_84, %scan3A_25#11 : vector<16xf32>
      %min3A_92 = arith.minimumf %max3A_84, %scan3A_25#11 : vector<16xf32>
      %max3A_93 = arith.maximumf %max3A_86, %min3A_92 : vector<16xf32>
      %min3A_94 = arith.minimumf %max3A_86, %min3A_92 : vector<16xf32>
      %max3A_95 = arith.maximumf %max3A_88, %min3A_94 : vector<16xf32>
      %min3A_96 = arith.minimumf %max3A_88, %min3A_94 : vector<16xf32>
      %max3A_97 = arith.maximumf %max3A_90, %min3A_96 : vector<16xf32>
      %max3A_98 = arith.maximumf %max3A_91, %scan3A_25#12 : vector<16xf32>
      %min3A_99 = arith.minimumf %max3A_91, %scan3A_25#12 : vector<16xf32>
      %max3A_100 = arith.maximumf %max3A_93, %min3A_99 : vector<16xf32>
      %min3A_101 = arith.minimumf %max3A_93, %min3A_99 : vector<16xf32>
      %max3A_102 = arith.maximumf %max3A_95, %min3A_101 : vector<16xf32>
      %min3A_103 = arith.minimumf %max3A_95, %min3A_101 : vector<16xf32>
      %max3A_104 = arith.maximumf %max3A_97, %min3A_103 : vector<16xf32>
      %max3A_105 = arith.maximumf %max3A_98, %scan3A_25#13 : vector<16xf32>
      %min3A_106 = arith.minimumf %max3A_98, %scan3A_25#13 : vector<16xf32>
      %max3A_107 = arith.maximumf %max3A_100, %min3A_106 : vector<16xf32>
      %min3A_108 = arith.minimumf %max3A_100, %min3A_106 : vector<16xf32>
      %max3A_109 = arith.maximumf %max3A_102, %min3A_108 : vector<16xf32>
      %min3A_110 = arith.minimumf %max3A_102, %min3A_108 : vector<16xf32>
      %max3A_111 = arith.maximumf %max3A_104, %min3A_110 : vector<16xf32>
      %max3A_112 = arith.maximumf %max3A_105, %scan3A_25#14 : vector<16xf32>
      %min3A_113 = arith.minimumf %max3A_105, %scan3A_25#14 : vector<16xf32>
      %max3A_114 = arith.maximumf %max3A_107, %min3A_113 : vector<16xf32>
      %min3A_115 = arith.minimumf %max3A_107, %min3A_113 : vector<16xf32>
      %max3A_116 = arith.maximumf %max3A_109, %min3A_115 : vector<16xf32>
      %min3A_117 = arith.minimumf %max3A_109, %min3A_115 : vector<16xf32>
      %max3A_118 = arith.maximumf %max3A_111, %min3A_117 : vector<16xf32>
      %max3A_119 = arith.maximumf %max3A_112, %scan3A_25#15 : vector<16xf32>
      %min3A_120 = arith.minimumf %max3A_112, %scan3A_25#15 : vector<16xf32>
      %max3A_121 = arith.maximumf %max3A_114, %min3A_120 : vector<16xf32>
      %min3A_122 = arith.minimumf %max3A_114, %min3A_120 : vector<16xf32>
      %max3A_123 = arith.maximumf %max3A_116, %min3A_122 : vector<16xf32>
      %min3A_124 = arith.minimumf %max3A_116, %min3A_122 : vector<16xf32>
      %max3A_125 = arith.maximumf %max3A_118, %min3A_124 : vector<16xf32>
      %scan3A_126 = arith.constant 0 : i32
      %scan3A_127 = arith.constant 49 : i32
      %scan3A_128 = arith.addi %scan3A_126, %scan3A_127 : i32
      %scan3A_129 = arith.constant 1 : i32
      %scan3A_130:4 = scf.for %scan3A_1199 = %scan3A_126 to %scan3A_128 step %scan3A_129 iter_args(%scan3A_1200 = %max3A_119, %scan3A_1201 = %max3A_121, %scan3A_1202 = %max3A_123, %scan3A_1203 = %max3A_125) -> (vector<16xf32>, vector<16xf32>, vector<16xf32>, vector<16xf32>)  : i32 {
        %max3A_1204 = arith.maximumf %scan3A_1200, %scan3A_1201 : vector<16xf32>
        %max3A_1205 = arith.maximumf %scan3A_1202, %scan3A_1203 : vector<16xf32>
        %max3A_1206 = arith.maximumf %max3A_1204, %max3A_1205 : vector<16xf32>
        %reduce_max3A_1207 = arith.constant true
        %reduce_max3A_1208 = vector.broadcast %reduce_max3A_1207 : i1 to vector<16xi1>
        %reduce_max3A_1209 = tpu.scan <max>, %max3A_1206 masked %reduce_max3A_1208 : vector<16xf32>, vector<16xi1> -> vector<16xf32>
        %reduce_max3A_1210 = vector.extract %reduce_max3A_1209[15] : f32 from vector<16xf32>
        %eq3A_1211 = vector.broadcast %reduce_max3A_1210 : f32 to vector<16xf32>
        %eq3A_1212 = arith.cmpf oeq, %scan3A_1200, %eq3A_1211 : vector<16xf32>
        %jit3A_1213 = arith.constant -3.000000e+38 : f32
        %broadcast_in_dim3A_1214 = vector.broadcast %jit3A_1213 : f32 to vector<16xf32>
        %select_n3A_1215 = arith.select %eq3A_1212, %broadcast_in_dim3A_1214, %scan3A_1200 : vector<16xi1>, vector<16xf32>
        %eq3A_1216 = vector.broadcast %reduce_max3A_1210 : f32 to vector<16xf32>
        %eq3A_1217 = arith.cmpf oeq, %scan3A_1201, %eq3A_1216 : vector<16xf32>
        %jit3A_1218 = arith.constant -3.000000e+38 : f32
        %broadcast_in_dim3A_1219 = vector.broadcast %jit3A_1218 : f32 to vector<16xf32>
        %select_n3A_1220 = arith.select %eq3A_1217, %broadcast_in_dim3A_1219, %scan3A_1201 : vector<16xi1>, vector<16xf32>
        %eq3A_1221 = vector.broadcast %reduce_max3A_1210 : f32 to vector<16xf32>
        %eq3A_1222 = arith.cmpf oeq, %scan3A_1202, %eq3A_1221 : vector<16xf32>
        %jit3A_1223 = arith.constant -3.000000e+38 : f32
        %broadcast_in_dim3A_1224 = vector.broadcast %jit3A_1223 : f32 to vector<16xf32>
        %select_n3A_1225 = arith.select %eq3A_1222, %broadcast_in_dim3A_1224, %scan3A_1202 : vector<16xi1>, vector<16xf32>
        %eq3A_1226 = vector.broadcast %reduce_max3A_1210 : f32 to vector<16xf32>
        %eq3A_1227 = arith.cmpf oeq, %scan3A_1203, %eq3A_1226 : vector<16xf32>
        %jit3A_1228 = arith.constant -3.000000e+38 : f32
        %broadcast_in_dim3A_1229 = vector.broadcast %jit3A_1228 : f32 to vector<16xf32>
        %select_n3A_1230 = arith.select %eq3A_1227, %broadcast_in_dim3A_1229, %scan3A_1203 : vector<16xi1>, vector<16xf32>
        scf.yield %select_n3A_1215, %select_n3A_1220, %select_n3A_1225, %select_n3A_1230 : vector<16xf32>, vector<16xf32>, vector<16xf32>, vector<16xf32>
      }
      %scan3A_131 = arith.constant 49 : i32
      %max3A_132 = arith.maximumf %scan3A_130#0, %scan3A_130#1 : vector<16xf32>
      %max3A_133 = arith.maximumf %scan3A_130#2, %scan3A_130#3 : vector<16xf32>
      %max3A_134 = arith.maximumf %max3A_132, %max3A_133 : vector<16xf32>
      %reduce_max3A = arith.constant true
      %reduce_max3A_135 = vector.broadcast %reduce_max3A : i1 to vector<16xi1>
      %reduce_max3A_136 = tpu.scan <max>, %max3A_134 masked %reduce_max3A_135 : vector<16xf32>, vector<16xi1> -> vector<16xf32>
      %reduce_max3A_137 = vector.extract %reduce_max3A_136[15] : f32 from vector<16xf32>
      %broadcast_in_dim3A_138 = arith.constant 0 : i32
      %broadcast_in_dim3A_139 = vector.broadcast %broadcast_in_dim3A_138 : i32 to vector<16xi32>
      %scan3A_140 = arith.constant 0 : i32
      %scan3A_141 = arith.constant 6248 : i32
      %scan3A_142 = arith.addi %scan3A_140, %scan3A_141 : i32
      %scan3A_143 = arith.constant 8 : i32
      %scan3A_144 = scf.for %scan3A_1199 = %scan3A_140 to %scan3A_142 step %scan3A_143 iter_args(%scan3A_1200 = %broadcast_in_dim3A_139) -> (vector<16xi32>)  : i32 {
        %mul3A_1201 = arith.constant 16 : i32
        %mul3A_1202 = arith.muli %scan3A_1199, %mul3A_1201 : i32
        %multiple_of3A_1203 = tpu.assume_multiple %mul3A_1202, 16 : i32
        %get3A_1204 = arith.index_cast %multiple_of3A_1203 : i32 to index
        %get3A_1205 = tpu.vector_load %arg8[%get3A_1204] {strides = array<i32>} : memref<100000xf32, #tpu.memory_space<vmem>>, vector<16xf32>,
        %ge3A_1206 = vector.broadcast %reduce_max3A_137 : f32 to vector<16xf32>
        %ge3A_1207 = arith.cmpf oge, %get3A_1205, %ge3A_1206 : vector<16xf32>
        %jit3A_1208 = arith.constant 1 : i32
        %jit3A_1209 = arith.constant 0 : i32
        %broadcast_in_dim3A_1210 = vector.broadcast %jit3A_1208 : i32 to vector<16xi32>
        %broadcast_in_dim3A_1211 = vector.broadcast %jit3A_1209 : i32 to vector<16xi32>
        %select_n3A_1212 = arith.select %ge3A_1207, %broadcast_in_dim3A_1210, %broadcast_in_dim3A_1211 : vector<16xi1>, vector<16xi32>
        %cumsum3A_1213 = arith.constant true
        %cumsum3A_1214 = vector.broadcast %cumsum3A_1213 : i1 to vector<16xi1>
        %cumsum3A_1215 = tpu.scan <sum>, %select_n3A_1212 masked %cumsum3A_1214 : vector<16xi32>, vector<16xi1> -> vector<16xi32>
        %sub3A_1216 = arith.constant 1 : i32
        %sub3A_1217 = vector.broadcast %sub3A_1216 : i32 to vector<16xi32>
        %sub3A_1218 = arith.subi %cumsum3A_1215, %sub3A_1217 : vector<16xi32>
        %add3A_1219 = arith.addi %scan3A_1200, %sub3A_1218 : vector<16xi32>
        %min3A_1220 = arith.constant 2047 : i32
        %min3A_1221 = vector.broadcast %min3A_1220 : i32 to vector<16xi32>
        %min3A_1222 = arith.minsi %add3A_1219, %min3A_1221 : vector<16xi32>
        %mul3A_1223 = arith.constant 16 : i32
        %mul3A_1224 = arith.muli %scan3A_1199, %mul3A_1223 : i32
        %add3A_1225 = vector.broadcast %mul3A_1224 : i32 to vector<16xi32>
        %add3A_1226 = arith.addi %iota3A, %add3A_1225 : vector<16xi32>
        tpu.vector_store_idx %arg9[%min3A_1222], %add3A_1226 masked %ge3A_1207 : memref<2048xi32, #tpu.memory_space<vmem>>[vector<16xi32>], vector<16xi32>, vector<16xi1>
        %all_reduce_population_count3A_1227 = tpu.all_reduce %ge3A_1207 {dim = 0 : i64, kind = #tpu.reduction_kind<sum>} : vector<16xi1> -> vector<16xi32>
        %add3A_1228 = arith.addi %scan3A_1200, %all_reduce_population_count3A_1227 : vector<16xi32>
        %min3A_1229 = arith.constant 2032 : i32
        %min3A_1230 = vector.broadcast %min3A_1229 : i32 to vector<16xi32>
        %min3A_1231 = arith.minsi %add3A_1228, %min3A_1230 : vector<16xi32>
        %scan3A_1232 = arith.constant 1 : i32
        %scan3A_1233 = arith.addi %scan3A_1199, %scan3A_1232 : i32
        %mul3A_1234 = arith.constant 16 : i32
        %mul3A_1235 = arith.muli %scan3A_1233, %mul3A_1234 : i32
        %multiple_of3A_1236 = tpu.assume_multiple %mul3A_1235, 16 : i32
        %get3A_1237 = arith.index_cast %multiple_of3A_1236 : i32 to index
        %get3A_1238 = tpu.vector_load %arg8[%get3A_1237] {strides = array<i32>} : memref<100000xf32, #tpu.memory_space<vmem>>, vector<16xf32>,
        %ge3A_1239 = vector.broadcast %reduce_max3A_137 : f32 to vector<16xf32>
        %ge3A_1240 = arith.cmpf oge, %get3A_1238, %ge3A_1239 : vector<16xf32>
        %jit3A_1241 = arith.constant 1 : i32
        %jit3A_1242 = arith.constant 0 : i32
        %broadcast_in_dim3A_1243 = vector.broadcast %jit3A_1241 : i32 to vector<16xi32>
        %broadcast_in_dim3A_1244 = vector.broadcast %jit3A_1242 : i32 to vector<16xi32>
        %select_n3A_1245 = arith.select %ge3A_1240, %broadcast_in_dim3A_1243, %broadcast_in_dim3A_1244 : vector<16xi1>, vector<16xi32>
        %cumsum3A_1246 = arith.constant true
        %cumsum3A_1247 = vector.broadcast %cumsum3A_1246 : i1 to vector<16xi1>
        %cumsum3A_1248 = tpu.scan <sum>, %select_n3A_1245 masked %cumsum3A_1247 : vector<16xi32>, vector<16xi1> -> vector<16xi32>
        %sub3A_1249 = arith.constant 1 : i32
        %sub3A_1250 = vector.broadcast %sub3A_1249 : i32 to vector<16xi32>
        %sub3A_1251 = arith.subi %cumsum3A_1248, %sub3A_1250 : vector<16xi32>
        %add3A_1252 = arith.addi %min3A_1231, %sub3A_1251 : vector<16xi32>
        %min3A_1253 = arith.constant 2047 : i32
        %min3A_1254 = vector.broadcast %min3A_1253 : i32 to vector<16xi32>
        %min3A_1255 = arith.minsi %add3A_1252, %min3A_1254 : vector<16xi32>
        %mul3A_1256 = arith.constant 16 : i32
        %mul3A_1257 = arith.muli %scan3A_1233, %mul3A_1256 : i32
        %add3A_1258 = vector.broadcast %mul3A_1257 : i32 to vector<16xi32>
        %add3A_1259 = arith.addi %iota3A, %add3A_1258 : vector<16xi32>
        tpu.vector_store_idx %arg9[%min3A_1255], %add3A_1259 masked %ge3A_1240 : memref<2048xi32, #tpu.memory_space<vmem>>[vector<16xi32>], vector<16xi32>, vector<16xi1>
        %all_reduce_population_count3A_1260 = tpu.all_reduce %ge3A_1240 {dim = 0 : i64, kind = #tpu.reduction_kind<sum>} : vector<16xi1> -> vector<16xi32>
        %add3A_1261 = arith.addi %min3A_1231, %all_reduce_population_count3A_1260 : vector<16xi32>
        %min3A_1262 = arith.constant 2032 : i32
        %min3A_1263 = vector.broadcast %min3A_1262 : i32 to vector<16xi32>
        %min3A_1264 = arith.minsi %add3A_1261, %min3A_1263 : vector<16xi32>
        %scan3A_1265 = arith.constant 2 : i32
        %scan3A_1266 = arith.addi %scan3A_1199, %scan3A_1265 : i32
        %mul3A_1267 = arith.constant 16 : i32
        %mul3A_1268 = arith.muli %scan3A_1266, %mul3A_1267 : i32
        %multiple_of3A_1269 = tpu.assume_multiple %mul3A_1268, 16 : i32
        %get3A_1270 = arith.index_cast %multiple_of3A_1269 : i32 to index
        %get3A_1271 = tpu.vector_load %arg8[%get3A_1270] {strides = array<i32>} : memref<100000xf32, #tpu.memory_space<vmem>>, vector<16xf32>,
        %ge3A_1272 = vector.broadcast %reduce_max3A_137 : f32 to vector<16xf32>
        %ge3A_1273 = arith.cmpf oge, %get3A_1271, %ge3A_1272 : vector<16xf32>
        %jit3A_1274 = arith.constant 1 : i32
        %jit3A_1275 = arith.constant 0 : i32
        %broadcast_in_dim3A_1276 = vector.broadcast %jit3A_1274 : i32 to vector<16xi32>
        %broadcast_in_dim3A_1277 = vector.broadcast %jit3A_1275 : i32 to vector<16xi32>
        %select_n3A_1278 = arith.select %ge3A_1273, %broadcast_in_dim3A_1276, %broadcast_in_dim3A_1277 : vector<16xi1>, vector<16xi32>
        %cumsum3A_1279 = arith.constant true
        %cumsum3A_1280 = vector.broadcast %cumsum3A_1279 : i1 to vector<16xi1>
        %cumsum3A_1281 = tpu.scan <sum>, %select_n3A_1278 masked %cumsum3A_1280 : vector<16xi32>, vector<16xi1> -> vector<16xi32>
        %sub3A_1282 = arith.constant 1 : i32
        %sub3A_1283 = vector.broadcast %sub3A_1282 : i32 to vector<16xi32>
        %sub3A_1284 = arith.subi %cumsum3A_1281, %sub3A_1283 : vector<16xi32>
        %add3A_1285 = arith.addi %min3A_1264, %sub3A_1284 : vector<16xi32>
        %min3A_1286 = arith.constant 2047 : i32
        %min3A_1287 = vector.broadcast %min3A_1286 : i32 to vector<16xi32>
        %min3A_1288 = arith.minsi %add3A_1285, %min3A_1287 : vector<16xi32>
        %mul3A_1289 = arith.constant 16 : i32
        %mul3A_1290 = arith.muli %scan3A_1266, %mul3A_1289 : i32
        %add3A_1291 = vector.broadcast %mul3A_1290 : i32 to vector<16xi32>
        %add3A_1292 = arith.addi %iota3A, %add3A_1291 : vector<16xi32>
        tpu.vector_store_idx %arg9[%min3A_1288], %add3A_1292 masked %ge3A_1273 : memref<2048xi32, #tpu.memory_space<vmem>>[vector<16xi32>], vector<16xi32>, vector<16xi1>
        %all_reduce_population_count3A_1293 = tpu.all_reduce %ge3A_1273 {dim = 0 : i64, kind = #tpu.reduction_kind<sum>} : vector<16xi1> -> vector<16xi32>
        %add3A_1294 = arith.addi %min3A_1264, %all_reduce_population_count3A_1293 : vector<16xi32>
        %min3A_1295 = arith.constant 2032 : i32
        %min3A_1296 = vector.broadcast %min3A_1295 : i32 to vector<16xi32>
        %min3A_1297 = arith.minsi %add3A_1294, %min3A_1296 : vector<16xi32>
        %scan3A_1298 = arith.constant 3 : i32
        %scan3A_1299 = arith.addi %scan3A_1199, %scan3A_1298 : i32
        %mul3A_1300 = arith.constant 16 : i32
        %mul3A_1301 = arith.muli %scan3A_1299, %mul3A_1300 : i32
        %multiple_of3A_1302 = tpu.assume_multiple %mul3A_1301, 16 : i32
        %get3A_1303 = arith.index_cast %multiple_of3A_1302 : i32 to index
        %get3A_1304 = tpu.vector_load %arg8[%get3A_1303] {strides = array<i32>} : memref<100000xf32, #tpu.memory_space<vmem>>, vector<16xf32>,
        %ge3A_1305 = vector.broadcast %reduce_max3A_137 : f32 to vector<16xf32>
        %ge3A_1306 = arith.cmpf oge, %get3A_1304, %ge3A_1305 : vector<16xf32>
        %jit3A_1307 = arith.constant 1 : i32
        %jit3A_1308 = arith.constant 0 : i32
        %broadcast_in_dim3A_1309 = vector.broadcast %jit3A_1307 : i32 to vector<16xi32>
        %broadcast_in_dim3A_1310 = vector.broadcast %jit3A_1308 : i32 to vector<16xi32>
        %select_n3A_1311 = arith.select %ge3A_1306, %broadcast_in_dim3A_1309, %broadcast_in_dim3A_1310 : vector<16xi1>, vector<16xi32>
        %cumsum3A_1312 = arith.constant true
        %cumsum3A_1313 = vector.broadcast %cumsum3A_1312 : i1 to vector<16xi1>
        %cumsum3A_1314 = tpu.scan <sum>, %select_n3A_1311 masked %cumsum3A_1313 : vector<16xi32>, vector<16xi1> -> vector<16xi32>
        %sub3A_1315 = arith.constant 1 : i32
        %sub3A_1316 = vector.broadcast %sub3A_1315 : i32 to vector<16xi32>
        %sub3A_1317 = arith.subi %cumsum3A_1314, %sub3A_1316 : vector<16xi32>
        %add3A_1318 = arith.addi %min3A_1297, %sub3A_1317 : vector<16xi32>
        %min3A_1319 = arith.constant 2047 : i32
        %min3A_1320 = vector.broadcast %min3A_1319 : i32 to vector<16xi32>
        %min3A_1321 = arith.minsi %add3A_1318, %min3A_1320 : vector<16xi32>
        %mul3A_1322 = arith.constant 16 : i32
        %mul3A_1323 = arith.muli %scan3A_1299, %mul3A_1322 : i32
        %add3A_1324 = vector.broadcast %mul3A_1323 : i32 to vector<16xi32>
        %add3A_1325 = arith.addi %iota3A, %add3A_1324 : vector<16xi32>
        tpu.vector_store_idx %arg9[%min3A_1321], %add3A_1325 masked %ge3A_1306 : memref<2048xi32, #tpu.memory_space<vmem>>[vector<16xi32>], vector<16xi32>, vector<16xi1>
        %all_reduce_population_count3A_1326 = tpu.all_reduce %ge3A_1306 {dim = 0 : i64, kind = #tpu.reduction_kind<sum>} : vector<16xi1> -> vector<16xi32>
        %add3A_1327 = arith.addi %min3A_1297, %all_reduce_population_count3A_1326 : vector<16xi32>
        %min3A_1328 = arith.constant 2032 : i32
        %min3A_1329 = vector.broadcast %min3A_1328 : i32 to vector<16xi32>
        %min3A_1330 = arith.minsi %add3A_1327, %min3A_1329 : vector<16xi32>
        %scan3A_1331 = arith.constant 4 : i32
        %scan3A_1332 = arith.addi %scan3A_1199, %scan3A_1331 : i32
        %mul3A_1333 = arith.constant 16 : i32
        %mul3A_1334 = arith.muli %scan3A_1332, %mul3A_1333 : i32
        %multiple_of3A_1335 = tpu.assume_multiple %mul3A_1334, 16 : i32
        %get3A_1336 = arith.index_cast %multiple_of3A_1335 : i32 to index
        %get3A_1337 = tpu.vector_load %arg8[%get3A_1336] {strides = array<i32>} : memref<100000xf32, #tpu.memory_space<vmem>>, vector<16xf32>,
        %ge3A_1338 = vector.broadcast %reduce_max3A_137 : f32 to vector<16xf32>
        %ge3A_1339 = arith.cmpf oge, %get3A_1337, %ge3A_1338 : vector<16xf32>
        %jit3A_1340 = arith.constant 1 : i32
        %jit3A_1341 = arith.constant 0 : i32
        %broadcast_in_dim3A_1342 = vector.broadcast %jit3A_1340 : i32 to vector<16xi32>
        %broadcast_in_dim3A_1343 = vector.broadcast %jit3A_1341 : i32 to vector<16xi32>
        %select_n3A_1344 = arith.select %ge3A_1339, %broadcast_in_dim3A_1342, %broadcast_in_dim3A_1343 : vector<16xi1>, vector<16xi32>
        %cumsum3A_1345 = arith.constant true
        %cumsum3A_1346 = vector.broadcast %cumsum3A_1345 : i1 to vector<16xi1>
        %cumsum3A_1347 = tpu.scan <sum>, %select_n3A_1344 masked %cumsum3A_1346 : vector<16xi32>, vector<16xi1> -> vector<16xi32>
        %sub3A_1348 = arith.constant 1 : i32
        %sub3A_1349 = vector.broadcast %sub3A_1348 : i32 to vector<16xi32>
        %sub3A_1350 = arith.subi %cumsum3A_1347, %sub3A_1349 : vector<16xi32>
        %add3A_1351 = arith.addi %min3A_1330, %sub3A_1350 : vector<16xi32>
        %min3A_1352 = arith.constant 2047 : i32
        %min3A_1353 = vector.broadcast %min3A_1352 : i32 to vector<16xi32>
        %min3A_1354 = arith.minsi %add3A_1351, %min3A_1353 : vector<16xi32>
        %mul3A_1355 = arith.constant 16 : i32
        %mul3A_1356 = arith.muli %scan3A_1332, %mul3A_1355 : i32
        %add3A_1357 = vector.broadcast %mul3A_1356 : i32 to vector<16xi32>
        %add3A_1358 = arith.addi %iota3A, %add3A_1357 : vector<16xi32>
        tpu.vector_store_idx %arg9[%min3A_1354], %add3A_1358 masked %ge3A_1339 : memref<2048xi32, #tpu.memory_space<vmem>>[vector<16xi32>], vector<16xi32>, vector<16xi1>
        %all_reduce_population_count3A_1359 = tpu.all_reduce %ge3A_1339 {dim = 0 : i64, kind = #tpu.reduction_kind<sum>} : vector<16xi1> -> vector<16xi32>
        %add3A_1360 = arith.addi %min3A_1330, %all_reduce_population_count3A_1359 : vector<16xi32>
        %min3A_1361 = arith.constant 2032 : i32
        %min3A_1362 = vector.broadcast %min3A_1361 : i32 to vector<16xi32>
        %min3A_1363 = arith.minsi %add3A_1360, %min3A_1362 : vector<16xi32>
        %scan3A_1364 = arith.constant 5 : i32
        %scan3A_1365 = arith.addi %scan3A_1199, %scan3A_1364 : i32
        %mul3A_1366 = arith.constant 16 : i32
        %mul3A_1367 = arith.muli %scan3A_1365, %mul3A_1366 : i32
        %multiple_of3A_1368 = tpu.assume_multiple %mul3A_1367, 16 : i32
        %get3A_1369 = arith.index_cast %multiple_of3A_1368 : i32 to index
        %get3A_1370 = tpu.vector_load %arg8[%get3A_1369] {strides = array<i32>} : memref<100000xf32, #tpu.memory_space<vmem>>, vector<16xf32>,
        %ge3A_1371 = vector.broadcast %reduce_max3A_137 : f32 to vector<16xf32>
        %ge3A_1372 = arith.cmpf oge, %get3A_1370, %ge3A_1371 : vector<16xf32>
        %jit3A_1373 = arith.constant 1 : i32
        %jit3A_1374 = arith.constant 0 : i32
        %broadcast_in_dim3A_1375 = vector.broadcast %jit3A_1373 : i32 to vector<16xi32>
        %broadcast_in_dim3A_1376 = vector.broadcast %jit3A_1374 : i32 to vector<16xi32>
        %select_n3A_1377 = arith.select %ge3A_1372, %broadcast_in_dim3A_1375, %broadcast_in_dim3A_1376 : vector<16xi1>, vector<16xi32>
        %cumsum3A_1378 = arith.constant true
        %cumsum3A_1379 = vector.broadcast %cumsum3A_1378 : i1 to vector<16xi1>
        %cumsum3A_1380 = tpu.scan <sum>, %select_n3A_1377 masked %cumsum3A_1379 : vector<16xi32>, vector<16xi1> -> vector<16xi32>
        %sub3A_1381 = arith.constant 1 : i32
        %sub3A_1382 = vector.broadcast %sub3A_1381 : i32 to vector<16xi32>
        %sub3A_1383 = arith.subi %cumsum3A_1380, %sub3A_1382 : vector<16xi32>
        %add3A_1384 = arith.addi %min3A_1363, %sub3A_1383 : vector<16xi32>
        %min3A_1385 = arith.constant 2047 : i32
        %min3A_1386 = vector.broadcast %min3A_1385 : i32 to vector<16xi32>
        %min3A_1387 = arith.minsi %add3A_1384, %min3A_1386 : vector<16xi32>
        %mul3A_1388 = arith.constant 16 : i32
        %mul3A_1389 = arith.muli %scan3A_1365, %mul3A_1388 : i32
        %add3A_1390 = vector.broadcast %mul3A_1389 : i32 to vector<16xi32>
        %add3A_1391 = arith.addi %iota3A, %add3A_1390 : vector<16xi32>
        tpu.vector_store_idx %arg9[%min3A_1387], %add3A_1391 masked %ge3A_1372 : memref<2048xi32, #tpu.memory_space<vmem>>[vector<16xi32>], vector<16xi32>, vector<16xi1>
        %all_reduce_population_count3A_1392 = tpu.all_reduce %ge3A_1372 {dim = 0 : i64, kind = #tpu.reduction_kind<sum>} : vector<16xi1> -> vector<16xi32>
        %add3A_1393 = arith.addi %min3A_1363, %all_reduce_population_count3A_1392 : vector<16xi32>
        %min3A_1394 = arith.constant 2032 : i32
        %min3A_1395 = vector.broadcast %min3A_1394 : i32 to vector<16xi32>
        %min3A_1396 = arith.minsi %add3A_1393, %min3A_1395 : vector<16xi32>
        %scan3A_1397 = arith.constant 6 : i32
        %scan3A_1398 = arith.addi %scan3A_1199, %scan3A_1397 : i32
        %mul3A_1399 = arith.constant 16 : i32
        %mul3A_1400 = arith.muli %scan3A_1398, %mul3A_1399 : i32
        %multiple_of3A_1401 = tpu.assume_multiple %mul3A_1400, 16 : i32
        %get3A_1402 = arith.index_cast %multiple_of3A_1401 : i32 to index
        %get3A_1403 = tpu.vector_load %arg8[%get3A_1402] {strides = array<i32>} : memref<100000xf32, #tpu.memory_space<vmem>>, vector<16xf32>,
        %ge3A_1404 = vector.broadcast %reduce_max3A_137 : f32 to vector<16xf32>
        %ge3A_1405 = arith.cmpf oge, %get3A_1403, %ge3A_1404 : vector<16xf32>
        %jit3A_1406 = arith.constant 1 : i32
        %jit3A_1407 = arith.constant 0 : i32
        %broadcast_in_dim3A_1408 = vector.broadcast %jit3A_1406 : i32 to vector<16xi32>
        %broadcast_in_dim3A_1409 = vector.broadcast %jit3A_1407 : i32 to vector<16xi32>
        %select_n3A_1410 = arith.select %ge3A_1405, %broadcast_in_dim3A_1408, %broadcast_in_dim3A_1409 : vector<16xi1>, vector<16xi32>
        %cumsum3A_1411 = arith.constant true
        %cumsum3A_1412 = vector.broadcast %cumsum3A_1411 : i1 to vector<16xi1>
        %cumsum3A_1413 = tpu.scan <sum>, %select_n3A_1410 masked %cumsum3A_1412 : vector<16xi32>, vector<16xi1> -> vector<16xi32>
        %sub3A_1414 = arith.constant 1 : i32
        %sub3A_1415 = vector.broadcast %sub3A_1414 : i32 to vector<16xi32>
        %sub3A_1416 = arith.subi %cumsum3A_1413, %sub3A_1415 : vector<16xi32>
        %add3A_1417 = arith.addi %min3A_1396, %sub3A_1416 : vector<16xi32>
        %min3A_1418 = arith.constant 2047 : i32
        %min3A_1419 = vector.broadcast %min3A_1418 : i32 to vector<16xi32>
        %min3A_1420 = arith.minsi %add3A_1417, %min3A_1419 : vector<16xi32>
        %mul3A_1421 = arith.constant 16 : i32
        %mul3A_1422 = arith.muli %scan3A_1398, %mul3A_1421 : i32
        %add3A_1423 = vector.broadcast %mul3A_1422 : i32 to vector<16xi32>
        %add3A_1424 = arith.addi %iota3A, %add3A_1423 : vector<16xi32>
        tpu.vector_store_idx %arg9[%min3A_1420], %add3A_1424 masked %ge3A_1405 : memref<2048xi32, #tpu.memory_space<vmem>>[vector<16xi32>], vector<16xi32>, vector<16xi1>
        %all_reduce_population_count3A_1425 = tpu.all_reduce %ge3A_1405 {dim = 0 : i64, kind = #tpu.reduction_kind<sum>} : vector<16xi1> -> vector<16xi32>
        %add3A_1426 = arith.addi %min3A_1396, %all_reduce_population_count3A_1425 : vector<16xi32>
        %min3A_1427 = arith.constant 2032 : i32
        %min3A_1428 = vector.broadcast %min3A_1427 : i32 to vector<16xi32>
        %min3A_1429 = arith.minsi %add3A_1426, %min3A_1428 : vector<16xi32>
        %scan3A_1430 = arith.constant 7 : i32
        %scan3A_1431 = arith.addi %scan3A_1199, %scan3A_1430 : i32
        %mul3A_1432 = arith.constant 16 : i32
        %mul3A_1433 = arith.muli %scan3A_1431, %mul3A_1432 : i32
        %multiple_of3A_1434 = tpu.assume_multiple %mul3A_1433, 16 : i32
        %get3A_1435 = arith.index_cast %multiple_of3A_1434 : i32 to index
        %get3A_1436 = tpu.vector_load %arg8[%get3A_1435] {strides = array<i32>} : memref<100000xf32, #tpu.memory_space<vmem>>, vector<16xf32>,
        %ge3A_1437 = vector.broadcast %reduce_max3A_137 : f32 to vector<16xf32>
        %ge3A_1438 = arith.cmpf oge, %get3A_1436, %ge3A_1437 : vector<16xf32>
        %jit3A_1439 = arith.constant 1 : i32
        %jit3A_1440 = arith.constant 0 : i32
        %broadcast_in_dim3A_1441 = vector.broadcast %jit3A_1439 : i32 to vector<16xi32>
        %broadcast_in_dim3A_1442 = vector.broadcast %jit3A_1440 : i32 to vector<16xi32>
        %select_n3A_1443 = arith.select %ge3A_1438, %broadcast_in_dim3A_1441, %broadcast_in_dim3A_1442 : vector<16xi1>, vector<16xi32>
        %cumsum3A_1444 = arith.constant true
        %cumsum3A_1445 = vector.broadcast %cumsum3A_1444 : i1 to vector<16xi1>
        %cumsum3A_1446 = tpu.scan <sum>, %select_n3A_1443 masked %cumsum3A_1445 : vector<16xi32>, vector<16xi1> -> vector<16xi32>
        %sub3A_1447 = arith.constant 1 : i32
        %sub3A_1448 = vector.broadcast %sub3A_1447 : i32 to vector<16xi32>
        %sub3A_1449 = arith.subi %cumsum3A_1446, %sub3A_1448 : vector<16xi32>
        %add3A_1450 = arith.addi %min3A_1429, %sub3A_1449 : vector<16xi32>
        %min3A_1451 = arith.constant 2047 : i32
        %min3A_1452 = vector.broadcast %min3A_1451 : i32 to vector<16xi32>
        %min3A_1453 = arith.minsi %add3A_1450, %min3A_1452 : vector<16xi32>
        %mul3A_1454 = arith.constant 16 : i32
        %mul3A_1455 = arith.muli %scan3A_1431, %mul3A_1454 : i32
        %add3A_1456 = vector.broadcast %mul3A_1455 : i32 to vector<16xi32>
        %add3A_1457 = arith.addi %iota3A, %add3A_1456 : vector<16xi32>
        tpu.vector_store_idx %arg9[%min3A_1453], %add3A_1457 masked %ge3A_1438 : memref<2048xi32, #tpu.memory_space<vmem>>[vector<16xi32>], vector<16xi32>, vector<16xi1>
        %all_reduce_population_count3A_1458 = tpu.all_reduce %ge3A_1438 {dim = 0 : i64, kind = #tpu.reduction_kind<sum>} : vector<16xi1> -> vector<16xi32>
        %add3A_1459 = arith.addi %min3A_1429, %all_reduce_population_count3A_1458 : vector<16xi32>
        %min3A_1460 = arith.constant 2032 : i32
        %min3A_1461 = vector.broadcast %min3A_1460 : i32 to vector<16xi32>
        %min3A_1462 = arith.minsi %add3A_1459, %min3A_1461 : vector<16xi32>
        scf.yield %min3A_1462 : vector<16xi32>
      }
      %scan3A_145 = arith.constant 6248 : i32
      %scan3A_146 = arith.addi %scan3A_140, %scan3A_145 : i32
      %mul3A_147 = arith.constant 16 : i32
      %mul3A_148 = arith.muli %scan3A_146, %mul3A_147 : i32
      %multiple_of3A = tpu.assume_multiple %mul3A_148, 16 : i32
      %get3A_149 = arith.index_cast %multiple_of3A : i32 to index
      %get3A_150 = tpu.vector_load %arg8[%get3A_149] {strides = array<i32>} : memref<100000xf32, #tpu.memory_space<vmem>>, vector<16xf32>,
      %ge3A = vector.broadcast %reduce_max3A_137 : f32 to vector<16xf32>
      %ge3A_151 = arith.cmpf oge, %get3A_150, %ge3A : vector<16xf32>
      %jit3A = arith.constant 1 : i32
      %jit3A_152 = arith.constant 0 : i32
      %broadcast_in_dim3A_153 = vector.broadcast %jit3A : i32 to vector<16xi32>
      %broadcast_in_dim3A_154 = vector.broadcast %jit3A_152 : i32 to vector<16xi32>
      %select_n3A = arith.select %ge3A_151, %broadcast_in_dim3A_153, %broadcast_in_dim3A_154 : vector<16xi1>, vector<16xi32>
      %cumsum3A = arith.constant true
      %cumsum3A_155 = vector.broadcast %cumsum3A : i1 to vector<16xi1>
      %cumsum3A_156 = tpu.scan <sum>, %select_n3A masked %cumsum3A_155 : vector<16xi32>, vector<16xi1> -> vector<16xi32>
      %sub3A = arith.constant 1 : i32
      %sub3A_157 = vector.broadcast %sub3A : i32 to vector<16xi32>
      %sub3A_158 = arith.subi %cumsum3A_156, %sub3A_157 : vector<16xi32>
      %add3A_159 = arith.addi %scan3A_144, %sub3A_158 : vector<16xi32>
      %min3A_160 = arith.constant 2047 : i32
      %min3A_161 = vector.broadcast %min3A_160 : i32 to vector<16xi32>
      %min3A_162 = arith.minsi %add3A_159, %min3A_161 : vector<16xi32>
      %mul3A_163 = arith.constant 16 : i32
      %mul3A_164 = arith.muli %scan3A_146, %mul3A_163 : i32
      %add3A_165 = vector.broadcast %mul3A_164 : i32 to vector<16xi32>
      %add3A_166 = arith.addi %iota3A, %add3A_165 : vector<16xi32>
      tpu.vector_store_idx %arg9[%min3A_162], %add3A_166 masked %ge3A_151 : memref<2048xi32, #tpu.memory_space<vmem>>[vector<16xi32>], vector<16xi32>, vector<16xi1>
      %all_reduce_population_count3A = tpu.all_reduce %ge3A_151 {dim = 0 : i64, kind = #tpu.reduction_kind<sum>} : vector<16xi1> -> vector<16xi32>
      %add3A_167 = arith.addi %scan3A_144, %all_reduce_population_count3A : vector<16xi32>
      %min3A_168 = arith.constant 2032 : i32
      %min3A_169 = vector.broadcast %min3A_168 : i32 to vector<16xi32>
      %min3A_170 = arith.minsi %add3A_167, %min3A_169 : vector<16xi32>
      %scan3A_171 = arith.constant 6249 : i32
      %scan3A_172 = arith.addi %scan3A_140, %scan3A_171 : i32
      %mul3A_173 = arith.constant 16 : i32
      %mul3A_174 = arith.muli %scan3A_172, %mul3A_173 : i32
      %multiple_of3A_175 = tpu.assume_multiple %mul3A_174, 16 : i32
      %get3A_176 = arith.index_cast %multiple_of3A_175 : i32 to index
      %get3A_177 = tpu.vector_load %arg8[%get3A_176] {strides = array<i32>} : memref<100000xf32, #tpu.memory_space<vmem>>, vector<16xf32>,
      %ge3A_178 = vector.broadcast %reduce_max3A_137 : f32 to vector<16xf32>
      %ge3A_179 = arith.cmpf oge, %get3A_177, %ge3A_178 : vector<16xf32>
      %jit3A_180 = arith.constant 1 : i32
      %jit3A_181 = arith.constant 0 : i32
      %broadcast_in_dim3A_182 = vector.broadcast %jit3A_180 : i32 to vector<16xi32>
      %broadcast_in_dim3A_183 = vector.broadcast %jit3A_181 : i32 to vector<16xi32>
      %select_n3A_184 = arith.select %ge3A_179, %broadcast_in_dim3A_182, %broadcast_in_dim3A_183 : vector<16xi1>, vector<16xi32>
      %cumsum3A_185 = arith.constant true
      %cumsum3A_186 = vector.broadcast %cumsum3A_185 : i1 to vector<16xi1>
      %cumsum3A_187 = tpu.scan <sum>, %select_n3A_184 masked %cumsum3A_186 : vector<16xi32>, vector<16xi1> -> vector<16xi32>
      %sub3A_188 = arith.constant 1 : i32
      %sub3A_189 = vector.broadcast %sub3A_188 : i32 to vector<16xi32>
      %sub3A_190 = arith.subi %cumsum3A_187, %sub3A_189 : vector<16xi32>
      %add3A_191 = arith.addi %min3A_170, %sub3A_190 : vector<16xi32>
      %min3A_192 = arith.constant 2047 : i32
      %min3A_193 = vector.broadcast %min3A_192 : i32 to vector<16xi32>
      %min3A_194 = arith.minsi %add3A_191, %min3A_193 : vector<16xi32>
      %mul3A_195 = arith.constant 16 : i32
      %mul3A_196 = arith.muli %scan3A_172, %mul3A_195 : i32
      %add3A_197 = vector.broadcast %mul3A_196 : i32 to vector<16xi32>
      %add3A_198 = arith.addi %iota3A, %add3A_197 : vector<16xi32>
      tpu.vector_store_idx %arg9[%min3A_194], %add3A_198 masked %ge3A_179 : memref<2048xi32, #tpu.memory_space<vmem>>[vector<16xi32>], vector<16xi32>, vector<16xi1>
      %all_reduce_population_count3A_199 = tpu.all_reduce %ge3A_179 {dim = 0 : i64, kind = #tpu.reduction_kind<sum>} : vector<16xi1> -> vector<16xi32>
      %add3A_200 = arith.addi %min3A_170, %all_reduce_population_count3A_199 : vector<16xi32>
      %min3A_201 = arith.constant 2032 : i32
      %min3A_202 = vector.broadcast %min3A_201 : i32 to vector<16xi32>
      %min3A_203 = arith.minsi %add3A_200, %min3A_202 : vector<16xi32>
      %scan3A_204 = arith.constant 6250 : i32
      %slice3A = vector.extract_strided_slice %min3A_203 {offsets = [0], sizes = [1], strides = [1]} : vector<16xi32> to vector<1xi32>
      %squeeze3A = vector.extract %slice3A[0] : i32 from vector<1xi32>
      %add3A_205 = arith.constant 16 : i32
      %add3A_206 = arith.addi %squeeze3A, %add3A_205 : i32
      %sub3A_207 = arith.constant 1 : i32
      %sub3A_208 = arith.subi %add3A_206, %sub3A_207 : i32
      %shift_right_arithmetic3A = arith.constant 4 : i32
      %shift_right_arithmetic3A_209 = arith.shrsi %sub3A_208, %shift_right_arithmetic3A : i32
      %swap3A = arith.constant 0 : index
      %swap3A_210 = tpu.vector_load %arg10[%swap3A] {strides = array<i32>} : memref<64xf32, #tpu.memory_space<vmem>>, vector<16xf32>,
      tpu.vector_store %arg10[%swap3A], %broadcast_in_dim3A_7 {strides = array<i32>} : memref<64xf32, #tpu.memory_space<vmem>>, vector<16xf32>,
      %swap3A_211 = arith.constant 0 : index
      %swap3A_212 = tpu.vector_load %arg11[%swap3A_211] {strides = array<i32>} : memref<64xi32, #tpu.memory_space<vmem>>, vector<16xi32>,
      tpu.vector_store %arg11[%swap3A_211], %mul3A_3 {strides = array<i32>} : memref<64xi32, #tpu.memory_space<vmem>>, vector<16xi32>,
      %swap3A_213 = arith.constant 16 : index
      %swap3A_214 = tpu.vector_load %arg10[%swap3A_213] {strides = array<i32>} : memref<64xf32, #tpu.memory_space<vmem>>, vector<16xf32>,
      tpu.vector_store %arg10[%swap3A_213], %broadcast_in_dim3A_7 {strides = array<i32>} : memref<64xf32, #tpu.memory_space<vmem>>, vector<16xf32>,
      %swap3A_215 = arith.constant 16 : index
      %swap3A_216 = tpu.vector_load %arg11[%swap3A_215] {strides = array<i32>} : memref<64xi32, #tpu.memory_space<vmem>>, vector<16xi32>,
      tpu.vector_store %arg11[%swap3A_215], %mul3A_3 {strides = array<i32>} : memref<64xi32, #tpu.memory_space<vmem>>, vector<16xi32>,
      %swap3A_217 = arith.constant 32 : index
      %swap3A_218 = tpu.vector_load %arg10[%swap3A_217] {strides = array<i32>} : memref<64xf32, #tpu.memory_space<vmem>>, vector<16xf32>,
      tpu.vector_store %arg10[%swap3A_217], %broadcast_in_dim3A_7 {strides = array<i32>} : memref<64xf32, #tpu.memory_space<vmem>>, vector<16xf32>,
      %swap3A_219 = arith.constant 32 : index
      %swap3A_220 = tpu.vector_load %arg11[%swap3A_219] {strides = array<i32>} : memref<64xi32, #tpu.memory_space<vmem>>, vector<16xi32>,
      tpu.vector_store %arg11[%swap3A_219], %mul3A_3 {strides = array<i32>} : memref<64xi32, #tpu.memory_space<vmem>>, vector<16xi32>,
      %swap3A_221 = arith.constant 48 : index
      %swap3A_222 = tpu.vector_load %arg10[%swap3A_221] {strides = array<i32>} : memref<64xf32, #tpu.memory_space<vmem>>, vector<16xf32>,
      tpu.vector_store %arg10[%swap3A_221], %broadcast_in_dim3A_7 {strides = array<i32>} : memref<64xf32, #tpu.memory_space<vmem>>, vector<16xf32>,
      %swap3A_223 = arith.constant 48 : index
      %swap3A_224 = tpu.vector_load %arg11[%swap3A_223] {strides = array<i32>} : memref<64xi32, #tpu.memory_space<vmem>>, vector<16xi32>,
      tpu.vector_store %arg11[%swap3A_223], %mul3A_3 {strides = array<i32>} : memref<64xi32, #tpu.memory_space<vmem>>, vector<16xi32>,
      %scan3A_225 = arith.constant 0 : i32
      %scan3A_226 = arith.constant 0 : i32
      %scan3A_227 = arith.constant 50 : i32
      %scan3A_228 = arith.addi %scan3A_226, %scan3A_227 : i32
      %scan3A_229 = arith.constant 1 : i32
      %scan3A_230 = scf.for %scan3A_1199 = %scan3A_226 to %scan3A_228 step %scan3A_229 iter_args(%scan3A_1200 = %scan3A_225) -> (i32)  : i32 {
        %while3A = arith.constant 0 : i32
        %while3A_1201 = arith.subi %shift_right_arithmetic3A_209, %while3A : i32
        %while3A_1202 = arith.addi %while3A, %while3A_1201 : i32
        %while3A_1203 = arith.constant 1 : i32
        %while3A_1204 = arith.divsi %while3A_1201, %while3A_1203 : i32
        %while3A_1205 = arith.muli %while3A_1204, %while3A_1203 : i32
        %while3A_1206 = arith.addi %while3A, %while3A_1205 : i32
        %while3A_1207 = arith.constant 1 : i32
        %while3A_1208 = scf.for %while3A_1239 = %while3A to %while3A_1206 step %while3A_1207 iter_args(%while3A_1240 = %broadcast_in_dim3A_7) -> (vector<16xf32>)  : i32 {
          %mul3A_1241 = arith.constant 16 : i32
          %mul3A_1242 = arith.muli %while3A_1239, %mul3A_1241 : i32
          %multiple_of3A_1243 = tpu.assume_multiple %mul3A_1242, 16 : i32
          %get3A_1244 = arith.index_cast %multiple_of3A_1243 : i32 to index
          %get3A_1245 = tpu.vector_load %arg9[%get3A_1244] {strides = array<i32>} : memref<2048xi32, #tpu.memory_space<vmem>>, vector<16xi32>,
          %mul3A_1246 = arith.constant 16 : i32
          %mul3A_1247 = arith.muli %while3A_1239, %mul3A_1246 : i32
          %add3A_1248 = vector.broadcast %mul3A_1247 : i32 to vector<16xi32>
          %add3A_1249 = arith.addi %add3A_1248, %iota3A : vector<16xi32>
          %lt3A_1250 = vector.broadcast %squeeze3A : i32 to vector<16xi32>
          %lt3A_1251 = arith.cmpi slt, %add3A_1249, %lt3A_1250 : vector<16xi32>
          %gather3A_1252 = tpu.vector_load_idx %arg8[%get3A_1245] masked %lt3A_1251 : memref<100000xf32, #tpu.memory_space<vmem>>[vector<16xi32>], vector<16xf32>, vector<16xi1>
          %jit3A_1253 = arith.constant -3.000000e+38 : f32
          %broadcast_in_dim3A_1254 = vector.broadcast %jit3A_1253 : f32 to vector<16xf32>
          %select_n3A_1255 = arith.select %lt3A_1251, %gather3A_1252, %broadcast_in_dim3A_1254 : vector<16xi1>, vector<16xf32>
          %max3A_1256 = arith.maximumf %while3A_1240, %select_n3A_1255 : vector<16xf32>
          scf.yield %max3A_1256 : vector<16xf32>
        }
        %while3A_1209 = arith.constant 1 : i32
        %while3A_1210 = scf.for %while3A_1239 = %while3A_1206 to %while3A_1202 step %while3A_1209 iter_args(%while3A_1240 = %while3A_1208) -> (vector<16xf32>)  : i32 {
          %mul3A_1241 = arith.constant 16 : i32
          %mul3A_1242 = arith.muli %while3A_1239, %mul3A_1241 : i32
          %multiple_of3A_1243 = tpu.assume_multiple %mul3A_1242, 16 : i32
          %get3A_1244 = arith.index_cast %multiple_of3A_1243 : i32 to index
          %get3A_1245 = tpu.vector_load %arg9[%get3A_1244] {strides = array<i32>} : memref<2048xi32, #tpu.memory_space<vmem>>, vector<16xi32>,
          %mul3A_1246 = arith.constant 16 : i32
          %mul3A_1247 = arith.muli %while3A_1239, %mul3A_1246 : i32
          %add3A_1248 = vector.broadcast %mul3A_1247 : i32 to vector<16xi32>
          %add3A_1249 = arith.addi %add3A_1248, %iota3A : vector<16xi32>
          %lt3A_1250 = vector.broadcast %squeeze3A : i32 to vector<16xi32>
          %lt3A_1251 = arith.cmpi slt, %add3A_1249, %lt3A_1250 : vector<16xi32>
          %gather3A_1252 = tpu.vector_load_idx %arg8[%get3A_1245] masked %lt3A_1251 : memref<100000xf32, #tpu.memory_space<vmem>>[vector<16xi32>], vector<16xf32>, vector<16xi1>
          %jit3A_1253 = arith.constant -3.000000e+38 : f32
          %broadcast_in_dim3A_1254 = vector.broadcast %jit3A_1253 : f32 to vector<16xf32>
          %select_n3A_1255 = arith.select %lt3A_1251, %gather3A_1252, %broadcast_in_dim3A_1254 : vector<16xi1>, vector<16xf32>
          %max3A_1256 = arith.maximumf %while3A_1240, %select_n3A_1255 : vector<16xf32>
          scf.yield %max3A_1256 : vector<16xf32>
        }
        %reduce_max3A_1211 = arith.constant true
        %reduce_max3A_1212 = vector.broadcast %reduce_max3A_1211 : i1 to vector<16xi1>
        %reduce_max3A_1213 = tpu.scan <max>, %while3A_1210 masked %reduce_max3A_1212 : vector<16xf32>, vector<16xi1> -> vector<16xf32>
        %reduce_max3A_1214 = vector.extract %reduce_max3A_1213[15] : f32 from vector<16xf32>
        %while3A_1215 = arith.constant 0 : i32
        %while3A_1216 = arith.constant -1 : i32
        %while3A_1217 = arith.subi %shift_right_arithmetic3A_209, %while3A_1215 : i32
        %while3A_1218 = arith.addi %while3A_1215, %while3A_1217 : i32
        %while3A_1219 = arith.constant 1 : i32
        %while3A_1220 = arith.divsi %while3A_1217, %while3A_1219 : i32
        %while3A_1221 = arith.muli %while3A_1220, %while3A_1219 : i32
        %while3A_1222 = arith.addi %while3A_1215, %while3A_1221 : i32
        %while3A_1223 = arith.constant 1 : i32
        %while3A_1224 = scf.for %while3A_1239 = %while3A_1215 to %while3A_1222 step %while3A_1223 iter_args(%while3A_1240 = %while3A_1216) -> (i32)  : i32 {
          %mul3A_1241 = arith.constant 16 : i32
          %mul3A_1242 = arith.muli %while3A_1239, %mul3A_1241 : i32
          %multiple_of3A_1243 = tpu.assume_multiple %mul3A_1242, 16 : i32
          %get3A_1244 = arith.index_cast %multiple_of3A_1243 : i32 to index
          %get3A_1245 = tpu.vector_load %arg9[%get3A_1244] {strides = array<i32>} : memref<2048xi32, #tpu.memory_space<vmem>>, vector<16xi32>,
          %mul3A_1246 = arith.constant 16 : i32
          %mul3A_1247 = arith.muli %while3A_1239, %mul3A_1246 : i32
          %add3A_1248 = vector.broadcast %mul3A_1247 : i32 to vector<16xi32>
          %add3A_1249 = arith.addi %add3A_1248, %iota3A : vector<16xi32>
          %lt3A_1250 = vector.broadcast %squeeze3A : i32 to vector<16xi32>
          %lt3A_1251 = arith.cmpi slt, %add3A_1249, %lt3A_1250 : vector<16xi32>
          %gather3A_1252 = tpu.vector_load_idx %arg8[%get3A_1245] masked %lt3A_1251 : memref<100000xf32, #tpu.memory_space<vmem>>[vector<16xi32>], vector<16xf32>, vector<16xi1>
          %jit3A_1253 = arith.constant -3.000000e+38 : f32
          %broadcast_in_dim3A_1254 = vector.broadcast %jit3A_1253 : f32 to vector<16xf32>
          %select_n3A_1255 = arith.select %lt3A_1251, %gather3A_1252, %broadcast_in_dim3A_1254 : vector<16xi1>, vector<16xf32>
          %eq3A_1256 = vector.broadcast %reduce_max3A_1214 : f32 to vector<16xf32>
          %eq3A_1257 = arith.cmpf oeq, %select_n3A_1255, %eq3A_1256 : vector<16xf32>
          %all_reduce_ffs3A = tpu.all_reduce %eq3A_1257 {dim = 0 : i64, kind = #tpu.reduction_kind<find_first_set>} : vector<16xi1> -> vector<16xi32>
          %slice3A_1258 = vector.extract_strided_slice %all_reduce_ffs3A {offsets = [0], sizes = [1], strides = [1]} : vector<16xi32> to vector<1xi32>
          %squeeze3A_1259 = vector.extract %slice3A_1258[0] : i32 from vector<1xi32>
          %lt3A_1260 = arith.constant 0 : i32
          %lt3A_1261 = arith.cmpi slt, %while3A_1240, %lt3A_1260 : i32
          %lt3A_1262 = arith.constant 16 : i32
          %lt3A_1263 = arith.cmpi slt, %squeeze3A_1259, %lt3A_1262 : i32
          %and3A_1264 = arith.andi %lt3A_1261, %lt3A_1263 : i1
          %mul3A_1265 = arith.constant 16 : i32
          %mul3A_1266 = arith.muli %while3A_1239, %mul3A_1265 : i32
          %add3A_1267 = arith.addi %mul3A_1266, %squeeze3A_1259 : i32
          %select_n3A_1268 = arith.select %and3A_1264, %add3A_1267, %while3A_1240 : i32
          scf.yield %select_n3A_1268 : i32
        }
        %while3A_1225 = arith.constant 1 : i32
        %while3A_1226 = scf.for %while3A_1239 = %while3A_1222 to %while3A_1218 step %while3A_1225 iter_args(%while3A_1240 = %while3A_1224) -> (i32)  : i32 {
          %mul3A_1241 = arith.constant 16 : i32
          %mul3A_1242 = arith.muli %while3A_1239, %mul3A_1241 : i32
          %multiple_of3A_1243 = tpu.assume_multiple %mul3A_1242, 16 : i32
          %get3A_1244 = arith.index_cast %multiple_of3A_1243 : i32 to index
          %get3A_1245 = tpu.vector_load %arg9[%get3A_1244] {strides = array<i32>} : memref<2048xi32, #tpu.memory_space<vmem>>, vector<16xi32>,
          %mul3A_1246 = arith.constant 16 : i32
          %mul3A_1247 = arith.muli %while3A_1239, %mul3A_1246 : i32
          %add3A_1248 = vector.broadcast %mul3A_1247 : i32 to vector<16xi32>
          %add3A_1249 = arith.addi %add3A_1248, %iota3A : vector<16xi32>
          %lt3A_1250 = vector.broadcast %squeeze3A : i32 to vector<16xi32>
          %lt3A_1251 = arith.cmpi slt, %add3A_1249, %lt3A_1250 : vector<16xi32>
          %gather3A_1252 = tpu.vector_load_idx %arg8[%get3A_1245] masked %lt3A_1251 : memref<100000xf32, #tpu.memory_space<vmem>>[vector<16xi32>], vector<16xf32>, vector<16xi1>
          %jit3A_1253 = arith.constant -3.000000e+38 : f32
          %broadcast_in_dim3A_1254 = vector.broadcast %jit3A_1253 : f32 to vector<16xf32>
          %select_n3A_1255 = arith.select %lt3A_1251, %gather3A_1252, %broadcast_in_dim3A_1254 : vector<16xi1>, vector<16xf32>
          %eq3A_1256 = vector.broadcast %reduce_max3A_1214 : f32 to vector<16xf32>
          %eq3A_1257 = arith.cmpf oeq, %select_n3A_1255, %eq3A_1256 : vector<16xf32>
          %all_reduce_ffs3A = tpu.all_reduce %eq3A_1257 {dim = 0 : i64, kind = #tpu.reduction_kind<find_first_set>} : vector<16xi1> -> vector<16xi32>
          %slice3A_1258 = vector.extract_strided_slice %all_reduce_ffs3A {offsets = [0], sizes = [1], strides = [1]} : vector<16xi32> to vector<1xi32>
          %squeeze3A_1259 = vector.extract %slice3A_1258[0] : i32 from vector<1xi32>
          %lt3A_1260 = arith.constant 0 : i32
          %lt3A_1261 = arith.cmpi slt, %while3A_1240, %lt3A_1260 : i32
          %lt3A_1262 = arith.constant 16 : i32
          %lt3A_1263 = arith.cmpi slt, %squeeze3A_1259, %lt3A_1262 : i32
          %and3A_1264 = arith.andi %lt3A_1261, %lt3A_1263 : i1
          %mul3A_1265 = arith.constant 16 : i32
          %mul3A_1266 = arith.muli %while3A_1239, %mul3A_1265 : i32
          %add3A_1267 = arith.addi %mul3A_1266, %squeeze3A_1259 : i32
          %select_n3A_1268 = arith.select %and3A_1264, %add3A_1267, %while3A_1240 : i32
          scf.yield %select_n3A_1268 : i32
        }
        %broadcast_in_dim3A_1227 = vector.broadcast %while3A_1226 : i32 to vector<16xi32>
        %gather3A_1228 = tpu.vector_load_idx %arg9[%broadcast_in_dim3A_1227] : memref<2048xi32, #tpu.memory_space<vmem>>[vector<16xi32>], vector<16xi32>,
        %slice3A_1229 = vector.extract_strided_slice %gather3A_1228 {offsets = [0], sizes = [1], strides = [1]} : vector<16xi32> to vector<1xi32>
        %squeeze3A_1230 = vector.extract %slice3A_1229[0] : i32 from vector<1xi32>
        %broadcast_in_dim3A_1231 = vector.broadcast %scan3A_1199 : i32 to vector<16xi32>
        %broadcast_in_dim3A_1232 = vector.broadcast %reduce_max3A_1214 : f32 to vector<16xf32>
        tpu.vector_store_idx %arg10[%broadcast_in_dim3A_1231], %broadcast_in_dim3A_1232 masked %eq3A_9 : memref<64xf32, #tpu.memory_space<vmem>>[vector<16xi32>], vector<16xf32>, vector<16xi1>
        %broadcast_in_dim3A_1233 = vector.broadcast %scan3A_1199 : i32 to vector<16xi32>
        %broadcast_in_dim3A_1234 = vector.broadcast %squeeze3A_1230 : i32 to vector<16xi32>
        tpu.vector_store_idx %arg11[%broadcast_in_dim3A_1233], %broadcast_in_dim3A_1234 masked %eq3A_9 : memref<64xi32, #tpu.memory_space<vmem>>[vector<16xi32>], vector<16xi32>, vector<16xi1>
        %broadcast_in_dim3A_1235 = vector.broadcast %squeeze3A_1230 : i32 to vector<16xi32>
        %broadcast_in_dim3A_1236 = arith.constant -3.000000e+38 : f32
        %broadcast_in_dim3A_1237 = vector.broadcast %broadcast_in_dim3A_1236 : f32 to vector<16xf32>
        tpu.vector_store_idx %arg8[%broadcast_in_dim3A_1235], %broadcast_in_dim3A_1237 masked %eq3A_9 : memref<100000xf32, #tpu.memory_space<vmem>>[vector<16xi32>], vector<16xf32>, vector<16xi1>
        %scan3A_1238 = arith.constant 0 : i32
        scf.yield %scan3A_1238 : i32
      }
      %scan3A_231 = arith.constant 50 : i32
      %broadcast_in_dim3A_232 = vector.broadcast %add3A_20 : i32 to vector<16xi32>
      %gather3A = tpu.vector_load_idx %arg12[%broadcast_in_dim3A_232] : memref<128xf32, #tpu.memory_space<vmem>>[vector<16xi32>], vector<16xf32>,
      %slice3A_233 = vector.extract_strided_slice %gather3A {offsets = [0], sizes = [1], strides = [1]} : vector<16xf32> to vector<1xf32>
      %squeeze3A_234 = vector.extract %slice3A_233[0] : f32 from vector<1xf32>
      %broadcast_in_dim3A_235 = vector.broadcast %add3A_20 : i32 to vector<16xi32>
      %gather3A_236 = tpu.vector_load_idx %arg13[%broadcast_in_dim3A_235] : memref<128xi32, #tpu.memory_space<vmem>>[vector<16xi32>], vector<16xi32>,
      %slice3A_237 = vector.extract_strided_slice %gather3A_236 {offsets = [0], sizes = [1], strides = [1]} : vector<16xi32> to vector<1xi32>
      %squeeze3A_238 = vector.extract %slice3A_237[0] : i32 from vector<1xi32>
      %jit3A_239 = arith.constant 1 : i32
      %jit3A_240 = arith.constant 50 : i32
      %max3A_241 = arith.maxsi %jit3A_239, %squeeze3A_238 : i32
      %min3A_242 = arith.minsi %jit3A_240, %max3A_241 : i32
      %broadcast_in_dim3A_243 = vector.broadcast %add3A_20 : i32 to vector<16xi32>
      %gather3A_244 = tpu.vector_load_idx %arg14[%broadcast_in_dim3A_243] : memref<128xf32, #tpu.memory_space<vmem>>[vector<16xi32>], vector<16xf32>,
      %slice3A_245 = vector.extract_strided_slice %gather3A_244 {offsets = [0], sizes = [1], strides = [1]} : vector<16xf32> to vector<1xf32>
      %squeeze3A_246 = vector.extract %slice3A_245[0] : f32 from vector<1xf32>
      %sub3A_247 = arith.constant 1.000000e+00 : f32
      %sub3A_248 = arith.subf %sub3A_247, %squeeze3A_246 : f32
      %get3A_249 = arith.constant 0 : index
      %get3A_250 = tpu.vector_load %arg10[%get3A_249] {strides = array<i32>} : memref<64xf32, #tpu.memory_space<vmem>>, vector<16xf32>,
      %get3A_251 = arith.constant 16 : index
      %get3A_252 = tpu.vector_load %arg10[%get3A_251] {strides = array<i32>} : memref<64xf32, #tpu.memory_space<vmem>>, vector<16xf32>,
      %get3A_253 = arith.constant 32 : index
      %get3A_254 = tpu.vector_load %arg10[%get3A_253] {strides = array<i32>} : memref<64xf32, #tpu.memory_space<vmem>>, vector<16xf32>,
      %get3A_255 = arith.constant 48 : index
      %get3A_256 = tpu.vector_load %arg10[%get3A_255] {strides = array<i32>} : memref<64xf32, #tpu.memory_space<vmem>>, vector<16xf32>,
      %get3A_257 = arith.constant 0 : index
      %get3A_258 = tpu.vector_load %arg11[%get3A_257] {strides = array<i32>} : memref<64xi32, #tpu.memory_space<vmem>>, vector<16xi32>,
      %get3A_259 = arith.constant 16 : index
      %get3A_260 = tpu.vector_load %arg11[%get3A_259] {strides = array<i32>} : memref<64xi32, #tpu.memory_space<vmem>>, vector<16xi32>,
      %get3A_261 = arith.constant 32 : index
      %get3A_262 = tpu.vector_load %arg11[%get3A_261] {strides = array<i32>} : memref<64xi32, #tpu.memory_space<vmem>>, vector<16xi32>,
      %get3A_263 = arith.constant 48 : index
      %get3A_264 = tpu.vector_load %arg11[%get3A_263] {strides = array<i32>} : memref<64xi32, #tpu.memory_space<vmem>>, vector<16xi32>,
      %add3A_265 = arith.constant 0 : i32
      %add3A_266 = vector.broadcast %add3A_265 : i32 to vector<16xi32>
      %add3A_267 = arith.addi %iota3A, %add3A_266 : vector<16xi32>
      %add3A_268 = arith.constant 16 : i32
      %add3A_269 = vector.broadcast %add3A_268 : i32 to vector<16xi32>
      %add3A_270 = arith.addi %iota3A, %add3A_269 : vector<16xi32>
      %add3A_271 = arith.constant 32 : i32
      %add3A_272 = vector.broadcast %add3A_271 : i32 to vector<16xi32>
      %add3A_273 = arith.addi %iota3A, %add3A_272 : vector<16xi32>
      %add3A_274 = arith.constant 48 : i32
      %add3A_275 = vector.broadcast %add3A_274 : i32 to vector<16xi32>
      %add3A_276 = arith.addi %iota3A, %add3A_275 : vector<16xi32>
      %broadcast_in_dim3A_277 = vector.broadcast %squeeze3A_234 : f32 to vector<16xf32>
      %gt3A = arith.constant -9.99999993E+36 : f32
      %gt3A_278 = vector.broadcast %gt3A : f32 to vector<16xf32>
      %gt3A_279 = arith.cmpf ogt, %get3A_250, %gt3A_278 : vector<16xf32>
      %div3A = arith.divf %get3A_250, %broadcast_in_dim3A_277 : vector<16xf32>
      %jit3A_280 = arith.constant -3.000000e+38 : f32
      %broadcast_in_dim3A_281 = vector.broadcast %jit3A_280 : f32 to vector<16xf32>
      %select_n3A_282 = arith.select %gt3A_279, %div3A, %broadcast_in_dim3A_281 : vector<16xi1>, vector<16xf32>
      %gt3A_283 = arith.constant -9.99999993E+36 : f32
      %gt3A_284 = vector.broadcast %gt3A_283 : f32 to vector<16xf32>
      %gt3A_285 = arith.cmpf ogt, %get3A_252, %gt3A_284 : vector<16xf32>
      %div3A_286 = arith.divf %get3A_252, %broadcast_in_dim3A_277 : vector<16xf32>
      %jit3A_287 = arith.constant -3.000000e+38 : f32
      %broadcast_in_dim3A_288 = vector.broadcast %jit3A_287 : f32 to vector<16xf32>
      %select_n3A_289 = arith.select %gt3A_285, %div3A_286, %broadcast_in_dim3A_288 : vector<16xi1>, vector<16xf32>
      %gt3A_290 = arith.constant -9.99999993E+36 : f32
      %gt3A_291 = vector.broadcast %gt3A_290 : f32 to vector<16xf32>
      %gt3A_292 = arith.cmpf ogt, %get3A_254, %gt3A_291 : vector<16xf32>
      %div3A_293 = arith.divf %get3A_254, %broadcast_in_dim3A_277 : vector<16xf32>
      %jit3A_294 = arith.constant -3.000000e+38 : f32
      %broadcast_in_dim3A_295 = vector.broadcast %jit3A_294 : f32 to vector<16xf32>
      %select_n3A_296 = arith.select %gt3A_292, %div3A_293, %broadcast_in_dim3A_295 : vector<16xi1>, vector<16xf32>
      %gt3A_297 = arith.constant -9.99999993E+36 : f32
      %gt3A_298 = vector.broadcast %gt3A_297 : f32 to vector<16xf32>
      %gt3A_299 = arith.cmpf ogt, %get3A_256, %gt3A_298 : vector<16xf32>
      %div3A_300 = arith.divf %get3A_256, %broadcast_in_dim3A_277 : vector<16xf32>
      %jit3A_301 = arith.constant -3.000000e+38 : f32
      %broadcast_in_dim3A_302 = vector.broadcast %jit3A_301 : f32 to vector<16xf32>
      %select_n3A_303 = arith.select %gt3A_299, %div3A_300, %broadcast_in_dim3A_302 : vector<16xi1>, vector<16xf32>
      %lt3A = vector.broadcast %min3A_242 : i32 to vector<16xi32>
      %lt3A_304 = arith.cmpi slt, %add3A_267, %lt3A : vector<16xi32>
      %jit3A_305 = arith.constant 3.000000e+38 : f32
      %broadcast_in_dim3A_306 = vector.broadcast %jit3A_305 : f32 to vector<16xf32>
      %select_n3A_307 = arith.select %lt3A_304, %select_n3A_282, %broadcast_in_dim3A_306 : vector<16xi1>, vector<16xf32>
      %lt3A_308 = vector.broadcast %min3A_242 : i32 to vector<16xi32>
      %lt3A_309 = arith.cmpi slt, %add3A_270, %lt3A_308 : vector<16xi32>
      %jit3A_310 = arith.constant 3.000000e+38 : f32
      %broadcast_in_dim3A_311 = vector.broadcast %jit3A_310 : f32 to vector<16xf32>
      %select_n3A_312 = arith.select %lt3A_309, %select_n3A_289, %broadcast_in_dim3A_311 : vector<16xi1>, vector<16xf32>
      %lt3A_313 = vector.broadcast %min3A_242 : i32 to vector<16xi32>
      %lt3A_314 = arith.cmpi slt, %add3A_273, %lt3A_313 : vector<16xi32>
      %jit3A_315 = arith.constant 3.000000e+38 : f32
      %broadcast_in_dim3A_316 = vector.broadcast %jit3A_315 : f32 to vector<16xf32>
      %select_n3A_317 = arith.select %lt3A_314, %select_n3A_296, %broadcast_in_dim3A_316 : vector<16xi1>, vector<16xf32>
      %lt3A_318 = vector.broadcast %min3A_242 : i32 to vector<16xi32>
      %lt3A_319 = arith.cmpi slt, %add3A_276, %lt3A_318 : vector<16xi32>
      %jit3A_320 = arith.constant 3.000000e+38 : f32
      %broadcast_in_dim3A_321 = vector.broadcast %jit3A_320 : f32 to vector<16xf32>
      %select_n3A_322 = arith.select %lt3A_319, %select_n3A_303, %broadcast_in_dim3A_321 : vector<16xi1>, vector<16xf32>
      %min3A_323 = arith.minimumf %select_n3A_307, %select_n3A_312 : vector<16xf32>
      %min3A_324 = arith.minimumf %select_n3A_317, %select_n3A_322 : vector<16xf32>
      %min3A_325 = arith.minimumf %min3A_323, %min3A_324 : vector<16xf32>
      %reduce_min3A = arith.constant true
      %reduce_min3A_326 = vector.broadcast %reduce_min3A : i1 to vector<16xi1>
      %reduce_min3A_327 = tpu.scan <min>, %min3A_325 masked %reduce_min3A_326 : vector<16xf32>, vector<16xi1> -> vector<16xf32>
      %reduce_min3A_328 = vector.extract %reduce_min3A_327[15] : f32 from vector<16xf32>
      %ge3A_329 = vector.broadcast %reduce_min3A_328 : f32 to vector<16xf32>
      %ge3A_330 = arith.cmpf oge, %select_n3A_282, %ge3A_329 : vector<16xf32>
      %jit3A_331 = arith.constant -3.000000e+38 : f32
      %broadcast_in_dim3A_332 = vector.broadcast %jit3A_331 : f32 to vector<16xf32>
      %select_n3A_333 = arith.select %ge3A_330, %select_n3A_282, %broadcast_in_dim3A_332 : vector<16xi1>, vector<16xf32>
      %ge3A_334 = vector.broadcast %reduce_min3A_328 : f32 to vector<16xf32>
      %ge3A_335 = arith.cmpf oge, %select_n3A_289, %ge3A_334 : vector<16xf32>
      %jit3A_336 = arith.constant -3.000000e+38 : f32
      %broadcast_in_dim3A_337 = vector.broadcast %jit3A_336 : f32 to vector<16xf32>
      %select_n3A_338 = arith.select %ge3A_335, %select_n3A_289, %broadcast_in_dim3A_337 : vector<16xi1>, vector<16xf32>
      %ge3A_339 = vector.broadcast %reduce_min3A_328 : f32 to vector<16xf32>
      %ge3A_340 = arith.cmpf oge, %select_n3A_296, %ge3A_339 : vector<16xf32>
      %jit3A_341 = arith.constant -3.000000e+38 : f32
      %broadcast_in_dim3A_342 = vector.broadcast %jit3A_341 : f32 to vector<16xf32>
      %select_n3A_343 = arith.select %ge3A_340, %select_n3A_296, %broadcast_in_dim3A_342 : vector<16xi1>, vector<16xf32>
      %ge3A_344 = vector.broadcast %reduce_min3A_328 : f32 to vector<16xf32>
      %ge3A_345 = arith.cmpf oge, %select_n3A_303, %ge3A_344 : vector<16xf32>
      %jit3A_346 = arith.constant -3.000000e+38 : f32
      %broadcast_in_dim3A_347 = vector.broadcast %jit3A_346 : f32 to vector<16xf32>
      %select_n3A_348 = arith.select %ge3A_345, %select_n3A_303, %broadcast_in_dim3A_347 : vector<16xi1>, vector<16xf32>
      %max3A_349 = arith.maximumf %select_n3A_333, %select_n3A_338 : vector<16xf32>
      %max3A_350 = arith.maximumf %select_n3A_343, %select_n3A_348 : vector<16xf32>
      %max3A_351 = arith.maximumf %max3A_349, %max3A_350 : vector<16xf32>
      %reduce_max3A_352 = arith.constant true
      %reduce_max3A_353 = vector.broadcast %reduce_max3A_352 : i1 to vector<16xi1>
      %reduce_max3A_354 = tpu.scan <max>, %max3A_351 masked %reduce_max3A_353 : vector<16xf32>, vector<16xi1> -> vector<16xf32>
      %reduce_max3A_355 = vector.extract %reduce_max3A_354[15] : f32 from vector<16xf32>
      %sub3A_356 = vector.broadcast %reduce_max3A_355 : f32 to vector<16xf32>
      %sub3A_357 = arith.subf %select_n3A_333, %sub3A_356 : vector<16xf32>
      %exp3A = math.exp %sub3A_357 : vector<16xf32>
      %sub3A_358 = vector.broadcast %reduce_max3A_355 : f32 to vector<16xf32>
      %sub3A_359 = arith.subf %select_n3A_338, %sub3A_358 : vector<16xf32>
      %exp3A_360 = math.exp %sub3A_359 : vector<16xf32>
      %sub3A_361 = vector.broadcast %reduce_max3A_355 : f32 to vector<16xf32>
      %sub3A_362 = arith.subf %select_n3A_343, %sub3A_361 : vector<16xf32>
      %exp3A_363 = math.exp %sub3A_362 : vector<16xf32>
      %sub3A_364 = vector.broadcast %reduce_max3A_355 : f32 to vector<16xf32>
      %sub3A_365 = arith.subf %select_n3A_348, %sub3A_364 : vector<16xf32>
      %exp3A_366 = math.exp %sub3A_365 : vector<16xf32>
      %add3A_367 = arith.addf %exp3A, %exp3A_360 : vector<16xf32>
      %add3A_368 = arith.addf %exp3A_363, %exp3A_366 : vector<16xf32>
      %add3A_369 = arith.addf %add3A_367, %add3A_368 : vector<16xf32>
      %reduce_sum3A = arith.constant true
      %reduce_sum3A_370 = vector.broadcast %reduce_sum3A : i1 to vector<16xi1>
      %reduce_sum3A_371 = tpu.scan <sum>, %add3A_369 masked %reduce_sum3A_370 : vector<16xf32>, vector<16xi1> -> vector<16xf32>
      %reduce_sum3A_372 = vector.extract %reduce_sum3A_371[15] : f32 from vector<16xf32>
      %broadcast_in_dim3A_373 = vector.broadcast %reduce_sum3A_372 : f32 to vector<16xf32>
      %div3A_374 = arith.divf %exp3A, %broadcast_in_dim3A_373 : vector<16xf32>
      %div3A_375 = arith.divf %exp3A_360, %broadcast_in_dim3A_373 : vector<16xf32>
      %div3A_376 = arith.divf %exp3A_363, %broadcast_in_dim3A_373 : vector<16xf32>
      %div3A_377 = arith.divf %exp3A_366, %broadcast_in_dim3A_373 : vector<16xf32>
      %rev3A = arith.constant 15 : i32
      %rev3A_378 = vector.broadcast %rev3A : i32 to vector<16xi32>
      %rev3A_379 = tpu.iota {dimensions = array<i32: 0>} : vector<16xi32>
      %rev3A_380 = arith.subi %rev3A_378, %rev3A_379 : vector<16xi32>
      %rev3A_381 = tpu.dynamic_gather %div3A_377[%rev3A_380] in [0] : vector<16xf32>, vector<16xi32> -> vector<16xf32>
      %rev3A_382 = arith.constant 15 : i32
      %rev3A_383 = vector.broadcast %rev3A_382 : i32 to vector<16xi32>
      %rev3A_384 = tpu.iota {dimensions = array<i32: 0>} : vector<16xi32>
      %rev3A_385 = arith.subi %rev3A_383, %rev3A_384 : vector<16xi32>
      %rev3A_386 = tpu.dynamic_gather %div3A_376[%rev3A_385] in [0] : vector<16xf32>, vector<16xi32> -> vector<16xf32>
      %rev3A_387 = arith.constant 15 : i32
      %rev3A_388 = vector.broadcast %rev3A_387 : i32 to vector<16xi32>
      %rev3A_389 = tpu.iota {dimensions = array<i32: 0>} : vector<16xi32>
      %rev3A_390 = arith.subi %rev3A_388, %rev3A_389 : vector<16xi32>
      %rev3A_391 = tpu.dynamic_gather %div3A_375[%rev3A_390] in [0] : vector<16xf32>, vector<16xi32> -> vector<16xf32>
      %rev3A_392 = arith.constant 15 : i32
      %rev3A_393 = vector.broadcast %rev3A_392 : i32 to vector<16xi32>
      %rev3A_394 = tpu.iota {dimensions = array<i32: 0>} : vector<16xi32>
      %rev3A_395 = arith.subi %rev3A_393, %rev3A_394 : vector<16xi32>
      %rev3A_396 = tpu.dynamic_gather %div3A_374[%rev3A_395] in [0] : vector<16xf32>, vector<16xi32> -> vector<16xf32>
      %cumsum3A_397 = arith.constant true
      %cumsum3A_398 = vector.broadcast %cumsum3A_397 : i1 to vector<16xi1>
      %cumsum3A_399 = tpu.scan <sum>, %rev3A_381 masked %cumsum3A_398 : vector<16xf32>, vector<16xi1> -> vector<16xf32>
      %add3A_400 = arith.constant 0.000000e+00 : f32
      %add3A_401 = vector.broadcast %add3A_400 : f32 to vector<16xf32>
      %add3A_402 = arith.addf %cumsum3A_399, %add3A_401 : vector<16xf32>
      %reduce_sum3A_403 = arith.constant true
      %reduce_sum3A_404 = vector.broadcast %reduce_sum3A_403 : i1 to vector<16xi1>
      %reduce_sum3A_405 = tpu.scan <sum>, %rev3A_381 masked %reduce_sum3A_404 : vector<16xf32>, vector<16xi1> -> vector<16xf32>
      %reduce_sum3A_406 = vector.extract %reduce_sum3A_405[15] : f32 from vector<16xf32>
      %add3A_407 = arith.constant 0.000000e+00 : f32
      %add3A_408 = arith.addf %add3A_407, %reduce_sum3A_406 : f32
      %cumsum3A_409 = arith.constant true
      %cumsum3A_410 = vector.broadcast %cumsum3A_409 : i1 to vector<16xi1>
      %cumsum3A_411 = tpu.scan <sum>, %rev3A_386 masked %cumsum3A_410 : vector<16xf32>, vector<16xi1> -> vector<16xf32>
      %add3A_412 = vector.broadcast %add3A_408 : f32 to vector<16xf32>
      %add3A_413 = arith.addf %cumsum3A_411, %add3A_412 : vector<16xf32>
      %reduce_sum3A_414 = arith.constant true
      %reduce_sum3A_415 = vector.broadcast %reduce_sum3A_414 : i1 to vector<16xi1>
      %reduce_sum3A_416 = tpu.scan <sum>, %rev3A_386 masked %reduce_sum3A_415 : vector<16xf32>, vector<16xi1> -> vector<16xf32>
      %reduce_sum3A_417 = vector.extract %reduce_sum3A_416[15] : f32 from vector<16xf32>
      %add3A_418 = arith.addf %add3A_408, %reduce_sum3A_417 : f32
      %cumsum3A_419 = arith.constant true
      %cumsum3A_420 = vector.broadcast %cumsum3A_419 : i1 to vector<16xi1>
      %cumsum3A_421 = tpu.scan <sum>, %rev3A_391 masked %cumsum3A_420 : vector<16xf32>, vector<16xi1> -> vector<16xf32>
      %add3A_422 = vector.broadcast %add3A_418 : f32 to vector<16xf32>
      %add3A_423 = arith.addf %cumsum3A_421, %add3A_422 : vector<16xf32>
      %reduce_sum3A_424 = arith.constant true
      %reduce_sum3A_425 = vector.broadcast %reduce_sum3A_424 : i1 to vector<16xi1>
      %reduce_sum3A_426 = tpu.scan <sum>, %rev3A_391 masked %reduce_sum3A_425 : vector<16xf32>, vector<16xi1> -> vector<16xf32>
      %reduce_sum3A_427 = vector.extract %reduce_sum3A_426[15] : f32 from vector<16xf32>
      %add3A_428 = arith.addf %add3A_418, %reduce_sum3A_427 : f32
      %cumsum3A_429 = arith.constant true
      %cumsum3A_430 = vector.broadcast %cumsum3A_429 : i1 to vector<16xi1>
      %cumsum3A_431 = tpu.scan <sum>, %rev3A_396 masked %cumsum3A_430 : vector<16xf32>, vector<16xi1> -> vector<16xf32>
      %add3A_432 = vector.broadcast %add3A_428 : f32 to vector<16xf32>
      %add3A_433 = arith.addf %cumsum3A_431, %add3A_432 : vector<16xf32>
      %reduce_sum3A_434 = arith.constant true
      %reduce_sum3A_435 = vector.broadcast %reduce_sum3A_434 : i1 to vector<16xi1>
      %reduce_sum3A_436 = tpu.scan <sum>, %rev3A_396 masked %reduce_sum3A_435 : vector<16xf32>, vector<16xi1> -> vector<16xf32>
      %reduce_sum3A_437 = vector.extract %reduce_sum3A_436[15] : f32 from vector<16xf32>
      %add3A_438 = arith.addf %add3A_428, %reduce_sum3A_437 : f32
      %rev3A_439 = arith.constant 15 : i32
      %rev3A_440 = vector.broadcast %rev3A_439 : i32 to vector<16xi32>
      %rev3A_441 = tpu.iota {dimensions = array<i32: 0>} : vector<16xi32>
      %rev3A_442 = arith.subi %rev3A_440, %rev3A_441 : vector<16xi32>
      %rev3A_443 = tpu.dynamic_gather %add3A_433[%rev3A_442] in [0] : vector<16xf32>, vector<16xi32> -> vector<16xf32>
      %rev3A_444 = arith.constant 15 : i32
      %rev3A_445 = vector.broadcast %rev3A_444 : i32 to vector<16xi32>
      %rev3A_446 = tpu.iota {dimensions = array<i32: 0>} : vector<16xi32>
      %rev3A_447 = arith.subi %rev3A_445, %rev3A_446 : vector<16xi32>
      %rev3A_448 = tpu.dynamic_gather %add3A_423[%rev3A_447] in [0] : vector<16xf32>, vector<16xi32> -> vector<16xf32>
      %rev3A_449 = arith.constant 15 : i32
      %rev3A_450 = vector.broadcast %rev3A_449 : i32 to vector<16xi32>
      %rev3A_451 = tpu.iota {dimensions = array<i32: 0>} : vector<16xi32>
      %rev3A_452 = arith.subi %rev3A_450, %rev3A_451 : vector<16xi32>
      %rev3A_453 = tpu.dynamic_gather %add3A_413[%rev3A_452] in [0] : vector<16xf32>, vector<16xi32> -> vector<16xf32>
      %rev3A_454 = arith.constant 15 : i32
      %rev3A_455 = vector.broadcast %rev3A_454 : i32 to vector<16xi32>
      %rev3A_456 = tpu.iota {dimensions = array<i32: 0>} : vector<16xi32>
      %rev3A_457 = arith.subi %rev3A_455, %rev3A_456 : vector<16xi32>
      %rev3A_458 = tpu.dynamic_gather %add3A_402[%rev3A_457] in [0] : vector<16xf32>, vector<16xi32> -> vector<16xf32>
      %le3A = vector.broadcast %sub3A_248 : f32 to vector<16xf32>
      %le3A_459 = arith.cmpf ole, %rev3A_443, %le3A : vector<16xf32>
      %le3A_460 = vector.broadcast %sub3A_248 : f32 to vector<16xf32>
      %le3A_461 = arith.cmpf ole, %rev3A_448, %le3A_460 : vector<16xf32>
      %le3A_462 = vector.broadcast %sub3A_248 : f32 to vector<16xf32>
      %le3A_463 = arith.cmpf ole, %rev3A_453, %le3A_462 : vector<16xf32>
      %le3A_464 = vector.broadcast %sub3A_248 : f32 to vector<16xf32>
      %le3A_465 = arith.cmpf ole, %rev3A_458, %le3A_464 : vector<16xf32>
      %gt3A_466 = arith.constant 0 : i32
      %gt3A_467 = vector.broadcast %gt3A_466 : i32 to vector<16xi32>
      %gt3A_468 = arith.cmpi sgt, %iota3A, %gt3A_467 : vector<16xi32>
      %and3A = arith.andi %le3A_459, %gt3A_468 : vector<16xi1>
      %jit3A_469 = arith.constant -3.000000e+38 : f32
      %broadcast_in_dim3A_470 = vector.broadcast %jit3A_469 : f32 to vector<16xf32>
      %select_n3A_471 = arith.select %and3A, %broadcast_in_dim3A_470, %select_n3A_333 : vector<16xi1>, vector<16xf32>
      %jit3A_472 = arith.constant -3.000000e+38 : f32
      %broadcast_in_dim3A_473 = vector.broadcast %jit3A_472 : f32 to vector<16xf32>
      %select_n3A_474 = arith.select %le3A_461, %broadcast_in_dim3A_473, %select_n3A_338 : vector<16xi1>, vector<16xf32>
      %jit3A_475 = arith.constant -3.000000e+38 : f32
      %broadcast_in_dim3A_476 = vector.broadcast %jit3A_475 : f32 to vector<16xf32>
      %select_n3A_477 = arith.select %le3A_463, %broadcast_in_dim3A_476, %select_n3A_343 : vector<16xi1>, vector<16xf32>
      %jit3A_478 = arith.constant -3.000000e+38 : f32
      %broadcast_in_dim3A_479 = vector.broadcast %jit3A_478 : f32 to vector<16xf32>
      %select_n3A_480 = arith.select %le3A_465, %broadcast_in_dim3A_479, %select_n3A_348 : vector<16xi1>, vector<16xf32>
      %max3A_481 = arith.maximumf %select_n3A_471, %select_n3A_474 : vector<16xf32>
      %max3A_482 = arith.maximumf %select_n3A_477, %select_n3A_480 : vector<16xf32>
      %max3A_483 = arith.maximumf %max3A_481, %max3A_482 : vector<16xf32>
      %reduce_max3A_484 = arith.constant true
      %reduce_max3A_485 = vector.broadcast %reduce_max3A_484 : i1 to vector<16xi1>
      %reduce_max3A_486 = tpu.scan <max>, %max3A_483 masked %reduce_max3A_485 : vector<16xf32>, vector<16xi1> -> vector<16xf32>
      %reduce_max3A_487 = vector.extract %reduce_max3A_486[15] : f32 from vector<16xf32>
      %sub3A_488 = vector.broadcast %reduce_max3A_487 : f32 to vector<16xf32>
      %sub3A_489 = arith.subf %select_n3A_471, %sub3A_488 : vector<16xf32>
      %exp3A_490 = math.exp %sub3A_489 : vector<16xf32>
      %sub3A_491 = vector.broadcast %reduce_max3A_487 : f32 to vector<16xf32>
      %sub3A_492 = arith.subf %select_n3A_474, %sub3A_491 : vector<16xf32>
      %exp3A_493 = math.exp %sub3A_492 : vector<16xf32>
      %sub3A_494 = vector.broadcast %reduce_max3A_487 : f32 to vector<16xf32>
      %sub3A_495 = arith.subf %select_n3A_477, %sub3A_494 : vector<16xf32>
      %exp3A_496 = math.exp %sub3A_495 : vector<16xf32>
      %sub3A_497 = vector.broadcast %reduce_max3A_487 : f32 to vector<16xf32>
      %sub3A_498 = arith.subf %select_n3A_480, %sub3A_497 : vector<16xf32>
      %exp3A_499 = math.exp %sub3A_498 : vector<16xf32>
      %add3A_500 = arith.addf %exp3A_490, %exp3A_493 : vector<16xf32>
      %add3A_501 = arith.addf %exp3A_496, %exp3A_499 : vector<16xf32>
      %add3A_502 = arith.addf %add3A_500, %add3A_501 : vector<16xf32>
      %reduce_sum3A_503 = arith.constant true
      %reduce_sum3A_504 = vector.broadcast %reduce_sum3A_503 : i1 to vector<16xi1>
      %reduce_sum3A_505 = tpu.scan <sum>, %add3A_502 masked %reduce_sum3A_504 : vector<16xf32>, vector<16xi1> -> vector<16xf32>
      %reduce_sum3A_506 = vector.extract %reduce_sum3A_505[15] : f32 from vector<16xf32>
      %broadcast_in_dim3A_507 = vector.broadcast %reduce_sum3A_506 : f32 to vector<16xf32>
      %div3A_508 = arith.divf %exp3A_490, %broadcast_in_dim3A_507 : vector<16xf32>
      %div3A_509 = arith.divf %exp3A_493, %broadcast_in_dim3A_507 : vector<16xf32>
      %div3A_510 = arith.divf %exp3A_496, %broadcast_in_dim3A_507 : vector<16xf32>
      %div3A_511 = arith.divf %exp3A_499, %broadcast_in_dim3A_507 : vector<16xf32>
      %gt3A_512 = arith.constant -9.99999993E+36 : f32
      %gt3A_513 = vector.broadcast %gt3A_512 : f32 to vector<16xf32>
      %gt3A_514 = arith.cmpf ogt, %select_n3A_471, %gt3A_513 : vector<16xf32>
      %gt3A_515 = arith.constant -9.99999993E+36 : f32
      %gt3A_516 = vector.broadcast %gt3A_515 : f32 to vector<16xf32>
      %gt3A_517 = arith.cmpf ogt, %select_n3A_474, %gt3A_516 : vector<16xf32>
      %gt3A_518 = arith.constant -9.99999993E+36 : f32
      %gt3A_519 = vector.broadcast %gt3A_518 : f32 to vector<16xf32>
      %gt3A_520 = arith.cmpf ogt, %select_n3A_477, %gt3A_519 : vector<16xf32>
      %gt3A_521 = arith.constant -9.99999993E+36 : f32
      %gt3A_522 = vector.broadcast %gt3A_521 : f32 to vector<16xf32>
      %gt3A_523 = arith.cmpf ogt, %select_n3A_480, %gt3A_522 : vector<16xf32>
      %all_reduce_population_count3A_524 = tpu.all_reduce %gt3A_514 {dim = 0 : i64, kind = #tpu.reduction_kind<sum>} : vector<16xi1> -> vector<16xi32>
      %reduce_max3A_525 = arith.constant true
      %reduce_max3A_526 = vector.broadcast %reduce_max3A_525 : i1 to vector<16xi1>
      %reduce_max3A_527 = arith.constant -2147483648 : i32
      %reduce_max3A_528 = vector.broadcast %reduce_max3A_527 : i32 to vector<16xi32>
      %reduce_max3A_529 = arith.xori %all_reduce_population_count3A_524, %reduce_max3A_528 : vector<16xi32>
      %reduce_max3A_530 = tpu.scan <max>, %reduce_max3A_529 masked %reduce_max3A_526 : vector<16xi32>, vector<16xi1> -> vector<16xi32>
      %reduce_max3A_531 = arith.xori %reduce_max3A_530, %reduce_max3A_528 : vector<16xi32>
      %reduce_max3A_532 = vector.extract %reduce_max3A_531[15] : i32 from vector<16xi32>
      %add3A_533 = arith.constant 0 : i32
      %add3A_534 = arith.addi %add3A_533, %reduce_max3A_532 : i32
      %all_reduce_population_count3A_535 = tpu.all_reduce %gt3A_517 {dim = 0 : i64, kind = #tpu.reduction_kind<sum>} : vector<16xi1> -> vector<16xi32>
      %reduce_max3A_536 = arith.constant true
      %reduce_max3A_537 = vector.broadcast %reduce_max3A_536 : i1 to vector<16xi1>
      %reduce_max3A_538 = arith.constant -2147483648 : i32
      %reduce_max3A_539 = vector.broadcast %reduce_max3A_538 : i32 to vector<16xi32>
      %reduce_max3A_540 = arith.xori %all_reduce_population_count3A_535, %reduce_max3A_539 : vector<16xi32>
      %reduce_max3A_541 = tpu.scan <max>, %reduce_max3A_540 masked %reduce_max3A_537 : vector<16xi32>, vector<16xi1> -> vector<16xi32>
      %reduce_max3A_542 = arith.xori %reduce_max3A_541, %reduce_max3A_539 : vector<16xi32>
      %reduce_max3A_543 = vector.extract %reduce_max3A_542[15] : i32 from vector<16xi32>
      %add3A_544 = arith.addi %add3A_534, %reduce_max3A_543 : i32
      %all_reduce_population_count3A_545 = tpu.all_reduce %gt3A_520 {dim = 0 : i64, kind = #tpu.reduction_kind<sum>} : vector<16xi1> -> vector<16xi32>
      %reduce_max3A_546 = arith.constant true
      %reduce_max3A_547 = vector.broadcast %reduce_max3A_546 : i1 to vector<16xi1>
      %reduce_max3A_548 = arith.constant -2147483648 : i32
      %reduce_max3A_549 = vector.broadcast %reduce_max3A_548 : i32 to vector<16xi32>
      %reduce_max3A_550 = arith.xori %all_reduce_population_count3A_545, %reduce_max3A_549 : vector<16xi32>
      %reduce_max3A_551 = tpu.scan <max>, %reduce_max3A_550 masked %reduce_max3A_547 : vector<16xi32>, vector<16xi1> -> vector<16xi32>
      %reduce_max3A_552 = arith.xori %reduce_max3A_551, %reduce_max3A_549 : vector<16xi32>
      %reduce_max3A_553 = vector.extract %reduce_max3A_552[15] : i32 from vector<16xi32>
      %add3A_554 = arith.addi %add3A_544, %reduce_max3A_553 : i32
      %all_reduce_population_count3A_555 = tpu.all_reduce %gt3A_523 {dim = 0 : i64, kind = #tpu.reduction_kind<sum>} : vector<16xi1> -> vector<16xi32>
      %reduce_max3A_556 = arith.constant true
      %reduce_max3A_557 = vector.broadcast %reduce_max3A_556 : i1 to vector<16xi1>
      %reduce_max3A_558 = arith.constant -2147483648 : i32
      %reduce_max3A_559 = vector.broadcast %reduce_max3A_558 : i32 to vector<16xi32>
      %reduce_max3A_560 = arith.xori %all_reduce_population_count3A_555, %reduce_max3A_559 : vector<16xi32>
      %reduce_max3A_561 = tpu.scan <max>, %reduce_max3A_560 masked %reduce_max3A_557 : vector<16xi32>, vector<16xi1> -> vector<16xi32>
      %reduce_max3A_562 = arith.xori %reduce_max3A_561, %reduce_max3A_559 : vector<16xi32>
      %reduce_max3A_563 = vector.extract %reduce_max3A_562[15] : i32 from vector<16xi32>
      %add3A_564 = arith.addi %add3A_554, %reduce_max3A_563 : i32
      %sub3A_565 = arith.constant 50 : i32
      %sub3A_566 = arith.subi %sub3A_565, %add3A_564 : i32
      %swap3A_567 = arith.constant 0 : index
      %swap3A_568 = tpu.vector_load %arg15[%swap3A_567] {strides = array<i32>} : memref<128xi32, #tpu.memory_space<vmem>>, vector<16xi32>,
      tpu.vector_store %arg15[%swap3A_567], %mul3A_3 {strides = array<i32>} : memref<128xi32, #tpu.memory_space<vmem>>, vector<16xi32>,
      %swap3A_569 = arith.constant 16 : index
      %swap3A_570 = tpu.vector_load %arg15[%swap3A_569] {strides = array<i32>} : memref<128xi32, #tpu.memory_space<vmem>>, vector<16xi32>,
      tpu.vector_store %arg15[%swap3A_569], %mul3A_3 {strides = array<i32>} : memref<128xi32, #tpu.memory_space<vmem>>, vector<16xi32>,
      %swap3A_571 = arith.constant 32 : index
      %swap3A_572 = tpu.vector_load %arg15[%swap3A_571] {strides = array<i32>} : memref<128xi32, #tpu.memory_space<vmem>>, vector<16xi32>,
      tpu.vector_store %arg15[%swap3A_571], %mul3A_3 {strides = array<i32>} : memref<128xi32, #tpu.memory_space<vmem>>, vector<16xi32>,
      %swap3A_573 = arith.constant 48 : index
      %swap3A_574 = tpu.vector_load %arg15[%swap3A_573] {strides = array<i32>} : memref<128xi32, #tpu.memory_space<vmem>>, vector<16xi32>,
      tpu.vector_store %arg15[%swap3A_573], %mul3A_3 {strides = array<i32>} : memref<128xi32, #tpu.memory_space<vmem>>, vector<16xi32>,
      %swap3A_575 = arith.constant 64 : index
      %swap3A_576 = tpu.vector_load %arg15[%swap3A_575] {strides = array<i32>} : memref<128xi32, #tpu.memory_space<vmem>>, vector<16xi32>,
      tpu.vector_store %arg15[%swap3A_575], %mul3A_3 {strides = array<i32>} : memref<128xi32, #tpu.memory_space<vmem>>, vector<16xi32>,
      %swap3A_577 = arith.constant 80 : index
      %swap3A_578 = tpu.vector_load %arg15[%swap3A_577] {strides = array<i32>} : memref<128xi32, #tpu.memory_space<vmem>>, vector<16xi32>,
      tpu.vector_store %arg15[%swap3A_577], %mul3A_3 {strides = array<i32>} : memref<128xi32, #tpu.memory_space<vmem>>, vector<16xi32>,
      %swap3A_579 = arith.constant 96 : index
      %swap3A_580 = tpu.vector_load %arg15[%swap3A_579] {strides = array<i32>} : memref<128xi32, #tpu.memory_space<vmem>>, vector<16xi32>,
      tpu.vector_store %arg15[%swap3A_579], %mul3A_3 {strides = array<i32>} : memref<128xi32, #tpu.memory_space<vmem>>, vector<16xi32>,
      %swap3A_581 = arith.constant 112 : index
      %swap3A_582 = tpu.vector_load %arg15[%swap3A_581] {strides = array<i32>} : memref<128xi32, #tpu.memory_space<vmem>>, vector<16xi32>,
      tpu.vector_store %arg15[%swap3A_581], %mul3A_3 {strides = array<i32>} : memref<128xi32, #tpu.memory_space<vmem>>, vector<16xi32>,
      %lt3A_583 = arith.constant 128 : i32
      %lt3A_584 = vector.broadcast %lt3A_583 : i32 to vector<16xi32>
      %lt3A_585 = arith.cmpi slt, %get3A_258, %lt3A_584 : vector<16xi32>
      %and3A_586 = arith.andi %gt3A_514, %lt3A_585 : vector<16xi1>
      tpu.vector_store_idx %arg15[%get3A_258], %add3A_6 masked %and3A_586 : memref<128xi32, #tpu.memory_space<vmem>>[vector<16xi32>], vector<16xi32>, vector<16xi1>
      %lt3A_587 = arith.constant 128 : i32
      %lt3A_588 = vector.broadcast %lt3A_587 : i32 to vector<16xi32>
      %lt3A_589 = arith.cmpi slt, %get3A_260, %lt3A_588 : vector<16xi32>
      %and3A_590 = arith.andi %gt3A_517, %lt3A_589 : vector<16xi1>
      tpu.vector_store_idx %arg15[%get3A_260], %add3A_6 masked %and3A_590 : memref<128xi32, #tpu.memory_space<vmem>>[vector<16xi32>], vector<16xi32>, vector<16xi1>
      %lt3A_591 = arith.constant 128 : i32
      %lt3A_592 = vector.broadcast %lt3A_591 : i32 to vector<16xi32>
      %lt3A_593 = arith.cmpi slt, %get3A_262, %lt3A_592 : vector<16xi32>
      %and3A_594 = arith.andi %gt3A_520, %lt3A_593 : vector<16xi1>
      tpu.vector_store_idx %arg15[%get3A_262], %add3A_6 masked %and3A_594 : memref<128xi32, #tpu.memory_space<vmem>>[vector<16xi32>], vector<16xi32>, vector<16xi1>
      %lt3A_595 = arith.constant 128 : i32
      %lt3A_596 = vector.broadcast %lt3A_595 : i32 to vector<16xi32>
      %lt3A_597 = arith.cmpi slt, %get3A_264, %lt3A_596 : vector<16xi32>
      %and3A_598 = arith.andi %gt3A_523, %lt3A_597 : vector<16xi1>
      tpu.vector_store_idx %arg15[%get3A_264], %add3A_6 masked %and3A_598 : memref<128xi32, #tpu.memory_space<vmem>>[vector<16xi32>], vector<16xi32>, vector<16xi1>
      %scan3A_599 = arith.constant 0 : i32
      %scan3A_600 = arith.constant 0 : i32
      %scan3A_601 = arith.constant 8 : i32
      %scan3A_602 = arith.addi %scan3A_600, %scan3A_601 : i32
      %scan3A_603 = arith.constant 1 : i32
      %scan3A_604 = scf.for %scan3A_1199 = %scan3A_600 to %scan3A_602 step %scan3A_603 iter_args(%scan3A_1200 = %scan3A_599) -> (i32)  : i32 {
        %mul3A_1201 = arith.constant 16 : i32
        %mul3A_1202 = arith.muli %scan3A_1199, %mul3A_1201 : i32
        %multiple_of3A_1203 = tpu.assume_multiple %mul3A_1202, 16 : i32
        %get3A_1204 = arith.index_cast %multiple_of3A_1203 : i32 to index
        %get3A_1205 = tpu.vector_load %arg15[%get3A_1204] {strides = array<i32>} : memref<128xi32, #tpu.memory_space<vmem>>, vector<16xi32>,
        %eq3A_1206 = arith.constant 0 : i32
        %eq3A_1207 = vector.broadcast %eq3A_1206 : i32 to vector<16xi32>
        %eq3A_1208 = arith.cmpi eq, %get3A_1205, %eq3A_1207 : vector<16xi32>
        %jit3A_1209 = arith.constant 1 : i32
        %jit3A_1210 = arith.constant 0 : i32
        %broadcast_in_dim3A_1211 = vector.broadcast %jit3A_1209 : i32 to vector<16xi32>
        %broadcast_in_dim3A_1212 = vector.broadcast %jit3A_1210 : i32 to vector<16xi32>
        %select_n3A_1213 = arith.select %eq3A_1208, %broadcast_in_dim3A_1211, %broadcast_in_dim3A_1212 : vector<16xi1>, vector<16xi32>
        %cumsum3A_1214 = arith.constant true
        %cumsum3A_1215 = vector.broadcast %cumsum3A_1214 : i1 to vector<16xi1>
        %cumsum3A_1216 = tpu.scan <sum>, %select_n3A_1213 masked %cumsum3A_1215 : vector<16xi32>, vector<16xi1> -> vector<16xi32>
        %add3A_1217 = vector.broadcast %scan3A_1200 : i32 to vector<16xi32>
        %add3A_1218 = arith.addi %cumsum3A_1216, %add3A_1217 : vector<16xi32>
        %le3A_1219 = vector.broadcast %sub3A_566 : i32 to vector<16xi32>
        %le3A_1220 = arith.cmpi sle, %add3A_1218, %le3A_1219 : vector<16xi32>
        %and3A_1221 = arith.andi %eq3A_1208, %le3A_1220 : vector<16xi1>
        %min3A_1222 = arith.minsi %scan3A_1200, %sub3A_566 : i32
        %mul3A_1223 = arith.constant 16 : i32
        %mul3A_1224 = arith.muli %scan3A_1199, %mul3A_1223 : i32
        %add3A_1225 = vector.broadcast %mul3A_1224 : i32 to vector<16xi32>
        %add3A_1226 = arith.addi %iota3A, %add3A_1225 : vector<16xi32>
        %swap3A_1227 = arith.index_cast %min3A_1222 : i32 to index
        %swap3A_1228 = tpu.vector_load %arg16[%swap3A_1227] masked %and3A_1221 {strides = array<i32>} : memref<128xi32, #tpu.memory_space<vmem>>, vector<16xi32>, vector<16xi1>
        tpu.vector_store %arg16[%swap3A_1227], %add3A_1226 masked %and3A_1221 {strides = array<i32>} : memref<128xi32, #tpu.memory_space<vmem>>, vector<16xi32>, vector<16xi1>
        %all_reduce_population_count3A_1229 = tpu.all_reduce %eq3A_1208 {dim = 0 : i64, kind = #tpu.reduction_kind<sum>} : vector<16xi1> -> vector<16xi32>
        %reduce_max3A_1230 = arith.constant true
        %reduce_max3A_1231 = vector.broadcast %reduce_max3A_1230 : i1 to vector<16xi1>
        %reduce_max3A_1232 = arith.constant -2147483648 : i32
        %reduce_max3A_1233 = vector.broadcast %reduce_max3A_1232 : i32 to vector<16xi32>
        %reduce_max3A_1234 = arith.xori %all_reduce_population_count3A_1229, %reduce_max3A_1233 : vector<16xi32>
        %reduce_max3A_1235 = tpu.scan <max>, %reduce_max3A_1234 masked %reduce_max3A_1231 : vector<16xi32>, vector<16xi1> -> vector<16xi32>
        %reduce_max3A_1236 = arith.xori %reduce_max3A_1235, %reduce_max3A_1233 : vector<16xi32>
        %reduce_max3A_1237 = vector.extract %reduce_max3A_1236[15] : i32 from vector<16xi32>
        %add3A_1238 = arith.addi %scan3A_1200, %reduce_max3A_1237 : i32
        scf.yield %add3A_1238 : i32
      }
      %scan3A_605 = arith.constant 8 : i32
      %lt3A_606 = arith.constant 50 : i32
      %lt3A_607 = vector.broadcast %lt3A_606 : i32 to vector<16xi32>
      %lt3A_608 = arith.cmpi slt, %add3A_267, %lt3A_607 : vector<16xi32>
      %not3A = arith.constant dense<true> : vector<16xi1>
      %not3A_609 = arith.xori %gt3A_514, %not3A : vector<16xi1>
      %and3A_610 = arith.andi %lt3A_608, %not3A_609 : vector<16xi1>
      %jit3A_611 = arith.constant 1 : i32
      %jit3A_612 = arith.constant 0 : i32
      %broadcast_in_dim3A_613 = vector.broadcast %jit3A_611 : i32 to vector<16xi32>
      %broadcast_in_dim3A_614 = vector.broadcast %jit3A_612 : i32 to vector<16xi32>
      %select_n3A_615 = arith.select %and3A_610, %broadcast_in_dim3A_613, %broadcast_in_dim3A_614 : vector<16xi1>, vector<16xi32>
      %cumsum3A_616 = arith.constant true
      %cumsum3A_617 = vector.broadcast %cumsum3A_616 : i1 to vector<16xi1>
      %cumsum3A_618 = tpu.scan <sum>, %select_n3A_615 masked %cumsum3A_617 : vector<16xi32>, vector<16xi1> -> vector<16xi32>
      %add3A_619 = arith.constant 0 : i32
      %add3A_620 = vector.broadcast %add3A_619 : i32 to vector<16xi32>
      %add3A_621 = arith.addi %cumsum3A_618, %add3A_620 : vector<16xi32>
      %sub3A_622 = arith.constant 1 : i32
      %sub3A_623 = vector.broadcast %sub3A_622 : i32 to vector<16xi32>
      %sub3A_624 = arith.subi %add3A_621, %sub3A_623 : vector<16xi32>
      %gather3A_625 = tpu.vector_load_idx %arg16[%sub3A_624] masked %and3A_610 : memref<128xi32, #tpu.memory_space<vmem>>[vector<16xi32>], vector<16xi32>, vector<16xi1>
      %select_n3A_626 = arith.select %and3A_610, %gather3A_625, %get3A_258 : vector<16xi1>, vector<16xi32>
      %lt3A_627 = arith.constant 50 : i32
      %lt3A_628 = vector.broadcast %lt3A_627 : i32 to vector<16xi32>
      %lt3A_629 = arith.cmpi slt, %add3A_267, %lt3A_628 : vector<16xi32>
      %jit3A_630 = arith.constant 0 : i32
      %broadcast_in_dim3A_631 = vector.broadcast %jit3A_630 : i32 to vector<16xi32>
      %select_n3A_632 = arith.select %lt3A_629, %select_n3A_626, %broadcast_in_dim3A_631 : vector<16xi1>, vector<16xi32>
      %jit3A_633 = arith.constant 0 : i32
      %jit3A_634 = arith.constant 99999 : i32
      %max3A_635 = vector.broadcast %jit3A_633 : i32 to vector<16xi32>
      %max3A_636 = arith.maxsi %max3A_635, %select_n3A_632 : vector<16xi32>
      %min3A_637 = vector.broadcast %jit3A_634 : i32 to vector<16xi32>
      %min3A_638 = arith.minsi %min3A_637, %max3A_636 : vector<16xi32>
      %swap3A_639 = arith.constant 0 : index
      %swap3A_640 = tpu.vector_load %arg17[%swap3A_639] {strides = array<i32>} : memref<64xi32, #tpu.memory_space<vmem>>, vector<16xi32>,
      tpu.vector_store %arg17[%swap3A_639], %min3A_638 {strides = array<i32>} : memref<64xi32, #tpu.memory_space<vmem>>, vector<16xi32>,
      %all_reduce_population_count3A_641 = tpu.all_reduce %and3A_610 {dim = 0 : i64, kind = #tpu.reduction_kind<sum>} : vector<16xi1> -> vector<16xi32>
      %reduce_max3A_642 = arith.constant true
      %reduce_max3A_643 = vector.broadcast %reduce_max3A_642 : i1 to vector<16xi1>
      %reduce_max3A_644 = arith.constant -2147483648 : i32
      %reduce_max3A_645 = vector.broadcast %reduce_max3A_644 : i32 to vector<16xi32>
      %reduce_max3A_646 = arith.xori %all_reduce_population_count3A_641, %reduce_max3A_645 : vector<16xi32>
      %reduce_max3A_647 = tpu.scan <max>, %reduce_max3A_646 masked %reduce_max3A_643 : vector<16xi32>, vector<16xi1> -> vector<16xi32>
      %reduce_max3A_648 = arith.xori %reduce_max3A_647, %reduce_max3A_645 : vector<16xi32>
      %reduce_max3A_649 = vector.extract %reduce_max3A_648[15] : i32 from vector<16xi32>
      %add3A_650 = arith.constant 0 : i32
      %add3A_651 = arith.addi %add3A_650, %reduce_max3A_649 : i32
      %lt3A_652 = arith.constant 50 : i32
      %lt3A_653 = vector.broadcast %lt3A_652 : i32 to vector<16xi32>
      %lt3A_654 = arith.cmpi slt, %add3A_270, %lt3A_653 : vector<16xi32>
      %not3A_655 = arith.constant dense<true> : vector<16xi1>
      %not3A_656 = arith.xori %gt3A_517, %not3A_655 : vector<16xi1>
      %and3A_657 = arith.andi %lt3A_654, %not3A_656 : vector<16xi1>
      %jit3A_658 = arith.constant 1 : i32
      %jit3A_659 = arith.constant 0 : i32
      %broadcast_in_dim3A_660 = vector.broadcast %jit3A_658 : i32 to vector<16xi32>
      %broadcast_in_dim3A_661 = vector.broadcast %jit3A_659 : i32 to vector<16xi32>
      %select_n3A_662 = arith.select %and3A_657, %broadcast_in_dim3A_660, %broadcast_in_dim3A_661 : vector<16xi1>, vector<16xi32>
      %cumsum3A_663 = arith.constant true
      %cumsum3A_664 = vector.broadcast %cumsum3A_663 : i1 to vector<16xi1>
      %cumsum3A_665 = tpu.scan <sum>, %select_n3A_662 masked %cumsum3A_664 : vector<16xi32>, vector<16xi1> -> vector<16xi32>
      %add3A_666 = vector.broadcast %add3A_651 : i32 to vector<16xi32>
      %add3A_667 = arith.addi %cumsum3A_665, %add3A_666 : vector<16xi32>
      %sub3A_668 = arith.constant 1 : i32
      %sub3A_669 = vector.broadcast %sub3A_668 : i32 to vector<16xi32>
      %sub3A_670 = arith.subi %add3A_667, %sub3A_669 : vector<16xi32>
      %gather3A_671 = tpu.vector_load_idx %arg16[%sub3A_670] masked %and3A_657 : memref<128xi32, #tpu.memory_space<vmem>>[vector<16xi32>], vector<16xi32>, vector<16xi1>
      %select_n3A_672 = arith.select %and3A_657, %gather3A_671, %get3A_260 : vector<16xi1>, vector<16xi32>
      %lt3A_673 = arith.constant 50 : i32
      %lt3A_674 = vector.broadcast %lt3A_673 : i32 to vector<16xi32>
      %lt3A_675 = arith.cmpi slt, %add3A_270, %lt3A_674 : vector<16xi32>
      %jit3A_676 = arith.constant 0 : i32
      %broadcast_in_dim3A_677 = vector.broadcast %jit3A_676 : i32 to vector<16xi32>
      %select_n3A_678 = arith.select %lt3A_675, %select_n3A_672, %broadcast_in_dim3A_677 : vector<16xi1>, vector<16xi32>
      %jit3A_679 = arith.constant 0 : i32
      %jit3A_680 = arith.constant 99999 : i32
      %max3A_681 = vector.broadcast %jit3A_679 : i32 to vector<16xi32>
      %max3A_682 = arith.maxsi %max3A_681, %select_n3A_678 : vector<16xi32>
      %min3A_683 = vector.broadcast %jit3A_680 : i32 to vector<16xi32>
      %min3A_684 = arith.minsi %min3A_683, %max3A_682 : vector<16xi32>
      %swap3A_685 = arith.constant 16 : index
      %swap3A_686 = tpu.vector_load %arg17[%swap3A_685] {strides = array<i32>} : memref<64xi32, #tpu.memory_space<vmem>>, vector<16xi32>,
      tpu.vector_store %arg17[%swap3A_685], %min3A_684 {strides = array<i32>} : memref<64xi32, #tpu.memory_space<vmem>>, vector<16xi32>,
      %all_reduce_population_count3A_687 = tpu.all_reduce %and3A_657 {dim = 0 : i64, kind = #tpu.reduction_kind<sum>} : vector<16xi1> -> vector<16xi32>
      %reduce_max3A_688 = arith.constant true
      %reduce_max3A_689 = vector.broadcast %reduce_max3A_688 : i1 to vector<16xi1>
      %reduce_max3A_690 = arith.constant -2147483648 : i32
      %reduce_max3A_691 = vector.broadcast %reduce_max3A_690 : i32 to vector<16xi32>
      %reduce_max3A_692 = arith.xori %all_reduce_population_count3A_687, %reduce_max3A_691 : vector<16xi32>
      %reduce_max3A_693 = tpu.scan <max>, %reduce_max3A_692 masked %reduce_max3A_689 : vector<16xi32>, vector<16xi1> -> vector<16xi32>
      %reduce_max3A_694 = arith.xori %reduce_max3A_693, %reduce_max3A_691 : vector<16xi32>
      %reduce_max3A_695 = vector.extract %reduce_max3A_694[15] : i32 from vector<16xi32>
      %add3A_696 = arith.addi %add3A_651, %reduce_max3A_695 : i32
      %lt3A_697 = arith.constant 50 : i32
      %lt3A_698 = vector.broadcast %lt3A_697 : i32 to vector<16xi32>
      %lt3A_699 = arith.cmpi slt, %add3A_273, %lt3A_698 : vector<16xi32>
      %not3A_700 = arith.constant dense<true> : vector<16xi1>
      %not3A_701 = arith.xori %gt3A_520, %not3A_700 : vector<16xi1>
      %and3A_702 = arith.andi %lt3A_699, %not3A_701 : vector<16xi1>
      %jit3A_703 = arith.constant 1 : i32
      %jit3A_704 = arith.constant 0 : i32
      %broadcast_in_dim3A_705 = vector.broadcast %jit3A_703 : i32 to vector<16xi32>
      %broadcast_in_dim3A_706 = vector.broadcast %jit3A_704 : i32 to vector<16xi32>
      %select_n3A_707 = arith.select %and3A_702, %broadcast_in_dim3A_705, %broadcast_in_dim3A_706 : vector<16xi1>, vector<16xi32>
      %cumsum3A_708 = arith.constant true
      %cumsum3A_709 = vector.broadcast %cumsum3A_708 : i1 to vector<16xi1>
      %cumsum3A_710 = tpu.scan <sum>, %select_n3A_707 masked %cumsum3A_709 : vector<16xi32>, vector<16xi1> -> vector<16xi32>
      %add3A_711 = vector.broadcast %add3A_696 : i32 to vector<16xi32>
      %add3A_712 = arith.addi %cumsum3A_710, %add3A_711 : vector<16xi32>
      %sub3A_713 = arith.constant 1 : i32
      %sub3A_714 = vector.broadcast %sub3A_713 : i32 to vector<16xi32>
      %sub3A_715 = arith.subi %add3A_712, %sub3A_714 : vector<16xi32>
      %gather3A_716 = tpu.vector_load_idx %arg16[%sub3A_715] masked %and3A_702 : memref<128xi32, #tpu.memory_space<vmem>>[vector<16xi32>], vector<16xi32>, vector<16xi1>
      %select_n3A_717 = arith.select %and3A_702, %gather3A_716, %get3A_262 : vector<16xi1>, vector<16xi32>
      %lt3A_718 = arith.constant 50 : i32
      %lt3A_719 = vector.broadcast %lt3A_718 : i32 to vector<16xi32>
      %lt3A_720 = arith.cmpi slt, %add3A_273, %lt3A_719 : vector<16xi32>
      %jit3A_721 = arith.constant 0 : i32
      %broadcast_in_dim3A_722 = vector.broadcast %jit3A_721 : i32 to vector<16xi32>
      %select_n3A_723 = arith.select %lt3A_720, %select_n3A_717, %broadcast_in_dim3A_722 : vector<16xi1>, vector<16xi32>
      %jit3A_724 = arith.constant 0 : i32
      %jit3A_725 = arith.constant 99999 : i32
      %max3A_726 = vector.broadcast %jit3A_724 : i32 to vector<16xi32>
      %max3A_727 = arith.maxsi %max3A_726, %select_n3A_723 : vector<16xi32>
      %min3A_728 = vector.broadcast %jit3A_725 : i32 to vector<16xi32>
      %min3A_729 = arith.minsi %min3A_728, %max3A_727 : vector<16xi32>
      %swap3A_730 = arith.constant 32 : index
      %swap3A_731 = tpu.vector_load %arg17[%swap3A_730] {strides = array<i32>} : memref<64xi32, #tpu.memory_space<vmem>>, vector<16xi32>,
      tpu.vector_store %arg17[%swap3A_730], %min3A_729 {strides = array<i32>} : memref<64xi32, #tpu.memory_space<vmem>>, vector<16xi32>,
      %all_reduce_population_count3A_732 = tpu.all_reduce %and3A_702 {dim = 0 : i64, kind = #tpu.reduction_kind<sum>} : vector<16xi1> -> vector<16xi32>
      %reduce_max3A_733 = arith.constant true
      %reduce_max3A_734 = vector.broadcast %reduce_max3A_733 : i1 to vector<16xi1>
      %reduce_max3A_735 = arith.constant -2147483648 : i32
      %reduce_max3A_736 = vector.broadcast %reduce_max3A_735 : i32 to vector<16xi32>
      %reduce_max3A_737 = arith.xori %all_reduce_population_count3A_732, %reduce_max3A_736 : vector<16xi32>
      %reduce_max3A_738 = tpu.scan <max>, %reduce_max3A_737 masked %reduce_max3A_734 : vector<16xi32>, vector<16xi1> -> vector<16xi32>
      %reduce_max3A_739 = arith.xori %reduce_max3A_738, %reduce_max3A_736 : vector<16xi32>
      %reduce_max3A_740 = vector.extract %reduce_max3A_739[15] : i32 from vector<16xi32>
      %add3A_741 = arith.addi %add3A_696, %reduce_max3A_740 : i32
      %lt3A_742 = arith.constant 50 : i32
      %lt3A_743 = vector.broadcast %lt3A_742 : i32 to vector<16xi32>
      %lt3A_744 = arith.cmpi slt, %add3A_276, %lt3A_743 : vector<16xi32>
      %not3A_745 = arith.constant dense<true> : vector<16xi1>
      %not3A_746 = arith.xori %gt3A_523, %not3A_745 : vector<16xi1>
      %and3A_747 = arith.andi %lt3A_744, %not3A_746 : vector<16xi1>
      %jit3A_748 = arith.constant 1 : i32
      %jit3A_749 = arith.constant 0 : i32
      %broadcast_in_dim3A_750 = vector.broadcast %jit3A_748 : i32 to vector<16xi32>
      %broadcast_in_dim3A_751 = vector.broadcast %jit3A_749 : i32 to vector<16xi32>
      %select_n3A_752 = arith.select %and3A_747, %broadcast_in_dim3A_750, %broadcast_in_dim3A_751 : vector<16xi1>, vector<16xi32>
      %cumsum3A_753 = arith.constant true
      %cumsum3A_754 = vector.broadcast %cumsum3A_753 : i1 to vector<16xi1>
      %cumsum3A_755 = tpu.scan <sum>, %select_n3A_752 masked %cumsum3A_754 : vector<16xi32>, vector<16xi1> -> vector<16xi32>
      %add3A_756 = vector.broadcast %add3A_741 : i32 to vector<16xi32>
      %add3A_757 = arith.addi %cumsum3A_755, %add3A_756 : vector<16xi32>
      %sub3A_758 = arith.constant 1 : i32
      %sub3A_759 = vector.broadcast %sub3A_758 : i32 to vector<16xi32>
      %sub3A_760 = arith.subi %add3A_757, %sub3A_759 : vector<16xi32>
      %gather3A_761 = tpu.vector_load_idx %arg16[%sub3A_760] masked %and3A_747 : memref<128xi32, #tpu.memory_space<vmem>>[vector<16xi32>], vector<16xi32>, vector<16xi1>
      %select_n3A_762 = arith.select %and3A_747, %gather3A_761, %get3A_264 : vector<16xi1>, vector<16xi32>
      %lt3A_763 = arith.constant 50 : i32
      %lt3A_764 = vector.broadcast %lt3A_763 : i32 to vector<16xi32>
      %lt3A_765 = arith.cmpi slt, %add3A_276, %lt3A_764 : vector<16xi32>
      %jit3A_766 = arith.constant 0 : i32
      %broadcast_in_dim3A_767 = vector.broadcast %jit3A_766 : i32 to vector<16xi32>
      %select_n3A_768 = arith.select %lt3A_765, %select_n3A_762, %broadcast_in_dim3A_767 : vector<16xi1>, vector<16xi32>
      %jit3A_769 = arith.constant 0 : i32
      %jit3A_770 = arith.constant 99999 : i32
      %max3A_771 = vector.broadcast %jit3A_769 : i32 to vector<16xi32>
      %max3A_772 = arith.maxsi %max3A_771, %select_n3A_768 : vector<16xi32>
      %min3A_773 = vector.broadcast %jit3A_770 : i32 to vector<16xi32>
      %min3A_774 = arith.minsi %min3A_773, %max3A_772 : vector<16xi32>
      %swap3A_775 = arith.constant 48 : index
      %swap3A_776 = tpu.vector_load %arg17[%swap3A_775] {strides = array<i32>} : memref<64xi32, #tpu.memory_space<vmem>>, vector<16xi32>,
      tpu.vector_store %arg17[%swap3A_775], %min3A_774 {strides = array<i32>} : memref<64xi32, #tpu.memory_space<vmem>>, vector<16xi32>,
      %all_reduce_population_count3A_777 = tpu.all_reduce %and3A_747 {dim = 0 : i64, kind = #tpu.reduction_kind<sum>} : vector<16xi1> -> vector<16xi32>
      %reduce_max3A_778 = arith.constant true
      %reduce_max3A_779 = vector.broadcast %reduce_max3A_778 : i1 to vector<16xi1>
      %reduce_max3A_780 = arith.constant -2147483648 : i32
      %reduce_max3A_781 = vector.broadcast %reduce_max3A_780 : i32 to vector<16xi32>
      %reduce_max3A_782 = arith.xori %all_reduce_population_count3A_777, %reduce_max3A_781 : vector<16xi32>
      %reduce_max3A_783 = tpu.scan <max>, %reduce_max3A_782 masked %reduce_max3A_779 : vector<16xi32>, vector<16xi1> -> vector<16xi32>
      %reduce_max3A_784 = arith.xori %reduce_max3A_783, %reduce_max3A_781 : vector<16xi32>
      %reduce_max3A_785 = vector.extract %reduce_max3A_784[15] : i32 from vector<16xi32>
      %add3A_786 = arith.addi %add3A_741, %reduce_max3A_785 : i32
      %dma_start3A = arith.constant 0 : i32
      %dma_start3A_787 = tpu.memref_slice %arg4[%dma_start3A] : memref<100000xi32, #tpu.memory_space<hbm>> -> memref<100000xi32, #tpu.memory_space<hbm>>
      tpu.enqueue_indirect_dma source(%dma_start3A_787 : memref<100000xi32, #tpu.memory_space<hbm>>) target(%arg18 : memref<64xi32, #tpu.memory_space<vmem>>) offsets(%arg17 : memref<64xi32, #tpu.memory_space<vmem>>) semaphore(%arg20 : memref<!tpu.dma_semaphore, #tpu.memory_space<semaphore_mem>>)
      %dma_wait3A = arith.constant 0 : i32
      %dma_wait3A_788 = tpu.memref_slice %arg4[%dma_wait3A] : memref<100000xi32, #tpu.memory_space<hbm>> -> memref<100000xi32, #tpu.memory_space<hbm>>
      tpu.wait_indirect_dma semaphore(%arg20 : memref<!tpu.dma_semaphore, #tpu.memory_space<semaphore_mem>>) src(%dma_wait3A_788 : memref<100000xi32, #tpu.memory_space<hbm>>) dst(%arg18 : memref<64xi32, #tpu.memory_space<vmem>>)
      %lt3A_789 = arith.constant 50 : i32
      %lt3A_790 = vector.broadcast %lt3A_789 : i32 to vector<16xi32>
      %lt3A_791 = arith.cmpi slt, %add3A_267, %lt3A_790 : vector<16xi32>
      %get3A_792 = arith.constant 0 : index
      %get3A_793 = tpu.vector_load %arg18[%get3A_792] {strides = array<i32>} : memref<64xi32, #tpu.memory_space<vmem>>, vector<16xi32>,
      %convert_element_type3A = arith.sitofp %get3A_793 : vector<16xi32> to vector<16xf32>
      %jit3A_794 = arith.constant -1.000000e+30 : f32
      %broadcast_in_dim3A_795 = vector.broadcast %jit3A_794 : f32 to vector<16xf32>
      %select_n3A_796 = arith.select %lt3A_791, %convert_element_type3A, %broadcast_in_dim3A_795 : vector<16xi1>, vector<16xf32>
      %lt3A_797 = arith.constant 50 : i32
      %lt3A_798 = vector.broadcast %lt3A_797 : i32 to vector<16xi32>
      %lt3A_799 = arith.cmpi slt, %add3A_270, %lt3A_798 : vector<16xi32>
      %get3A_800 = arith.constant 16 : index
      %get3A_801 = tpu.vector_load %arg18[%get3A_800] {strides = array<i32>} : memref<64xi32, #tpu.memory_space<vmem>>, vector<16xi32>,
      %convert_element_type3A_802 = arith.sitofp %get3A_801 : vector<16xi32> to vector<16xf32>
      %jit3A_803 = arith.constant -1.000000e+30 : f32
      %broadcast_in_dim3A_804 = vector.broadcast %jit3A_803 : f32 to vector<16xf32>
      %select_n3A_805 = arith.select %lt3A_799, %convert_element_type3A_802, %broadcast_in_dim3A_804 : vector<16xi1>, vector<16xf32>
      %lt3A_806 = arith.constant 50 : i32
      %lt3A_807 = vector.broadcast %lt3A_806 : i32 to vector<16xi32>
      %lt3A_808 = arith.cmpi slt, %add3A_273, %lt3A_807 : vector<16xi32>
      %get3A_809 = arith.constant 32 : index
      %get3A_810 = tpu.vector_load %arg18[%get3A_809] {strides = array<i32>} : memref<64xi32, #tpu.memory_space<vmem>>, vector<16xi32>,
      %convert_element_type3A_811 = arith.sitofp %get3A_810 : vector<16xi32> to vector<16xf32>
      %jit3A_812 = arith.constant -1.000000e+30 : f32
      %broadcast_in_dim3A_813 = vector.broadcast %jit3A_812 : f32 to vector<16xf32>
      %select_n3A_814 = arith.select %lt3A_808, %convert_element_type3A_811, %broadcast_in_dim3A_813 : vector<16xi1>, vector<16xf32>
      %lt3A_815 = arith.constant 50 : i32
      %lt3A_816 = vector.broadcast %lt3A_815 : i32 to vector<16xi32>
      %lt3A_817 = arith.cmpi slt, %add3A_276, %lt3A_816 : vector<16xi32>
      %get3A_818 = arith.constant 48 : index
      %get3A_819 = tpu.vector_load %arg18[%get3A_818] {strides = array<i32>} : memref<64xi32, #tpu.memory_space<vmem>>, vector<16xi32>,
      %convert_element_type3A_820 = arith.sitofp %get3A_819 : vector<16xi32> to vector<16xf32>
      %jit3A_821 = arith.constant -1.000000e+30 : f32
      %broadcast_in_dim3A_822 = vector.broadcast %jit3A_821 : f32 to vector<16xf32>
      %select_n3A_823 = arith.select %lt3A_817, %convert_element_type3A_820, %broadcast_in_dim3A_822 : vector<16xi1>, vector<16xf32>
      %max3A_824 = arith.maximumf %select_n3A_796, %select_n3A_805 : vector<16xf32>
      %max3A_825 = arith.maximumf %select_n3A_814, %select_n3A_823 : vector<16xf32>
      %max3A_826 = arith.maximumf %max3A_824, %max3A_825 : vector<16xf32>
      %reduce_max3A_827 = arith.constant true
      %reduce_max3A_828 = vector.broadcast %reduce_max3A_827 : i1 to vector<16xi1>
      %reduce_max3A_829 = tpu.scan <max>, %max3A_826 masked %reduce_max3A_828 : vector<16xf32>, vector<16xi1> -> vector<16xf32>
      %reduce_max3A_830 = vector.extract %reduce_max3A_829[15] : f32 from vector<16xf32>
      %sub3A_831 = vector.broadcast %reduce_max3A_830 : f32 to vector<16xf32>
      %sub3A_832 = arith.subf %select_n3A_796, %sub3A_831 : vector<16xf32>
      %exp3A_833 = math.exp %sub3A_832 : vector<16xf32>
      %sub3A_834 = vector.broadcast %reduce_max3A_830 : f32 to vector<16xf32>
      %sub3A_835 = arith.subf %select_n3A_805, %sub3A_834 : vector<16xf32>
      %exp3A_836 = math.exp %sub3A_835 : vector<16xf32>
      %sub3A_837 = vector.broadcast %reduce_max3A_830 : f32 to vector<16xf32>
      %sub3A_838 = arith.subf %select_n3A_814, %sub3A_837 : vector<16xf32>
      %exp3A_839 = math.exp %sub3A_838 : vector<16xf32>
      %sub3A_840 = vector.broadcast %reduce_max3A_830 : f32 to vector<16xf32>
      %sub3A_841 = arith.subf %select_n3A_823, %sub3A_840 : vector<16xf32>
      %exp3A_842 = math.exp %sub3A_841 : vector<16xf32>
      %add3A_843 = arith.addf %exp3A_833, %exp3A_836 : vector<16xf32>
      %add3A_844 = arith.addf %exp3A_839, %exp3A_842 : vector<16xf32>
      %add3A_845 = arith.addf %add3A_843, %add3A_844 : vector<16xf32>
      %reduce_sum3A_846 = arith.constant true
      %reduce_sum3A_847 = vector.broadcast %reduce_sum3A_846 : i1 to vector<16xi1>
      %reduce_sum3A_848 = tpu.scan <sum>, %add3A_845 masked %reduce_sum3A_847 : vector<16xf32>, vector<16xi1> -> vector<16xf32>
      %reduce_sum3A_849 = vector.extract %reduce_sum3A_848[15] : f32 from vector<16xf32>
      %broadcast_in_dim3A_850 = vector.broadcast %reduce_sum3A_849 : f32 to vector<16xf32>
      %div3A_851 = arith.divf %exp3A_833, %broadcast_in_dim3A_850 : vector<16xf32>
      %div3A_852 = arith.divf %exp3A_836, %broadcast_in_dim3A_850 : vector<16xf32>
      %div3A_853 = arith.divf %exp3A_839, %broadcast_in_dim3A_850 : vector<16xf32>
      %div3A_854 = arith.divf %exp3A_842, %broadcast_in_dim3A_850 : vector<16xf32>
      %mul3A_855 = arith.constant 5.000000e-01 : f32
      %mul3A_856 = vector.broadcast %mul3A_855 : f32 to vector<16xf32>
      %mul3A_857 = arith.mulf %mul3A_856, %div3A_508 : vector<16xf32>
      %mul3A_858 = arith.constant 5.000000e-01 : f32
      %mul3A_859 = vector.broadcast %mul3A_858 : f32 to vector<16xf32>
      %mul3A_860 = arith.mulf %mul3A_859, %div3A_851 : vector<16xf32>
      %add3A_861 = arith.addf %mul3A_857, %mul3A_860 : vector<16xf32>
      %mul3A_862 = arith.constant 5.000000e-01 : f32
      %mul3A_863 = vector.broadcast %mul3A_862 : f32 to vector<16xf32>
      %mul3A_864 = arith.mulf %mul3A_863, %div3A_509 : vector<16xf32>
      %mul3A_865 = arith.constant 5.000000e-01 : f32
      %mul3A_866 = vector.broadcast %mul3A_865 : f32 to vector<16xf32>
      %mul3A_867 = arith.mulf %mul3A_866, %div3A_852 : vector<16xf32>
      %add3A_868 = arith.addf %mul3A_864, %mul3A_867 : vector<16xf32>
      %mul3A_869 = arith.constant 5.000000e-01 : f32
      %mul3A_870 = vector.broadcast %mul3A_869 : f32 to vector<16xf32>
      %mul3A_871 = arith.mulf %mul3A_870, %div3A_510 : vector<16xf32>
      %mul3A_872 = arith.constant 5.000000e-01 : f32
      %mul3A_873 = vector.broadcast %mul3A_872 : f32 to vector<16xf32>
      %mul3A_874 = arith.mulf %mul3A_873, %div3A_853 : vector<16xf32>
      %add3A_875 = arith.addf %mul3A_871, %mul3A_874 : vector<16xf32>
      %mul3A_876 = arith.constant 5.000000e-01 : f32
      %mul3A_877 = vector.broadcast %mul3A_876 : f32 to vector<16xf32>
      %mul3A_878 = arith.mulf %mul3A_877, %div3A_511 : vector<16xf32>
      %mul3A_879 = arith.constant 5.000000e-01 : f32
      %mul3A_880 = vector.broadcast %mul3A_879 : f32 to vector<16xf32>
      %mul3A_881 = arith.mulf %mul3A_880, %div3A_854 : vector<16xf32>
      %add3A_882 = arith.addf %mul3A_878, %mul3A_881 : vector<16xf32>
      %ge3A_883 = arith.constant 1.000000e-03 : f32
      %ge3A_884 = vector.broadcast %ge3A_883 : f32 to vector<16xf32>
      %ge3A_885 = arith.cmpf oge, %div3A_508, %ge3A_884 : vector<16xf32>
      %jit3A_886 = arith.constant -3.000000e+38 : f32
      %broadcast_in_dim3A_887 = vector.broadcast %jit3A_886 : f32 to vector<16xf32>
      %select_n3A_888 = arith.select %ge3A_885, %add3A_861, %broadcast_in_dim3A_887 : vector<16xi1>, vector<16xf32>
      %ge3A_889 = arith.constant 1.000000e-03 : f32
      %ge3A_890 = vector.broadcast %ge3A_889 : f32 to vector<16xf32>
      %ge3A_891 = arith.cmpf oge, %div3A_509, %ge3A_890 : vector<16xf32>
      %jit3A_892 = arith.constant -3.000000e+38 : f32
      %broadcast_in_dim3A_893 = vector.broadcast %jit3A_892 : f32 to vector<16xf32>
      %select_n3A_894 = arith.select %ge3A_891, %add3A_868, %broadcast_in_dim3A_893 : vector<16xi1>, vector<16xf32>
      %ge3A_895 = arith.constant 1.000000e-03 : f32
      %ge3A_896 = vector.broadcast %ge3A_895 : f32 to vector<16xf32>
      %ge3A_897 = arith.cmpf oge, %div3A_510, %ge3A_896 : vector<16xf32>
      %jit3A_898 = arith.constant -3.000000e+38 : f32
      %broadcast_in_dim3A_899 = vector.broadcast %jit3A_898 : f32 to vector<16xf32>
      %select_n3A_900 = arith.select %ge3A_897, %add3A_875, %broadcast_in_dim3A_899 : vector<16xi1>, vector<16xf32>
      %ge3A_901 = arith.constant 1.000000e-03 : f32
      %ge3A_902 = vector.broadcast %ge3A_901 : f32 to vector<16xf32>
      %ge3A_903 = arith.cmpf oge, %div3A_511, %ge3A_902 : vector<16xf32>
      %jit3A_904 = arith.constant -3.000000e+38 : f32
      %broadcast_in_dim3A_905 = vector.broadcast %jit3A_904 : f32 to vector<16xf32>
      %select_n3A_906 = arith.select %ge3A_903, %add3A_882, %broadcast_in_dim3A_905 : vector<16xi1>, vector<16xf32>
      %eq3A_907 = arith.constant 2 : i32
      %eq3A_908 = vector.broadcast %eq3A_907 : i32 to vector<16xi32>
      %eq3A_909 = arith.cmpi eq, %min3A_638, %eq3A_908 : vector<16xi32>
      %and3A_910 = arith.andi %eq3A_909, %gt3A_514 : vector<16xi1>
      %eq3A_911 = arith.constant 2 : i32
      %eq3A_912 = vector.broadcast %eq3A_911 : i32 to vector<16xi32>
      %eq3A_913 = arith.cmpi eq, %min3A_684, %eq3A_912 : vector<16xi32>
      %and3A_914 = arith.andi %eq3A_913, %gt3A_517 : vector<16xi1>
      %eq3A_915 = arith.constant 2 : i32
      %eq3A_916 = vector.broadcast %eq3A_915 : i32 to vector<16xi32>
      %eq3A_917 = arith.cmpi eq, %min3A_729, %eq3A_916 : vector<16xi32>
      %and3A_918 = arith.andi %eq3A_917, %gt3A_520 : vector<16xi1>
      %eq3A_919 = arith.constant 2 : i32
      %eq3A_920 = vector.broadcast %eq3A_919 : i32 to vector<16xi32>
      %eq3A_921 = arith.cmpi eq, %min3A_774, %eq3A_920 : vector<16xi32>
      %and3A_922 = arith.andi %eq3A_921, %gt3A_523 : vector<16xi1>
      %jit3A_923 = arith.constant 0.000000e+00 : f32
      %broadcast_in_dim3A_924 = vector.broadcast %jit3A_923 : f32 to vector<16xf32>
      %select_n3A_925 = arith.select %and3A_910, %div3A_508, %broadcast_in_dim3A_924 : vector<16xi1>, vector<16xf32>
      %reduce_sum3A_926 = arith.constant true
      %reduce_sum3A_927 = vector.broadcast %reduce_sum3A_926 : i1 to vector<16xi1>
      %reduce_sum3A_928 = tpu.scan <sum>, %select_n3A_925 masked %reduce_sum3A_927 : vector<16xf32>, vector<16xi1> -> vector<16xf32>
      %reduce_sum3A_929 = vector.extract %reduce_sum3A_928[15] : f32 from vector<16xf32>
      %add3A_930 = arith.constant 0.000000e+00 : f32
      %add3A_931 = arith.addf %add3A_930, %reduce_sum3A_929 : f32
      %all_reduce_population_count3A_932 = tpu.all_reduce %and3A_910 {dim = 0 : i64, kind = #tpu.reduction_kind<sum>} : vector<16xi1> -> vector<16xi32>
      %reduce_max3A_933 = arith.constant true
      %reduce_max3A_934 = vector.broadcast %reduce_max3A_933 : i1 to vector<16xi1>
      %reduce_max3A_935 = arith.constant -2147483648 : i32
      %reduce_max3A_936 = vector.broadcast %reduce_max3A_935 : i32 to vector<16xi32>
      %reduce_max3A_937 = arith.xori %all_reduce_population_count3A_932, %reduce_max3A_936 : vector<16xi32>
      %reduce_max3A_938 = tpu.scan <max>, %reduce_max3A_937 masked %reduce_max3A_934 : vector<16xi32>, vector<16xi1> -> vector<16xi32>
      %reduce_max3A_939 = arith.xori %reduce_max3A_938, %reduce_max3A_936 : vector<16xi32>
      %reduce_max3A_940 = vector.extract %reduce_max3A_939[15] : i32 from vector<16xi32>
      %add3A_941 = arith.constant 0 : i32
      %add3A_942 = arith.addi %add3A_941, %reduce_max3A_940 : i32
      %jit3A_943 = arith.constant 0.000000e+00 : f32
      %broadcast_in_dim3A_944 = vector.broadcast %jit3A_943 : f32 to vector<16xf32>
      %select_n3A_945 = arith.select %and3A_914, %div3A_509, %broadcast_in_dim3A_944 : vector<16xi1>, vector<16xf32>
      %reduce_sum3A_946 = arith.constant true
      %reduce_sum3A_947 = vector.broadcast %reduce_sum3A_946 : i1 to vector<16xi1>
      %reduce_sum3A_948 = tpu.scan <sum>, %select_n3A_945 masked %reduce_sum3A_947 : vector<16xf32>, vector<16xi1> -> vector<16xf32>
      %reduce_sum3A_949 = vector.extract %reduce_sum3A_948[15] : f32 from vector<16xf32>
      %add3A_950 = arith.addf %add3A_931, %reduce_sum3A_949 : f32
      %all_reduce_population_count3A_951 = tpu.all_reduce %and3A_914 {dim = 0 : i64, kind = #tpu.reduction_kind<sum>} : vector<16xi1> -> vector<16xi32>
      %reduce_max3A_952 = arith.constant true
      %reduce_max3A_953 = vector.broadcast %reduce_max3A_952 : i1 to vector<16xi1>
      %reduce_max3A_954 = arith.constant -2147483648 : i32
      %reduce_max3A_955 = vector.broadcast %reduce_max3A_954 : i32 to vector<16xi32>
      %reduce_max3A_956 = arith.xori %all_reduce_population_count3A_951, %reduce_max3A_955 : vector<16xi32>
      %reduce_max3A_957 = tpu.scan <max>, %reduce_max3A_956 masked %reduce_max3A_953 : vector<16xi32>, vector<16xi1> -> vector<16xi32>
      %reduce_max3A_958 = arith.xori %reduce_max3A_957, %reduce_max3A_955 : vector<16xi32>
      %reduce_max3A_959 = vector.extract %reduce_max3A_958[15] : i32 from vector<16xi32>
      %add3A_960 = arith.addi %add3A_942, %reduce_max3A_959 : i32
      %jit3A_961 = arith.constant 0.000000e+00 : f32
      %broadcast_in_dim3A_962 = vector.broadcast %jit3A_961 : f32 to vector<16xf32>
      %select_n3A_963 = arith.select %and3A_918, %div3A_510, %broadcast_in_dim3A_962 : vector<16xi1>, vector<16xf32>
      %reduce_sum3A_964 = arith.constant true
      %reduce_sum3A_965 = vector.broadcast %reduce_sum3A_964 : i1 to vector<16xi1>
      %reduce_sum3A_966 = tpu.scan <sum>, %select_n3A_963 masked %reduce_sum3A_965 : vector<16xf32>, vector<16xi1> -> vector<16xf32>
      %reduce_sum3A_967 = vector.extract %reduce_sum3A_966[15] : f32 from vector<16xf32>
      %add3A_968 = arith.addf %add3A_950, %reduce_sum3A_967 : f32
      %all_reduce_population_count3A_969 = tpu.all_reduce %and3A_918 {dim = 0 : i64, kind = #tpu.reduction_kind<sum>} : vector<16xi1> -> vector<16xi32>
      %reduce_max3A_970 = arith.constant true
      %reduce_max3A_971 = vector.broadcast %reduce_max3A_970 : i1 to vector<16xi1>
      %reduce_max3A_972 = arith.constant -2147483648 : i32
      %reduce_max3A_973 = vector.broadcast %reduce_max3A_972 : i32 to vector<16xi32>
      %reduce_max3A_974 = arith.xori %all_reduce_population_count3A_969, %reduce_max3A_973 : vector<16xi32>
      %reduce_max3A_975 = tpu.scan <max>, %reduce_max3A_974 masked %reduce_max3A_971 : vector<16xi32>, vector<16xi1> -> vector<16xi32>
      %reduce_max3A_976 = arith.xori %reduce_max3A_975, %reduce_max3A_973 : vector<16xi32>
      %reduce_max3A_977 = vector.extract %reduce_max3A_976[15] : i32 from vector<16xi32>
      %add3A_978 = arith.addi %add3A_960, %reduce_max3A_977 : i32
      %jit3A_979 = arith.constant 0.000000e+00 : f32
      %broadcast_in_dim3A_980 = vector.broadcast %jit3A_979 : f32 to vector<16xf32>
      %select_n3A_981 = arith.select %and3A_922, %div3A_511, %broadcast_in_dim3A_980 : vector<16xi1>, vector<16xf32>
      %reduce_sum3A_982 = arith.constant true
      %reduce_sum3A_983 = vector.broadcast %reduce_sum3A_982 : i1 to vector<16xi1>
      %reduce_sum3A_984 = tpu.scan <sum>, %select_n3A_981 masked %reduce_sum3A_983 : vector<16xf32>, vector<16xi1> -> vector<16xf32>
      %reduce_sum3A_985 = vector.extract %reduce_sum3A_984[15] : f32 from vector<16xf32>
      %add3A_986 = arith.addf %add3A_968, %reduce_sum3A_985 : f32
      %all_reduce_population_count3A_987 = tpu.all_reduce %and3A_922 {dim = 0 : i64, kind = #tpu.reduction_kind<sum>} : vector<16xi1> -> vector<16xi32>
      %reduce_max3A_988 = arith.constant true
      %reduce_max3A_989 = vector.broadcast %reduce_max3A_988 : i1 to vector<16xi1>
      %reduce_max3A_990 = arith.constant -2147483648 : i32
      %reduce_max3A_991 = vector.broadcast %reduce_max3A_990 : i32 to vector<16xi32>
      %reduce_max3A_992 = arith.xori %all_reduce_population_count3A_987, %reduce_max3A_991 : vector<16xi32>
      %reduce_max3A_993 = tpu.scan <max>, %reduce_max3A_992 masked %reduce_max3A_989 : vector<16xi32>, vector<16xi1> -> vector<16xi32>
      %reduce_max3A_994 = arith.xori %reduce_max3A_993, %reduce_max3A_991 : vector<16xi32>
      %reduce_max3A_995 = vector.extract %reduce_max3A_994[15] : i32 from vector<16xi32>
      %add3A_996 = arith.addi %add3A_978, %reduce_max3A_995 : i32
      %broadcast_in_dim3A_997 = vector.broadcast %add3A_986 : f32 to vector<16xf32>
      %broadcast_in_dim3A_998 = arith.constant 1.000000e+02 : f32
      %broadcast_in_dim3A_999 = vector.broadcast %broadcast_in_dim3A_998 : f32 to vector<16xf32>
      %div3A_1000 = arith.divf %broadcast_in_dim3A_997, %broadcast_in_dim3A_999 : vector<16xf32>
      %max3A_1001 = arith.constant 5.000000e-03 : f32
      %max3A_1002 = vector.broadcast %max3A_1001 : f32 to vector<16xf32>
      %max3A_1003 = arith.maximumf %div3A_1000, %max3A_1002 : vector<16xf32>
      %eq3A_1004 = arith.constant 0 : i32
      %eq3A_1005 = arith.cmpi eq, %add3A_996, %eq3A_1004 : i32
      %ge3A_1006 = arith.cmpf oge, %div3A_508, %max3A_1003 : vector<16xf32>
      %or3A = vector.broadcast %eq3A_1005 : i1 to vector<16xi1>
      %or3A_1007 = arith.ori %ge3A_1006, %or3A : vector<16xi1>
      %jit3A_1008 = arith.constant -3.000000e+38 : f32
      %broadcast_in_dim3A_1009 = vector.broadcast %jit3A_1008 : f32 to vector<16xf32>
      %select_n3A_1010 = arith.select %or3A_1007, %select_n3A_888, %broadcast_in_dim3A_1009 : vector<16xi1>, vector<16xf32>
      %ge3A_1011 = arith.cmpf oge, %div3A_509, %max3A_1003 : vector<16xf32>
      %or3A_1012 = vector.broadcast %eq3A_1005 : i1 to vector<16xi1>
      %or3A_1013 = arith.ori %ge3A_1011, %or3A_1012 : vector<16xi1>
      %jit3A_1014 = arith.constant -3.000000e+38 : f32
      %broadcast_in_dim3A_1015 = vector.broadcast %jit3A_1014 : f32 to vector<16xf32>
      %select_n3A_1016 = arith.select %or3A_1013, %select_n3A_894, %broadcast_in_dim3A_1015 : vector<16xi1>, vector<16xf32>
      %ge3A_1017 = arith.cmpf oge, %div3A_510, %max3A_1003 : vector<16xf32>
      %or3A_1018 = vector.broadcast %eq3A_1005 : i1 to vector<16xi1>
      %or3A_1019 = arith.ori %ge3A_1017, %or3A_1018 : vector<16xi1>
      %jit3A_1020 = arith.constant -3.000000e+38 : f32
      %broadcast_in_dim3A_1021 = vector.broadcast %jit3A_1020 : f32 to vector<16xf32>
      %select_n3A_1022 = arith.select %or3A_1019, %select_n3A_900, %broadcast_in_dim3A_1021 : vector<16xi1>, vector<16xf32>
      %ge3A_1023 = arith.cmpf oge, %div3A_511, %max3A_1003 : vector<16xf32>
      %or3A_1024 = vector.broadcast %eq3A_1005 : i1 to vector<16xi1>
      %or3A_1025 = arith.ori %ge3A_1023, %or3A_1024 : vector<16xi1>
      %jit3A_1026 = arith.constant -3.000000e+38 : f32
      %broadcast_in_dim3A_1027 = vector.broadcast %jit3A_1026 : f32 to vector<16xf32>
      %select_n3A_1028 = arith.select %or3A_1025, %select_n3A_906, %broadcast_in_dim3A_1027 : vector<16xi1>, vector<16xf32>
      %max3A_1029 = arith.maximumf %select_n3A_1010, %select_n3A_1016 : vector<16xf32>
      %max3A_1030 = arith.maximumf %select_n3A_1022, %select_n3A_1028 : vector<16xf32>
      %max3A_1031 = arith.maximumf %max3A_1029, %max3A_1030 : vector<16xf32>
      %reduce_max3A_1032 = arith.constant true
      %reduce_max3A_1033 = vector.broadcast %reduce_max3A_1032 : i1 to vector<16xi1>
      %reduce_max3A_1034 = tpu.scan <max>, %max3A_1031 masked %reduce_max3A_1033 : vector<16xf32>, vector<16xi1> -> vector<16xf32>
      %reduce_max3A_1035 = vector.extract %reduce_max3A_1034[15] : f32 from vector<16xf32>
      %eq3A_1036 = vector.broadcast %reduce_max3A_1035 : f32 to vector<16xf32>
      %eq3A_1037 = arith.cmpf oeq, %select_n3A_1010, %eq3A_1036 : vector<16xf32>
      %jit3A_1038 = arith.constant 1 : i32
      %jit3A_1039 = arith.constant 0 : i32
      %broadcast_in_dim3A_1040 = vector.broadcast %jit3A_1038 : i32 to vector<16xi32>
      %broadcast_in_dim3A_1041 = vector.broadcast %jit3A_1039 : i32 to vector<16xi32>
      %select_n3A_1042 = arith.select %eq3A_1037, %broadcast_in_dim3A_1040, %broadcast_in_dim3A_1041 : vector<16xi1>, vector<16xi32>
      %cumsum3A_1043 = arith.constant true
      %cumsum3A_1044 = vector.broadcast %cumsum3A_1043 : i1 to vector<16xi1>
      %cumsum3A_1045 = tpu.scan <sum>, %select_n3A_1042 masked %cumsum3A_1044 : vector<16xi32>, vector<16xi1> -> vector<16xi32>
      %add3A_1046 = arith.constant 0 : i32
      %add3A_1047 = vector.broadcast %add3A_1046 : i32 to vector<16xi32>
      %add3A_1048 = arith.addi %cumsum3A_1045, %add3A_1047 : vector<16xi32>
      %eq3A_1049 = arith.constant 1 : i32
      %eq3A_1050 = vector.broadcast %eq3A_1049 : i32 to vector<16xi32>
      %eq3A_1051 = arith.cmpi eq, %add3A_1048, %eq3A_1050 : vector<16xi32>
      %and3A_1052 = arith.andi %eq3A_1037, %eq3A_1051 : vector<16xi1>
      %jit3A_1053 = arith.constant -1 : i32
      %broadcast_in_dim3A_1054 = vector.broadcast %jit3A_1053 : i32 to vector<16xi32>
      %select_n3A_1055 = arith.select %and3A_1052, %min3A_638, %broadcast_in_dim3A_1054 : vector<16xi1>, vector<16xi32>
      %reduce_max3A_1056 = arith.constant true
      %reduce_max3A_1057 = vector.broadcast %reduce_max3A_1056 : i1 to vector<16xi1>
      %reduce_max3A_1058 = arith.constant -2147483648 : i32
      %reduce_max3A_1059 = vector.broadcast %reduce_max3A_1058 : i32 to vector<16xi32>
      %reduce_max3A_1060 = arith.xori %select_n3A_1055, %reduce_max3A_1059 : vector<16xi32>
      %reduce_max3A_1061 = tpu.scan <max>, %reduce_max3A_1060 masked %reduce_max3A_1057 : vector<16xi32>, vector<16xi1> -> vector<16xi32>
      %reduce_max3A_1062 = arith.xori %reduce_max3A_1061, %reduce_max3A_1059 : vector<16xi32>
      %reduce_max3A_1063 = vector.extract %reduce_max3A_1062[15] : i32 from vector<16xi32>
      %max3A_1064 = arith.constant -1 : i32
      %max3A_1065 = arith.maxsi %max3A_1064, %reduce_max3A_1063 : i32
      %all_reduce_population_count3A_1066 = tpu.all_reduce %eq3A_1037 {dim = 0 : i64, kind = #tpu.reduction_kind<sum>} : vector<16xi1> -> vector<16xi32>
      %reduce_max3A_1067 = arith.constant true
      %reduce_max3A_1068 = vector.broadcast %reduce_max3A_1067 : i1 to vector<16xi1>
      %reduce_max3A_1069 = arith.constant -2147483648 : i32
      %reduce_max3A_1070 = vector.broadcast %reduce_max3A_1069 : i32 to vector<16xi32>
      %reduce_max3A_1071 = arith.xori %all_reduce_population_count3A_1066, %reduce_max3A_1070 : vector<16xi32>
      %reduce_max3A_1072 = tpu.scan <max>, %reduce_max3A_1071 masked %reduce_max3A_1068 : vector<16xi32>, vector<16xi1> -> vector<16xi32>
      %reduce_max3A_1073 = arith.xori %reduce_max3A_1072, %reduce_max3A_1070 : vector<16xi32>
      %reduce_max3A_1074 = vector.extract %reduce_max3A_1073[15] : i32 from vector<16xi32>
      %add3A_1075 = arith.constant 0 : i32
      %add3A_1076 = arith.addi %add3A_1075, %reduce_max3A_1074 : i32
      %eq3A_1077 = vector.broadcast %reduce_max3A_1035 : f32 to vector<16xf32>
      %eq3A_1078 = arith.cmpf oeq, %select_n3A_1016, %eq3A_1077 : vector<16xf32>
      %jit3A_1079 = arith.constant 1 : i32
      %jit3A_1080 = arith.constant 0 : i32
      %broadcast_in_dim3A_1081 = vector.broadcast %jit3A_1079 : i32 to vector<16xi32>
      %broadcast_in_dim3A_1082 = vector.broadcast %jit3A_1080 : i32 to vector<16xi32>
      %select_n3A_1083 = arith.select %eq3A_1078, %broadcast_in_dim3A_1081, %broadcast_in_dim3A_1082 : vector<16xi1>, vector<16xi32>
      %cumsum3A_1084 = arith.constant true
      %cumsum3A_1085 = vector.broadcast %cumsum3A_1084 : i1 to vector<16xi1>
      %cumsum3A_1086 = tpu.scan <sum>, %select_n3A_1083 masked %cumsum3A_1085 : vector<16xi32>, vector<16xi1> -> vector<16xi32>
      %add3A_1087 = vector.broadcast %add3A_1076 : i32 to vector<16xi32>
      %add3A_1088 = arith.addi %cumsum3A_1086, %add3A_1087 : vector<16xi32>
      %eq3A_1089 = arith.constant 1 : i32
      %eq3A_1090 = vector.broadcast %eq3A_1089 : i32 to vector<16xi32>
      %eq3A_1091 = arith.cmpi eq, %add3A_1088, %eq3A_1090 : vector<16xi32>
      %and3A_1092 = arith.andi %eq3A_1078, %eq3A_1091 : vector<16xi1>
      %jit3A_1093 = arith.constant -1 : i32
      %broadcast_in_dim3A_1094 = vector.broadcast %jit3A_1093 : i32 to vector<16xi32>
      %select_n3A_1095 = arith.select %and3A_1092, %min3A_684, %broadcast_in_dim3A_1094 : vector<16xi1>, vector<16xi32>
      %reduce_max3A_1096 = arith.constant true
      %reduce_max3A_1097 = vector.broadcast %reduce_max3A_1096 : i1 to vector<16xi1>
      %reduce_max3A_1098 = arith.constant -2147483648 : i32
      %reduce_max3A_1099 = vector.broadcast %reduce_max3A_1098 : i32 to vector<16xi32>
      %reduce_max3A_1100 = arith.xori %select_n3A_1095, %reduce_max3A_1099 : vector<16xi32>
      %reduce_max3A_1101 = tpu.scan <max>, %reduce_max3A_1100 masked %reduce_max3A_1097 : vector<16xi32>, vector<16xi1> -> vector<16xi32>
      %reduce_max3A_1102 = arith.xori %reduce_max3A_1101, %reduce_max3A_1099 : vector<16xi32>
      %reduce_max3A_1103 = vector.extract %reduce_max3A_1102[15] : i32 from vector<16xi32>
      %max3A_1104 = arith.maxsi %max3A_1065, %reduce_max3A_1103 : i32
      %all_reduce_population_count3A_1105 = tpu.all_reduce %eq3A_1078 {dim = 0 : i64, kind = #tpu.reduction_kind<sum>} : vector<16xi1> -> vector<16xi32>
      %reduce_max3A_1106 = arith.constant true
      %reduce_max3A_1107 = vector.broadcast %reduce_max3A_1106 : i1 to vector<16xi1>
      %reduce_max3A_1108 = arith.constant -2147483648 : i32
      %reduce_max3A_1109 = vector.broadcast %reduce_max3A_1108 : i32 to vector<16xi32>
      %reduce_max3A_1110 = arith.xori %all_reduce_population_count3A_1105, %reduce_max3A_1109 : vector<16xi32>
      %reduce_max3A_1111 = tpu.scan <max>, %reduce_max3A_1110 masked %reduce_max3A_1107 : vector<16xi32>, vector<16xi1> -> vector<16xi32>
      %reduce_max3A_1112 = arith.xori %reduce_max3A_1111, %reduce_max3A_1109 : vector<16xi32>
      %reduce_max3A_1113 = vector.extract %reduce_max3A_1112[15] : i32 from vector<16xi32>
      %add3A_1114 = arith.addi %add3A_1076, %reduce_max3A_1113 : i32
      %eq3A_1115 = vector.broadcast %reduce_max3A_1035 : f32 to vector<16xf32>
      %eq3A_1116 = arith.cmpf oeq, %select_n3A_1022, %eq3A_1115 : vector<16xf32>
      %jit3A_1117 = arith.constant 1 : i32
      %jit3A_1118 = arith.constant 0 : i32
      %broadcast_in_dim3A_1119 = vector.broadcast %jit3A_1117 : i32 to vector<16xi32>
      %broadcast_in_dim3A_1120 = vector.broadcast %jit3A_1118 : i32 to vector<16xi32>
      %select_n3A_1121 = arith.select %eq3A_1116, %broadcast_in_dim3A_1119, %broadcast_in_dim3A_1120 : vector<16xi1>, vector<16xi32>
      %cumsum3A_1122 = arith.constant true
      %cumsum3A_1123 = vector.broadcast %cumsum3A_1122 : i1 to vector<16xi1>
      %cumsum3A_1124 = tpu.scan <sum>, %select_n3A_1121 masked %cumsum3A_1123 : vector<16xi32>, vector<16xi1> -> vector<16xi32>
      %add3A_1125 = vector.broadcast %add3A_1114 : i32 to vector<16xi32>
      %add3A_1126 = arith.addi %cumsum3A_1124, %add3A_1125 : vector<16xi32>
      %eq3A_1127 = arith.constant 1 : i32
      %eq3A_1128 = vector.broadcast %eq3A_1127 : i32 to vector<16xi32>
      %eq3A_1129 = arith.cmpi eq, %add3A_1126, %eq3A_1128 : vector<16xi32>
      %and3A_1130 = arith.andi %eq3A_1116, %eq3A_1129 : vector<16xi1>
      %jit3A_1131 = arith.constant -1 : i32
      %broadcast_in_dim3A_1132 = vector.broadcast %jit3A_1131 : i32 to vector<16xi32>
      %select_n3A_1133 = arith.select %and3A_1130, %min3A_729, %broadcast_in_dim3A_1132 : vector<16xi1>, vector<16xi32>
      %reduce_max3A_1134 = arith.constant true
      %reduce_max3A_1135 = vector.broadcast %reduce_max3A_1134 : i1 to vector<16xi1>
      %reduce_max3A_1136 = arith.constant -2147483648 : i32
      %reduce_max3A_1137 = vector.broadcast %reduce_max3A_1136 : i32 to vector<16xi32>
      %reduce_max3A_1138 = arith.xori %select_n3A_1133, %reduce_max3A_1137 : vector<16xi32>
      %reduce_max3A_1139 = tpu.scan <max>, %reduce_max3A_1138 masked %reduce_max3A_1135 : vector<16xi32>, vector<16xi1> -> vector<16xi32>
      %reduce_max3A_1140 = arith.xori %reduce_max3A_1139, %reduce_max3A_1137 : vector<16xi32>
      %reduce_max3A_1141 = vector.extract %reduce_max3A_1140[15] : i32 from vector<16xi32>
      %max3A_1142 = arith.maxsi %max3A_1104, %reduce_max3A_1141 : i32
      %all_reduce_population_count3A_1143 = tpu.all_reduce %eq3A_1116 {dim = 0 : i64, kind = #tpu.reduction_kind<sum>} : vector<16xi1> -> vector<16xi32>
      %reduce_max3A_1144 = arith.constant true
      %reduce_max3A_1145 = vector.broadcast %reduce_max3A_1144 : i1 to vector<16xi1>
      %reduce_max3A_1146 = arith.constant -2147483648 : i32
      %reduce_max3A_1147 = vector.broadcast %reduce_max3A_1146 : i32 to vector<16xi32>
      %reduce_max3A_1148 = arith.xori %all_reduce_population_count3A_1143, %reduce_max3A_1147 : vector<16xi32>
      %reduce_max3A_1149 = tpu.scan <max>, %reduce_max3A_1148 masked %reduce_max3A_1145 : vector<16xi32>, vector<16xi1> -> vector<16xi32>
      %reduce_max3A_1150 = arith.xori %reduce_max3A_1149, %reduce_max3A_1147 : vector<16xi32>
      %reduce_max3A_1151 = vector.extract %reduce_max3A_1150[15] : i32 from vector<16xi32>
      %add3A_1152 = arith.addi %add3A_1114, %reduce_max3A_1151 : i32
      %eq3A_1153 = vector.broadcast %reduce_max3A_1035 : f32 to vector<16xf32>
      %eq3A_1154 = arith.cmpf oeq, %select_n3A_1028, %eq3A_1153 : vector<16xf32>
      %jit3A_1155 = arith.constant 1 : i32
      %jit3A_1156 = arith.constant 0 : i32
      %broadcast_in_dim3A_1157 = vector.broadcast %jit3A_1155 : i32 to vector<16xi32>
      %broadcast_in_dim3A_1158 = vector.broadcast %jit3A_1156 : i32 to vector<16xi32>
      %select_n3A_1159 = arith.select %eq3A_1154, %broadcast_in_dim3A_1157, %broadcast_in_dim3A_1158 : vector<16xi1>, vector<16xi32>
      %cumsum3A_1160 = arith.constant true
      %cumsum3A_1161 = vector.broadcast %cumsum3A_1160 : i1 to vector<16xi1>
      %cumsum3A_1162 = tpu.scan <sum>, %select_n3A_1159 masked %cumsum3A_1161 : vector<16xi32>, vector<16xi1> -> vector<16xi32>
      %add3A_1163 = vector.broadcast %add3A_1152 : i32 to vector<16xi32>
      %add3A_1164 = arith.addi %cumsum3A_1162, %add3A_1163 : vector<16xi32>
      %eq3A_1165 = arith.constant 1 : i32
      %eq3A_1166 = vector.broadcast %eq3A_1165 : i32 to vector<16xi32>
      %eq3A_1167 = arith.cmpi eq, %add3A_1164, %eq3A_1166 : vector<16xi32>
      %and3A_1168 = arith.andi %eq3A_1154, %eq3A_1167 : vector<16xi1>
      %jit3A_1169 = arith.constant -1 : i32
      %broadcast_in_dim3A_1170 = vector.broadcast %jit3A_1169 : i32 to vector<16xi32>
      %select_n3A_1171 = arith.select %and3A_1168, %min3A_774, %broadcast_in_dim3A_1170 : vector<16xi1>, vector<16xi32>
      %reduce_max3A_1172 = arith.constant true
      %reduce_max3A_1173 = vector.broadcast %reduce_max3A_1172 : i1 to vector<16xi1>
      %reduce_max3A_1174 = arith.constant -2147483648 : i32
      %reduce_max3A_1175 = vector.broadcast %reduce_max3A_1174 : i32 to vector<16xi32>
      %reduce_max3A_1176 = arith.xori %select_n3A_1171, %reduce_max3A_1175 : vector<16xi32>
      %reduce_max3A_1177 = tpu.scan <max>, %reduce_max3A_1176 masked %reduce_max3A_1173 : vector<16xi32>, vector<16xi1> -> vector<16xi32>
      %reduce_max3A_1178 = arith.xori %reduce_max3A_1177, %reduce_max3A_1175 : vector<16xi32>
      %reduce_max3A_1179 = vector.extract %reduce_max3A_1178[15] : i32 from vector<16xi32>
      %max3A_1180 = arith.maxsi %max3A_1142, %reduce_max3A_1179 : i32
      %all_reduce_population_count3A_1181 = tpu.all_reduce %eq3A_1154 {dim = 0 : i64, kind = #tpu.reduction_kind<sum>} : vector<16xi1> -> vector<16xi32>
      %reduce_max3A_1182 = arith.constant true
      %reduce_max3A_1183 = vector.broadcast %reduce_max3A_1182 : i1 to vector<16xi1>
      %reduce_max3A_1184 = arith.constant -2147483648 : i32
      %reduce_max3A_1185 = vector.broadcast %reduce_max3A_1184 : i32 to vector<16xi32>
      %reduce_max3A_1186 = arith.xori %all_reduce_population_count3A_1181, %reduce_max3A_1185 : vector<16xi32>
      %reduce_max3A_1187 = tpu.scan <max>, %reduce_max3A_1186 masked %reduce_max3A_1183 : vector<16xi32>, vector<16xi1> -> vector<16xi32>
      %reduce_max3A_1188 = arith.xori %reduce_max3A_1187, %reduce_max3A_1185 : vector<16xi32>
      %reduce_max3A_1189 = vector.extract %reduce_max3A_1188[15] : i32 from vector<16xi32>
      %add3A_1190 = arith.addi %add3A_1152, %reduce_max3A_1189 : i32
      %slice3A_1191 = vector.extract_strided_slice %get3A_258 {offsets = [0], sizes = [1], strides = [1]} : vector<16xi32> to vector<1xi32>
      %squeeze3A_1192 = vector.extract %slice3A_1191[0] : i32 from vector<1xi32>
      %lt3A_1193 = arith.constant 9.99999974E-6 : f32
      %lt3A_1194 = arith.cmpf olt, %squeeze3A_234, %lt3A_1193 : f32
      %select_n3A_1195 = arith.select %lt3A_1194, %squeeze3A_1192, %max3A_1180 : i32
      %broadcast_in_dim3A_1196 = vector.broadcast %scan3A_16 : i32 to vector<16xi32>
      %broadcast_in_dim3A_1197 = vector.broadcast %select_n3A_1195 : i32 to vector<16xi32>
      tpu.vector_store_idx %arg19[%broadcast_in_dim3A_1196], %broadcast_in_dim3A_1197 masked %eq3A_9 : memref<8xi32, #tpu.memory_space<vmem>>[vector<16xi32>], vector<16xi32>, vector<16xi1>
      %scan3A_1198 = arith.constant 0 : i32
      scf.yield %scan3A_1198 : i32
    }
    %scan3A_15 = arith.constant 4 : i32
    "tpu.region"() ({
      %run_scoped3A = tpu.sem_alloc : memref<!tpu.dma_semaphore, #tpu.memory_space<semaphore_mem>>
      %dma_start3A = arith.constant 0 : i32
      %dma_start3A_16 = tpu.memref_slice %arg7[%add3A, %dma_start3A] : memref<32x8xi32, #tpu.memory_space<hbm>> -> memref<1x8xi32, #tpu.memory_space<hbm>>
      %dma_start3A_17 = tpu.memref_squeeze %dma_start3A_16 : memref<1x8xi32, #tpu.memory_space<hbm>> -> memref<8xi32, #tpu.memory_space<hbm>>
      %dma_start3A_18 = arith.constant 0 : i32
      %dma_start3A_19 = tpu.memref_slice %arg7[%add3A, %dma_start3A_18] : memref<32x8xi32, #tpu.memory_space<hbm>> -> memref<1x8xi32, #tpu.memory_space<hbm>>
      %dma_start3A_20 = tpu.memref_squeeze %dma_start3A_19 : memref<1x8xi32, #tpu.memory_space<hbm>> -> memref<8xi32, #tpu.memory_space<hbm>>
      tpu.enqueue_dma source(%arg19 : memref<8xi32, #tpu.memory_space<vmem>>) target(%dma_start3A_20 : memref<8xi32, #tpu.memory_space<hbm>>) target_semaphore(%run_scoped3A : memref<!tpu.dma_semaphore, #tpu.memory_space<semaphore_mem>>)
      %dma_wait3A = arith.constant 0 : i32
      %dma_wait3A_21 = tpu.memref_slice %arg7[%add3A, %dma_wait3A] : memref<32x8xi32, #tpu.memory_space<hbm>> -> memref<1x8xi32, #tpu.memory_space<hbm>>
      %dma_wait3A_22 = tpu.memref_squeeze %dma_wait3A_21 : memref<1x8xi32, #tpu.memory_space<hbm>> -> memref<8xi32, #tpu.memory_space<hbm>>
      %dma_wait3A_23 = arith.constant 0 : i32
      %dma_wait3A_24 = tpu.memref_slice %arg7[%add3A, %dma_wait3A_23] : memref<32x8xi32, #tpu.memory_space<hbm>> -> memref<1x8xi32, #tpu.memory_space<hbm>>
      %dma_wait3A_25 = tpu.memref_squeeze %dma_wait3A_24 : memref<1x8xi32, #tpu.memory_space<hbm>> -> memref<8xi32, #tpu.memory_space<hbm>>
      tpu.wait_dma2 semaphore(%run_scoped3A : memref<!tpu.dma_semaphore, #tpu.memory_space<semaphore_mem>>) src(%arg19 : memref<8xi32, #tpu.memory_space<vmem>>) dst(%dma_wait3A_25 : memref<8xi32, #tpu.memory_space<hbm>>)
      tpu.yield
    }) : () -> ()
    return
  }
}

</mosaic_0001>

<sc_bundles>
// kernel: _run.3.cloned.1.call-start
scs
__scs_entry_jumppad:
0x0: {  	(pc) =	sbr.rel $0x88, $3  }
0x1: {  	(tag) =	ssettag $0x0;
	lr =	simm.s32 $0x1  }
0x2: {  	[smem:$0x3F9C] =	sst lr;
	_ =	strace $0xD0000000  }
0x3: {  	_ = 	snop  }
0x4: {  	_ = 	snop  }
0x5: {  	_ = 	snop  }
0x6: {  	_ = 	snop  }
0x7: {  	_ = 	snop  }
__scs_overlays_trampoline_lowered:
0x8: {  	[smem:$0x3FAB] =	sst s0  }
0x9: {  	[smem:$0x3FAC] =	sst s1  }
0xa: {  	[smem:$0x3FAD] =	sst s2  }
0xb: {  	[smem:$0x3FAE] =	sst s3  }
0xc: {  	[smem:$0x3FAF] =	sst s4  }
0xd: {  	[smem:$0x3FB0] =	sst s5  }
0xe: {  	[smem:$0x3FB1] =	sst s6  }
0xf: {  	[smem:$0x3FB2] =	sst s7  }
0x10: {  	[smem:$0x3FB3] =	sst s8  }
0x11: {  	[smem:$0x3FB4] =	sst s9;
	s0 =	simm.s32 @!p0 $0x0  }
0x12: {  	s1 =	sld [smem:$0x3F9A];
	s0 =	simm.s32 @p0 $0x1  }
0x13: {  	[smem:$0x3FB5] =	sst s0;
	s0 =	simm.s32 @!p1 $0x0  }
0x14: {  	s2 =	sld [smem:$0x3F99];
	s0 =	simm.s32 @p1 $0x1  }
0x15: {  	[smem:$0x3FB6] =	sst s0;
	s0 =	simm.s32 @!p2 $0x0  }
0x16: {  	s3 =	sld [smem:$0x3FDB];
	s0 =	simm.s32 @p2 $0x1  }
0x17: {  	s4 =	simm.s32 $0x1BF5;
	[smem:$0x3FB8] =	sst s0  }
0x18: {  	s0 =	sld [smem:$0x3F9B];
	_ =	swait.ge [sflag:s4], $0x0  }
0x19: {  	s7 =	sld [smem:$0x3F9C]  }
0x1a: {  	s8 =	sadd.s32 $0xFFFFE003, lr  }
0x1b: {  	s9 =	sadd.s32 $0xFFFFFEF7, lr;
	s5 =	simm.s32 $0xFFFFFFFF;
	p2 =	slt.u32 s8, $0xFFFFF086  }
0x1c: {  	p1 =	slt.u32 s9, $0xF7A;
	s5 =	simm.s32 @!p2 $0x0  }
0x1d: {  	s5 =	simm.s32 @p1 $0x1;
	p0 =	seq.s32 s7, s2  }
0x1e: {  	s7 =	smul.u32 @!p0 $0xF7A, s2;
	p2 =	seq.s32 @!p0 s5, $0x0  }
0x1f: {  	s9 =	smul.u32 $0xF7A, s1;
	s8 =	simm.s32 @!p0 $0x1BF5;
	p2 =	por !p2, p0  }
0x20: {  	[sflag:s8] =	ssyncset.s32 @!p0 $0xFFFFF086;
	s6 =	sadd.s32 @!p0 s3, s7;
	s7 =	simm.s32 @!p0 $0x108  }
0x21: {  	s3 =	sadd.s32 s3, s9;
	s6 =	sadd.s32 @!p0 $0x88, s6;
	s7 =	simm.s32 @p2 $0x1082  }
0x22: {  	[simem:s7], [sflag:s8] =	dma.local @!p0 [hbm:s6], $0xF7A  }
0x23: {  	s9 =	sor.u32 $0xD0000000, s2;
	s6 =	simm.s32 $0x108;
	_ =	swait.ge @!p0 [sflag:s8], $0x0  }
0x24: {  	s3 =	sadd.s32 $0x88, s3;
	s6 =	simm.s32 @!p1 $0x1082;
	[sflag:s4] =	ssyncset.s32 $0xFFFFF086  }
0x25: {  	[simem:s6], [sflag:s4] =	dma.local [hbm:s3], $0xF7A  }
0x26: {  	[smem:$0x3F9C] =	sst s1;
	(tag) =	ssettag s2;
	_ =	strace s9  }
0x27: {  	s1 =	sld [smem:$0x3FAC]  }
0x28: {  	s2 =	sld [smem:$0x3FAD]  }
0x29: {  	s4 =	sld [smem:$0x3FAF]  }
0x2a: {  	p0 =	seq.s32 s5, $0x0;
	s5 =	sld [smem:$0x3FB0]  }
0x2b: {  	s6 =	sld [smem:$0x3FB1]  }
0x2c: {  	s7 =	sld [smem:$0x3FB2]  }
0x2d: {  	s3 =	simm.s32 $0x108;
	s8 =	sld [smem:$0x3FB3]  }
0x2e: {  	s3 =	simm.s32 @!p0 $0x1082;
	s9 =	sld [smem:$0x3FB4]  }
0x2f: {  	lr =	sadd.s32 s0, s3;
	s0 =	sld [smem:$0x3FAB]  }
0x30: {  	s3 =	sld [smem:$0x3FAE]  }
0x31: {  	[smem:$0x3FB7] =	sst s10  }
0x32: {  	s10 =	sld [smem:$0x3FB5];
	_ =	sdelay $0x3  }
0x33: {  	p0 =	seq.s32 s10, $0x1;
	s10 =	sld [smem:$0x3FB7];
	_ =	sdelay $0x3  }
0x34: {  	[smem:$0x3FB7] =	sst s10  }
0x35: {  	s10 =	sld [smem:$0x3FB6];
	_ =	sdelay $0x3  }
0x36: {  	p1 =	seq.s32 s10, $0x1;
	s10 =	sld [smem:$0x3FB7];
	_ =	sdelay $0x3  }
0x37: {  	[smem:$0x3FB7] =	sst s10  }
0x38: {  	s10 =	sld [smem:$0x3FB8]  }
0x39: {  	_ = 	snop;
	(pc) =	sbr.ind lr, $3  }
0x3a: {  	_ = 	snop  }
0x3b: {  	_ = 	snop  }
0x3c: {  	p2 =	seq.s32 s10, $0x1;
	s10 =	sld [smem:$0x3FB7]  }
0x3d: {  	_ =	shalt  }
0x3e: {  	_ =	shalt  }
0x3f: {  	_ =	shalt  }
0x40: {  	_ =	shalt  }
0x41: {  	_ =	shalt  }
0x42: {  	_ =	shalt  }
0x43: {  	_ =	shalt  }
0x44: {  	_ =	shalt  }
0x45: {  	_ =	shalt  }
0x46: {  	_ =	shalt  }
0x47: {  	_ =	shalt  }
0x48: {  	_ =	shalt  }
0x49: {  	_ =	shalt  }
0x4a: {  	_ =	shalt  }
0x4b: {  	_ =	shalt  }
0x4c: {  	_ =	shalt  }
0x4d: {  	_ =	shalt  }
0x4e: {  	_ =	shalt  }
0x4f: {  	_ =	shalt  }
0x50: {  	_ =	shalt  }
0x51: {  	_ =	shalt  }
0x52: {  	_ =	shalt  }
0x53: {  	_ =	shalt  }
0x54: {  	_ =	shalt  }
0x55: {  	_ =	shalt  }
0x56: {  	_ =	shalt  }
0x57: {  	_ =	shalt  }
0x58: {  	_ =	shalt  }
0x59: {  	_ =	shalt  }
0x5a: {  	_ =	shalt  }
0x5b: {  	_ =	shalt  }
0x5c: {  	_ =	shalt  }
0x5d: {  	_ =	shalt  }
0x5e: {  	_ =	shalt  }
0x5f: {  	_ =	shalt  }
0x60: {  	_ =	shalt  }
0x61: {  	_ =	shalt  }
0x62: {  	_ =	shalt  }
0x63: {  	_ =	shalt  }
0x64: {  	_ =	shalt  }
0x65: {  	_ =	shalt  }
0x66: {  	_ =	shalt  }
0x67: {  	_ =	shalt  }
0x68: {  	_ =	shalt  }
0x69: {  	_ =	shalt  }
0x6a: {  	_ =	shalt  }
0x6b: {  	_ =	shalt  }
0x6c: {  	_ =	shalt  }
0x6d: {  	_ =	shalt  }
0x6e: {  	_ =	shalt  }
0x6f: {  	_ =	shalt  }
0x70: {  	_ =	shalt  }
0x71: {  	_ =	shalt  }
0x72: {  	_ =	shalt  }
0x73: {  	_ =	shalt  }
0x74: {  	_ =	shalt  }
0x75: {  	_ =	shalt  }
0x76: {  	_ =	shalt  }
0x77: {  	_ =	shalt  }
0x78: {  	_ =	shalt  }
0x79: {  	_ =	shalt  }
0x7a: {  	_ =	shalt  }
0x7b: {  	_ =	shalt  }
0x7c: {  	_ =	shalt  }
0x7d: {  	_ =	shalt  }
0x7e: {  	_ =	shalt  }
0x7f: {  	_ =	shalt  }
0x80: {  	_ =	shalt  }
0x81: {  	_ =	shalt  }
0x82: {  	_ =	shalt  }
0x83: {  	_ =	shalt  }
0x84: {  	_ =	shalt  }
0x85: {  	_ =	shalt  }
0x86: {  	_ =	shalt  }
0x87: {  	_ =	shalt  }
.Lfunc_end0:
.L_simem_size_0:
called_computation_lowered:
.L_overlay_start_0:
0x88: {  	s2 =	sld [smem:$0x3FD9]  }
0x89: {  	s3 =	sld [smem:$0x3FFE];
	_ =	sdelay $0x1  }
0x8a: {  	s1 =	srdreg.scid  }
0x8b: {  	s0 =	sand.u32 $0x1, s1  }
0x8c: {  	s17 =	sshll.u32 s0, $0xA;
	s2 =	sadd.s32 s3, s2  }
0x8d: {  	s2 =	sadd.s32 s2, s17  }
0x8e: {  	[smem:$0x3FC3] =	sst s2  }
0x8f: {  	_ = 	snop  }
0x90: {  	s2 =	sld [smem:$0x3FC8]  }
0x91: {  	s18 =	sld [smem:$0x3FC7]  }
0x92: {  	s4 =	sld [smem:$0x3FC6]  }
0x93: {  	s5 =	sld [smem:$0x3FC5];
	(tm) =	ssettm $0x1  }
0x94: {  	s6 =	sld [smem:$0x3FFB];
	_ =	sdelay $0x3  }
0x95: {  	_ =	strace s6  }
0x96: {  	s6 =	sld [smem:$0x3FFC];
	_ =	sdelay $0x3  }
0x97: {  	_ =	strace s6  }
0x98: {  	s6 =	sld [smem:$0x3FFD];
	_ =	sdelay $0x3  }
0x99: {  	_ =	strace s6  }
0x9a: {  	_ =	strace $0x8FFFFFFF  }
0x9b: {  	s19 =	sld [smem:$0x3FDB];
	_ =	sdelay $0x1  }
0x9c: {  	s7 =	simm.s32 $_scs_section_size  }
0x9d: {  	s8 =	simm.s32 $_size__tile_overlayer_lowered;
	s9 =	simm.s32 $_tile_overlayer_lowered  }
0x9e: {  	s22 =	simm.s32 $0x1BFF;
	s21 =	sshll.u32 s9, $0x1;
	s6 =	sadd.s32 s7, s19  }
0x9f: {  	s10 =	simm.s32 $0x0;
	s20 =	sshll.u32 s8, $0x1;
	s8 =	sadd.s32 s21, s6  }
0xa0: {  	[timem:s10], [sflag:s22] =	dma.local [hbm:s8], s20  }
0xa1: {  	_ =	swait.ge [sflag:s22], s20  }
0xa2: {  	s7 =	ssub.s32 $0x0, s20;
	[sflag:s22] =	ssyncset.done $0x0  }
0xa3: {  	[sflag:s22] =	ssyncadd.s32 s7;
	_ =	sdelay $0x1  }
0xa4: {  	s23 =	simm.s32 $0x1B8B  }
0xa5: {  	_ =	swait.ge [sflag:s23], $0x1  }
0xa6: {  	[sflag:s23] =	ssyncset.done $0x0  }
0xa7: {  	s25 =	simm.s32 $0x1B8E;
	s24 =	sld [smem:$0x3FFE];
	[sflag:s23] =	ssyncadd.s32 $0xFFFFFFFF  }
0xa8: {  	s26 =	simm.s32 $execute0_lowered;
	[smem:$0x3FD2] =	sst s25  }
0xa9: {  	s8 =	sshll.u32 s26, $0x1;
	_ =	strace $0x80000046;
	[dreg:$0x1] =	wrdreg $0xFFFFFFFF  }
0xaa: {  	s28 =	simm.s32 $_size_execute0_lowered;
	s6 =	sadd.s32 s6, s8;
	[dreg:$0x0] =	wrdreg $0x0  }
0xab: {  	s8 =	sshll.u32 s28, $0x1;
	[dreg:$0x2] =	wrdreg s6  }
0xac: {  	[dreg:$0x3] =	wrdreg s8  }
0xad: {  	[dreg:$0x4] =	wrdreg $0xC0  }
0xae: {  	_ =	task [dreg:s10], $0x5FFFF  }
0xaf: {  	[dreg:$0x1] =	wrdreg $0xFFFFFFFF  }
0xb0: {  	[dreg:$0x0] =	wrdreg $0x60  }
0xb1: {  	[dreg:$0x2] =	wrdreg s24  }
0xb2: {  	[dreg:$0x3] =	wrdreg s2  }
0xb3: {  	[dreg:$0x4] =	wrdreg s18  }
0xb4: {  	[dreg:$0x5] =	wrdreg s4  }
0xb5: {  	[dreg:$0x6] =	wrdreg s5  }
0xb6: {  	[dreg:$0x7] =	wrdreg $0x9  }
0xb7: {  	_ =	task.clear_ibuf [dreg:s10], $0x8FFFF;
	_ =	strace $0x90000046  }
0xb8: {  	s29 =	simm.s32 $0x9;
	_ =	strace $0x80000048  }
0xb9: {  	_ =	swait.ge [sflag:s29], $0x1  }
0xba: {  	[sflag:s29] =	ssyncadd.s32 $0xFFFFFFFF  }
0xbb: {  	_ =	strace $0x90000048  }
0xbc: {  	_ =	sfence  }
0xbd: {  	s30 =	sld [smem:$0x0];
	_ =	sdelay $0x2  }
0xbe: {  	s31 =	sshll.u32 s1, $0xD;
	s1 =	sshrl.u32 s1, $0x2  }
0xbf: {  	s3 =	sand.u32 $0x4000, s31;
	s1 =	sadd.s32 s1, s30  }
0xc0: {  	s0 =	sor.u32 s3, s0;
	s1 =	sshll.u32 s1, $0x11  }
0xc1: {  	s0 =	sor.u32 s1, s0  }
0xc2: {  	s0 =	sadd.s32 $0x8F2B, s0  }
0xc3: {  	[sflag:s0] =	ssyncadd.remote.s32 $0x1  }
0xc4: {  	_ =	sfence.sel $0xFFFF  }
0xc5: {  	[dreg:$0x0] =	wrdreg $0xFFFFFFFF;
	(pc) =	sbr.abs _section_cstart, $3  }
0xc6: {  	[dreg:$0x1] =	wrdreg $0xFFFFFFFF  }
0xc7: {  	_ =	task.clear_ibuf [dreg:s10], $0x2FFFF;
	_ =	strace $0x9FFFFFFF  }
0xc8: {  	(tm) =	ssettm $0x7FFFFFFF  }
0xc9: {  	_ =	shalt  }
tec
execute0_lowered:
.L_overlay_start_1:
0x0: {  	(tag) =	ssettag $0x1  }
0x1: {  	s6 =	simm.s32 $0x0  }
0x2: {  	[smem:$0x7FF] =	sst s6  }
0x3: {  	s0 =	rddreg [dreg:$0x0];
	v0 =	vimm.f32 $1.000000000e+02;
	_ =	strace $0x80000047  }
0x4: {  	s1 =	srdreg.scid;
	s4 =	stileid.u32;
	(erf) = vrcp.f32 v0  }
0x5: {  	s12 =	simm.s32 $0x19000;
	s13 =	simm.s32 $0x2;
	s14 =	simm.s32 $0x19080;
	v0 =	vimm.f32 $-3.000000010e+38  }
0x6: {  	s15 =	simm.s32 $0x19100;
	s18 =	simm.s32 $0x18700;
	s19 =	simm.s32 $0x18F00;
	(xrf0) =	vmax.scan.msk.f32 $0xffff, v0  }
0x7: {  	s20 =	simm.s32 $0x18F80;
	s1 =	sand.u32 $0x1, s1;
	s2 =	sshll.u32 s4, $0x1  }
0x8: {  	s21 =	simm.s32 $0x19200;
	s24 =	simm.s32 $0x19300;
	s2 =	sor.u32 s1, s2  }
0x9: {  	s25 =	simm.s32 $0x1;
	s1 =	ssub.s32 $0x2, s1;
	s3 =	sshll.u32 s2, $0x4  }
0xa: {  	s7 =	sadd.s32 $0x400, s0;
	s30 =	sshrl.u32 s1, $0x1;
	s0 =	sadd.s32 s3, s0  }
0xb: {  	s26 =	simm.s32 $0x19380;
	s1 =	ssub.s32 s1, s30;
	s0 =	sadd.s32 $0x187400, s0  }
0xc: {  	v2 =	vimm.s32 $0x0;
	v3 =	vlaneseq.u32;
	vm0 =	vcmask $0x3F04;
	s9 =	smul.u32 $0xC3800, s4;
	s31 =	smax.u32 s1, $0x1;
	[dreg:$0x6] =	wrdreg s0;
	v1, _, _ =	vpop (xrf0)  }
0xd: {  	v5 =	vimm.s32 $0x1;
	vm1 =	vmxor vm1, vm1;
	s8 =	sshll.u32 s2, $0x2;
	s1 =	simm.s32 $0x0;
	[dreg:$0x7] =	wrdreg s31;
	v1 =	vbroadcast v1, $0xF;
	v4 =	vpop (erf)  }
.LBB2_1:
0xe: {  	[dreg:$0x8] =	wrdreg s1  }
0xf: {  	s0 =	rddreg [dreg:$0x1]  }
0x10: {  	[tilespmem:s12], [sflag:$0x2] =	stream.linear.gather [hbm4b:s0+s6], $0x80, $0x38;
	[tilespmem:$0x19400] =	vst v63  }
0x11: {  	_ =	swait.ge [sflag:s13], $0x80  }
0x12: {  	[sflag:s13] =	ssyncset.done $0x0  }
0x13: {  	[sflag:s13] =	ssyncadd.s32 $0xFFFFFF80  }
0x14: {  	s30 =	rddreg [dreg:$0x3]  }
0x15: {  	[tilespmem:s14], [sflag:$0x2] =	stream.linear.gather [hbm4b:s30+s6], $0x80, $0x38;
	[tilespmem:$0x19400] =	vst v63  }
0x16: {  	_ =	swait.ge [sflag:s13], $0x80  }
0x17: {  	[sflag:s13] =	ssyncset.done $0x0  }
0x18: {  	[sflag:s13] =	ssyncadd.s32 $0xFFFFFF80  }
0x19: {  	s31 =	rddreg [dreg:$0x4]  }
0x1a: {  	[tilespmem:s15], [sflag:$0x2] =	stream.linear.gather [hbm4b:s31+s6], $0x80, $0x38;
	[tilespmem:$0x19400] =	vst v63  }
0x1b: {  	_ =	swait.ge [sflag:s13], $0x80  }
0x1c: {  	[sflag:s13] =	ssyncset.done $0x0  }
0x1d: {  	s29 =	simm.s32 $0x0;
	[sflag:s13] =	ssyncadd.s32 $0xFFFFFF80  }
.LBB2_2:
0x1e: {  	s30 =	sadd.s32 s8, s29  }
0x1f: {  	s0 =	sshll.u32 s30, $0x7  }
0x20: {  	s0 =	sand.u32 $0x380, s0  }
0x21: {  	s0 =	sor.u32 s9, s0  }
0x22: {  	s0 =	sshrl.u32 s0, $0x3  }
0x23: {  	s1 =	simm.s32 $0x80;
	s2 =	simm.s32 $0x400;
	s0 =	sadd.s32 s7, s0  }
0x24: {  	[tilespmem:s6], [sflag:$0x2] =	stream.strided.gather [hbm4b:s0+s1], $0x18700, s2, s1, $0x38;
	[tilespmem:$0x19400] =	vst v63  }
0x25: {  	_ =	swait.ge [sflag:s13], $0x18700  }
0x26: {  	[sflag:s13] =	ssyncset.done $0x0  }
0x27: {  	s31 =	simm.s32 $0x40;
	[sflag:s13] =	ssyncadd.s32 $0xFFFE7900  }
0x28: {  	v6 =	vld [tilespmem:s31+$0xFFFFFFC0]  }
0x29: {  	v7 =	vld [tilespmem:s31+$0xFFFFFFF0]  }
0x2a: {  	v9 =	vld [tilespmem:s31+$0xFFFFFFD0]  }
0x2b: {  	v15 =	vld [tilespmem:s31+$0xFFFFFFE0]  }
0x2c: {  	v8 =	vld [tilespmem:s31+$0x30]  }
0x2d: {  	v12 =	vimm.f32 $-3.000000010e+38;
	v10 =	vld [tilespmem:s31+$0x0]  }
0x2e: {  	v17 =	vld [tilespmem:s31+$0x10];
	v13 =	vmax.f32 v12, v6;
	v11 =	vmin.f32 v12, v7  }
0x2f: {  	v16 =	vmin.f32 v12, v6;
	v6 =	vmax.f32 v12, v7;
	v19 =	vmax.f32 v12, v9  }
0x30: {  	v9 =	vmin.f32 v12, v9;
	v14 =	vmax.f32 v12, v15;
	v28 =	vmin.f32 v12, v15  }
0x31: {  	v18 =	vmax.f32 v12, v11;
	v11 =	vmin.f32 v12, v11;
	v7 =	vmax.f32 v6, v8  }
0x32: {  	v22 =	vmin.f32 v13, v10;
	v20 =	vmin.f32 v6, v8;
	v13 =	vmax.f32 v13, v10  }
0x33: {  	v10 =	vmax.f32 v19, v17;
	v21 =	vmin.f32 v12, v9;
	v15 =	vmin.f32 v12, v16  }
0x34: {  	v16 =	vmax.f32 v12, v16;
	v25 =	vmin.f32 v19, v17;
	v29 =	vmin.f32 v12, v28  }
0x35: {  	v6 =	vmin.f32 v12, v11;
	v8 =	vmin.f32 v18, v20;
	v23 =	vmax.f32 v12, v11  }
0x36: {  	v11 =	vld [tilespmem:s31+$0x20];
	v17 =	vmax.f32 v12, v15;
	v19 =	vmin.f32 v16, v22;
	v15 =	vmin.f32 v12, v15  }
0x37: {  	v30 =	vmin.f32 v12, v21;
	v6 =	vmax.f32 v12, v6;
	v24 =	vmin.f32 v23, v8  }
0x38: {  	v8 =	vmax.f32 v23, v8;
	v26 =	vmin.f32 v17, v19;
	v27 =	vmax.f32 v12, v15  }
0x39: {  	v15 =	vmax.f32 v16, v22;
	v22 =	vimm.f32 $-3.000000010e+38;
	v23 =	vimm.f32 $-3.000000010e+38  }
0x3a: {  	v16 =	vimm.f32 $-3.000000010e+38;
	v6 =	vmax.f32 v6, v24;
	v24 =	vmax.f32 v12, v9  }
0x3b: {  	s0 =	simm.s32 $0x0;
	s1 =	simm.s32 $0xC0;
	v9 =	vmax.f32 v18, v20;
	v18 =	vimm.f32 $-3.000000010e+38;
	v20 =	vmin.f32 v14, v11  }
.LBB2_3:
0x3c: {  	v31 =	vld [tilespmem:s1+$0xFFFFFFC0];
	s0 =	sadd.s32 $0x2, s0;
	v12 =	vmax.f32 v12, v30;
	v22 =	vmax.f32 v22, v28;
	v28 =	vmin.f32 v23, v29  }
0x3d: {  	v23 =	vmax.f32 v23, v29;
	v30 =	vld [tilespmem:s1+$0x30];
	p0 =	slt.u32 s0, $0x618;
	v18 =	vmax.f32 v18, v28;
	v28 =	vmin.f32 v22, v20  }
0x3e: {  	v21 =	vmax.f32 v16, v21;
	v32 =	vmax.f32 v24, v25;
	v24 =	vmin.f32 v24, v25;
	v29 =	vld [tilespmem:s1+$0xFFFFFFF0]  }
0x3f: {  	v16 =	vmax.f32 v21, v24;
	v21 =	vmin.f32 v21, v24;
	v24 =	vmin.f32 v23, v28;
	v25 =	vld [tilespmem:s1+$0x0]  }
0x40: {  	v27 =	vmax.f32 v27, v26;
	v12 =	vmax.f32 v12, v21;
	v18 =	vmax.f32 v18, v24;
	v33 =	vld [tilespmem:s1+$0xFFFFFFD0]  }
0x41: {  	v22 =	vmax.f32 v22, v20;
	v21 =	vmax.f32 v13, v31;
	v26 =	vmin.f32 v13, v31;
	v31 =	vld [tilespmem:s1+$0xFFFFFFE0]  }
0x42: {  	v34 =	vmax.f32 v17, v19;
	v17 =	vmax.f32 v14, v11;
	v23 =	vmax.f32 v23, v28;
	v11 =	vld [tilespmem:s1+$0x20]  }
0x43: {  	v13 =	vmax.f32 v7, v29;
	v7 =	vmin.f32 v7, v29;
	v19 =	vld [tilespmem:s1+$0x10]  }
0x44: {  	v20 =	vmax.f32 v9, v7;
	v9 =	vmin.f32 v9, v7;
	v7 =	vmax.f32 v13, v30  }
0x45: {  	v35 =	vmin.f32 v21, v25;
	v30 =	vmin.f32 v13, v30;
	v29 =	vmax.f32 v10, v33  }
0x46: {  	v24 =	vmin.f32 v10, v33;
	v10 =	vmin.f32 v8, v9;
	v28 =	vmin.f32 v20, v30  }
0x47: {  	v13 =	vmax.f32 v21, v25;
	v8 =	vmax.f32 v8, v9;
	v6 =	vmax.f32 v6, v10  }
0x48: {  	v14 =	vmax.f32 v17, v31;
	v9 =	vmin.f32 v8, v28;
	v10 =	vmax.f32 v29, v19  }
0x49: {  	v21 =	vmin.f32 v32, v24;
	v8 =	vmax.f32 v8, v28;
	v6 =	vmax.f32 v6, v9  }
.Ltmp0:
0x4a: {  	v24 =	vmax.f32 v32, v24;
	v28 =	vmin.f32 v17, v31;
	v9 =	vmax.f32 v20, v30;
	(pc) =	sbr.rel @p0 .LBB2_3-.Ltmp0, $4  }
0x4b: {  	v31 =	vmax.f32 v15, v26;
	v15 =	vmin.f32 v15, v26;
	v25 =	vmin.f32 v29, v19  }
0x4c: {  	v17 =	vmax.f32 v34, v15;
	v20 =	vmin.f32 v14, v11;
	v19 =	vmin.f32 v31, v35  }
0x4d: {  	v15 =	vmin.f32 v34, v15;
	v29 =	vmin.f32 v22, v28;
	v26 =	vmin.f32 v17, v19  }
0x4e: {  	s1 =	sadd.s32 $0x80, s1;
	v30 =	vmin.f32 v16, v21;
	v27 =	vmax.f32 v27, v15;
	v15 =	vmax.f32 v31, v35  }
0x4f: {  	v12 =	vmax.f32 v12, v30;
	v22 =	vmax.f32 v22, v28;
	v55 =	vmin.f32 v23, v29  }
0x50: {  	v56 =	vld [tilespmem:$0x18680];
	v57 =	vmax.f32 v23, v29;
	v16 =	vmax.f32 v16, v21;
	v59 =	vmax.f32 v24, v25  }
0x51: {  	v60 =	vmin.f32 v24, v25;
	v62 =	vld [tilespmem:$0x18690];
	v26 =	vmax.f32 v27, v26;
	v17 =	vmax.f32 v17, v19  }
0x52: {  	v11 =	vmax.f32 v14, v11;
	v18 =	vmax.f32 v18, v55;
	v58 =	vmin.f32 v22, v20  }
0x53: {  	v25 =	vmax.f32 v16, v60;
	v16 =	vmin.f32 v16, v60;
	v24 =	vmax.f32 v22, v20  }
0x54: {  	v61 =	vmin.f32 v57, v58;
	v12 =	vmax.f32 v12, v16;
	v31 =	vmax.f32 v57, v58  }
0x55: {  	v63 =	vmax.f32 v18, v61;
	v27 =	vmin.f32 v13, v56;
	v33 =	vmax.f32 v13, v56  }
0x56: {  	v32 =	vmin.f32 v15, v27;
	v34 =	vmax.f32 v15, v27;
	v36 =	vmin.f32 v33, v62  }
0x57: {  	v13 =	vmax.f32 v33, v62;
	v35 =	vmin.f32 v17, v32;
	v17 =	vmax.f32 v17, v32  }
0x58: {  	v37 =	vmax.f32 v34, v36;
	v15 =	vmin.f32 v34, v36;
	v38 =	vmin.f32 v13, v10  }
0x59: {  	v10 =	vmax.f32 v13, v10;
	v19 =	vmax.f32 v26, v35;
	v20 =	vmax.f32 v17, v15  }
0x5a: {  	v15 =	vmin.f32 v17, v15;
	v39 =	vmin.f32 v37, v38;
	v17 =	vmax.f32 v37, v38  }
0x5b: {  	v41 =	vmin.f32 v10, v59;
	v10 =	vmax.f32 v10, v59;
	v15 =	vmax.f32 v19, v15  }
0x5c: {  	v40 =	vmin.f32 v20, v39;
	v13 =	vmax.f32 v20, v39;
	v42 =	vmin.f32 v17, v41  }
0x5d: {  	v17 =	vmax.f32 v17, v41;
	v43 =	vmin.f32 v10, v25;
	v10 =	vmax.f32 v10, v25  }
0x5e: {  	v15 =	vmax.f32 v15, v40;
	v20 =	vmin.f32 v13, v42;
	v13 =	vmax.f32 v13, v42  }
0x5f: {  	v44 =	vmax.f32 v17, v43;
	v17 =	vmin.f32 v17, v43;
	v45 =	vmin.f32 v10, v12  }
0x60: {  	v10 =	vmax.f32 v10, v12;
	v15 =	vmax.f32 v15, v20;
	v19 =	vmax.f32 v13, v17  }
0x61: {  	v13 =	vmin.f32 v13, v17;
	v46 =	vmin.f32 v44, v45;
	v47 =	vmax.f32 v44, v45  }
0x62: {  	v49 =	vmin.f32 v10, v11;
	v10 =	vmax.f32 v10, v11;
	v13 =	vmax.f32 v15, v13  }
0x63: {  	v48 =	vmin.f32 v19, v46;
	v12 =	vmax.f32 v19, v46;
	v50 =	vmin.f32 v47, v49  }
0x64: {  	v11 =	vmax.f32 v47, v49;
	v52 =	vmin.f32 v10, v24;
	v10 =	vmax.f32 v10, v24  }
0x65: {  	v13 =	vmax.f32 v13, v48;
	v51 =	vmin.f32 v12, v50;
	v12 =	vmax.f32 v12, v50  }
0x66: {  	v53 =	vmax.f32 v11, v52;
	v11 =	vmin.f32 v11, v52;
	v54 =	vmin.f32 v10, v31  }
0x67: {  	v10 =	vmax.f32 v10, v31;
	v13 =	vmax.f32 v13, v51;
	v15 =	vmax.f32 v12, v11  }
0x68: {  	v11 =	vmin.f32 v12, v11;
	v55 =	vmin.f32 v53, v54;
	v12 =	vmax.f32 v53, v54  }
0x69: {  	v57 =	vmin.f32 v10, v63;
	v10 =	vmax.f32 v10, v63;
	v11 =	vmax.f32 v13, v11  }
0x6a: {  	v56 =	vmin.f32 v15, v55;
	v13 =	vmax.f32 v15, v55;
	v58 =	vmin.f32 v12, v57  }
0x6b: {  	v12 =	vmax.f32 v12, v57;
	v59 =	vmin.f32 v10, v7;
	v7 =	vmax.f32 v10, v7  }
0x6c: {  	v11 =	vmax.f32 v11, v56;
	v15 =	vmin.f32 v13, v58;
	v13 =	vmax.f32 v13, v58  }
0x6d: {  	v10 =	vmax.f32 v12, v59;
	v12 =	vmin.f32 v12, v59;
	v60 =	vmin.f32 v7, v9  }
0x6e: {  	v7 =	vmax.f32 v7, v9;
	v11 =	vmax.f32 v11, v15;
	v14 =	vmax.f32 v13, v12  }
0x6f: {  	v12 =	vmin.f32 v13, v12;
	v9 =	vmin.f32 v10, v60;
	v10 =	vmax.f32 v10, v60  }
0x70: {  	v11 =	vmax.f32 v11, v12;
	v61 =	vmax.f32 v14, v9;
	v9 =	vmin.f32 v14, v9  }
0x71: {  	v9 =	vmax.f32 v11, v9;
	v11 =	vmax.f32 v7, v8;
	v7 =	vmin.f32 v7, v8  }
0x72: {  	v13 =	vmax.f32 v10, v7;
	v7 =	vmin.f32 v10, v7;
	v10 =	vmin.f32 v11, v6  }
0x73: {  	v62 =	vmax.f32 v61, v7;
	v7 =	vmin.f32 v61, v7;
	v63 =	vmin.f32 v13, v10  }
0x74: {  	v8 =	vmax.f32 v11, v6;
	v9 =	vmax.f32 v9, v7;
	v11 =	vmin.f32 v62, v63  }
0x75: {  	v6 =	vmax.f32 v13, v10;
	v7 =	vmax.f32 v62, v63;
	v9 =	vmax.f32 v9, v11  }
0x76: {  	v10 =	vmax.f32 v8, v6;
	v11 =	vmax.f32 v7, v9  }
0x77: {  	v10 =	vmax.f32 v10, v11  }
0x78: {  	(xrf0) =	vmax.scan.msk.f32 $0xffff, v10;
	_ =	sdelay $0x5  }
0x79: {  	v10, _, _ =	vpop (xrf0)  }
0x7a: {  	v10 =	vbroadcast v10, $0xF;
	_ =	sdelay $0x1  }
0x7b: {  	s0 =	simm.s32 $0x30;
	vm3 =	veq.f32 v8, v10;
	vm2 =	veq.f32 v7, v10;
	vm4 =	veq.f32 v9, v10  }
.LBB2_5:
0x7c: {  	p0 =	sne.s32 s0, $0x1;
	s0 =	sadd.s32 $0xFFFFFFFF, s0;
	v8 =	vsel vm3, $0xFF61B1E6, v8;
	vm3 =	veq.f32 v6, v10;
	v9 =	vsel vm4, $0xFF61B1E6, v9  }
0x7d: {  	v7 =	vsel vm2, $0xFF61B1E6, v7;
	v6 =	vsel vm3, $0xFF61B1E6, v6  }
0x7e: {  	v11 =	vmax.f32 v7, v9;
	v10 =	vmax.f32 v8, v6  }
0x7f: {  	v10 =	vmax.f32 v10, v11  }
0x80: {  	(xrf0) =	vmax.scan.msk.f32 $0xffff, v10;
	_ =	sdelay $0x4  }
.Ltmp1:
0x81: {  	(pc) =	sbr.rel @p0 .LBB2_5-.Ltmp1, $3  }
0x82: {  	v10, _, _ =	vpop (xrf0)  }
0x83: {  	v10 =	vbroadcast v10, $0xF;
	_ =	sdelay $0x1  }
0x84: {  	vm3 =	veq.f32 v8, v10;
	vm2 =	veq.f32 v7, v10;
	vm4 =	veq.f32 v9, v10  }
0x85: {  	v8 =	vsel vm3, $0xFF61B1E6, v8;
	vm3 =	veq.f32 v6, v10  }
0x86: {  	v9 =	vsel vm4, $0xFF61B1E6, v9;
	v7 =	vsel vm2, $0xFF61B1E6, v7;
	v6 =	vsel vm3, $0xFF61B1E6, v6  }
0x87: {  	v7 =	vmax.f32 v7, v9;
	v6 =	vmax.f32 v8, v6  }
0x88: {  	v6 =	vmax.f32 v6, v7  }
0x89: {  	(xrf0) =	vmax.scan.msk.f32 $0xffff, v6;
	_ =	sdelay $0x5  }
0x8a: {  	v6, _, _ =	vpop (xrf0)  }
0x8b: {  	s0 =	simm.s32 $0xFFFFFFF8;
	s1 =	simm.s32 $0x70;
	s3 =	simm.s32 $0x40;
	v7 =	vimm.s32 $0x0;
	v6 =	vbroadcast v6, $0xF  }
.LBB2_7:
0x8c: {  	v8 =	vld [tilespmem:s3+$0xFFFFFFC0];
	_ =	sdelay $0x4  }
0x8d: {  	vm2 =	vge.f32 v8, v6  }
0x8e: {  	v8 =	vsel vm2, $0x1, v2  }
0x8f: {  	(xrf0) =	vadd.scan.msk.s32 $0xffff, v8;
	_ =	sdelay $0x5  }
0x90: {  	v8, _, _ =	vpop (xrf0)  }
0x91: {  	v8 =	vadd.s32 v8, v7  }
0x92: {  	v8 =	vadd.s32 $0xFFFFFFFF, v8  }
0x93: {  	vm3 =	vlt.s32 v8, $0x7FF  }
0x94: {  	v8 =	vnsel vm3, $0x7FF, v8;
	_ =	sdelay $0x2  }
0x95: {  	s2 =	sadd.s32 $0xFFFFFF90, s1  }
0x96: {  	v9 =	vor.u32 s2, v3  }
0x97: {  	[tilespmem:v8+s18+$0x0] =	vst.idx.msk vm2, v9  }
0x98: {  	v8 =	vld [tilespmem:s3+$0xFFFFFFD0];
	_ =	sdelay $0x4  }
0x99: {  	vm3 =	vge.f32 v8, v6  }
0x9a: {  	v8 =	vsel vm3, $0x1, v2  }
0x9b: {  	(xrf0) =	vadd.scan.msk.s32 $0xffff, v8;
	_ =	sdelay $0x1  }
0x9c: {  	v8 =	vmpcnt.ones.xlane vm2;
	_ =	sdelay $0x1  }
0x9d: {  	v7 =	vadd.s32 v7, v8  }
0x9e: {  	vm2 =	vlt.s32 v7, $0x7F0  }
0x9f: {  	v7 =	vnsel vm2, $0x7F0, v7;
	v8, _, _ =	vpop (xrf0)  }
0xa0: {  	v8 =	vadd.s32 v8, v7  }
0xa1: {  	v8 =	vadd.s32 $0xFFFFFFFF, v8  }
0xa2: {  	vm2 =	vlt.s32 v8, $0x7FF  }
0xa3: {  	v8 =	vnsel vm2, $0x7FF, v8;
	_ =	sdelay $0x2  }
0xa4: {  	s16 =	sadd.s32 $0xFFFFFFA0, s1  }
0xa5: {  	v56 =	vor.u32 s16, v3  }
0xa6: {  	[tilespmem:v8+s18+$0x0] =	vst.idx.msk vm3, v56  }
0xa7: {  	v8 =	vld [tilespmem:s3+$0xFFFFFFE0];
	_ =	sdelay $0x4  }
0xa8: {  	vm2 =	vge.f32 v8, v6  }
0xa9: {  	v8 =	vsel vm2, $0x1, v2  }
0xaa: {  	(xrf0) =	vadd.scan.msk.s32 $0xffff, v8;
	_ =	sdelay $0x1  }
0xab: {  	v8 =	vmpcnt.ones.xlane vm3;
	_ =	sdelay $0x1  }
0xac: {  	v7 =	vadd.s32 v7, v8  }
0xad: {  	vm3 =	vlt.s32 v7, $0x7F0  }
0xae: {  	v7 =	vnsel vm3, $0x7F0, v7;
	v8, _, _ =	vpop (xrf0)  }
0xaf: {  	v8 =	vadd.s32 v8, v7  }
0xb0: {  	v8 =	vadd.s32 $0xFFFFFFFF, v8  }
0xb1: {  	vm3 =	vlt.s32 v8, $0x7FF  }
0xb2: {  	v8 =	vnsel vm3, $0x7FF, v8;
	_ =	sdelay $0x2  }
0xb3: {  	s17 =	sadd.s32 $0xFFFFFFB0, s1  }
0xb4: {  	v57 =	vor.u32 s17, v3  }
0xb5: {  	[tilespmem:v8+s18+$0x0] =	vst.idx.msk vm2, v57  }
0xb6: {  	v8 =	vld [tilespmem:s3+$0xFFFFFFF0];
	_ =	sdelay $0x4  }
0xb7: {  	vm3 =	vge.f32 v8, v6  }
0xb8: {  	v8 =	vsel vm3, $0x1, v2  }
0xb9: {  	(xrf0) =	vadd.scan.msk.s32 $0xffff, v8;
	_ =	sdelay $0x1  }
0xba: {  	v8 =	vmpcnt.ones.xlane vm2;
	_ =	sdelay $0x1  }
0xbb: {  	v7 =	vadd.s32 v7, v8  }
0xbc: {  	vm2 =	vlt.s32 v7, $0x7F0  }
0xbd: {  	v7 =	vnsel vm2, $0x7F0, v7;
	v8, _, _ =	vpop (xrf0)  }
0xbe: {  	v8 =	vadd.s32 v8, v7  }
0xbf: {  	v8 =	vadd.s32 $0xFFFFFFFF, v8  }
0xc0: {  	vm2 =	vlt.s32 v8, $0x7FF  }
0xc1: {  	v8 =	vnsel vm2, $0x7FF, v8;
	_ =	sdelay $0x2  }
0xc2: {  	s22 =	sadd.s32 $0xFFFFFFC0, s1  }
0xc3: {  	v58 =	vor.u32 s22, v3  }
0xc4: {  	[tilespmem:v8+s18+$0x0] =	vst.idx.msk vm3, v58  }
0xc5: {  	v8 =	vld [tilespmem:s3+$0x0];
	_ =	sdelay $0x4  }
0xc6: {  	vm2 =	vge.f32 v8, v6  }
0xc7: {  	v8 =	vsel vm2, $0x1, v2  }
0xc8: {  	(xrf0) =	vadd.scan.msk.s32 $0xffff, v8;
	_ =	sdelay $0x1  }
0xc9: {  	v8 =	vmpcnt.ones.xlane vm3;
	_ =	sdelay $0x1  }
0xca: {  	v7 =	vadd.s32 v7, v8  }
0xcb: {  	vm3 =	vlt.s32 v7, $0x7F0  }
0xcc: {  	v7 =	vnsel vm3, $0x7F0, v7;
	v8, _, _ =	vpop (xrf0)  }
0xcd: {  	v8 =	vadd.s32 v8, v7  }
0xce: {  	v8 =	vadd.s32 $0xFFFFFFFF, v8  }
0xcf: {  	vm3 =	vlt.s32 v8, $0x7FF  }
0xd0: {  	v8 =	vnsel vm3, $0x7FF, v8;
	_ =	sdelay $0x2  }
0xd1: {  	s23 =	sadd.s32 $0xFFFFFFD0, s1  }
0xd2: {  	v59 =	vor.u32 s23, v3  }
0xd3: {  	[tilespmem:v8+s18+$0x0] =	vst.idx.msk vm2, v59  }
0xd4: {  	v8 =	vld [tilespmem:s3+$0x10];
	_ =	sdelay $0x4  }
0xd5: {  	vm3 =	vge.f32 v8, v6  }
0xd6: {  	v8 =	vsel vm3, $0x1, v2  }
0xd7: {  	(xrf0) =	vadd.scan.msk.s32 $0xffff, v8;
	_ =	sdelay $0x1  }
0xd8: {  	v8 =	vmpcnt.ones.xlane vm2;
	_ =	sdelay $0x1  }
0xd9: {  	v7 =	vadd.s32 v7, v8  }
0xda: {  	vm2 =	vlt.s32 v7, $0x7F0  }
0xdb: {  	v7 =	vnsel vm2, $0x7F0, v7;
	v8, _, _ =	vpop (xrf0)  }
0xdc: {  	v8 =	vadd.s32 v8, v7  }
0xdd: {  	v8 =	vadd.s32 $0xFFFFFFFF, v8  }
0xde: {  	vm2 =	vlt.s32 v8, $0x7FF  }
0xdf: {  	v8 =	vnsel vm2, $0x7FF, v8;
	_ =	sdelay $0x2  }
0xe0: {  	s28 =	sadd.s32 $0xFFFFFFE0, s1  }
0xe1: {  	v60 =	vor.u32 s28, v3  }
0xe2: {  	[tilespmem:v8+s18+$0x0] =	vst.idx.msk vm3, v60  }
0xe3: {  	v8 =	vld [tilespmem:s3+$0x20];
	_ =	sdelay $0x4  }
0xe4: {  	vm2 =	vge.f32 v8, v6  }
0xe5: {  	v8 =	vsel vm2, $0x1, v2  }
0xe6: {  	(xrf0) =	vadd.scan.msk.s32 $0xffff, v8;
	_ =	sdelay $0x1  }
0xe7: {  	v8 =	vmpcnt.ones.xlane vm3;
	_ =	sdelay $0x1  }
0xe8: {  	v7 =	vadd.s32 v7, v8  }
0xe9: {  	vm3 =	vlt.s32 v7, $0x7F0  }
0xea: {  	v7 =	vnsel vm3, $0x7F0, v7;
	v8, _, _ =	vpop (xrf0)  }
0xeb: {  	v8 =	vadd.s32 v8, v7  }
0xec: {  	v8 =	vadd.s32 $0xFFFFFFFF, v8  }
0xed: {  	vm3 =	vlt.s32 v8, $0x7FF  }
0xee: {  	v8 =	vnsel vm3, $0x7FF, v8;
	_ =	sdelay $0x2  }
0xef: {  	s31 =	sadd.s32 $0xFFFFFFF0, s1  }
0xf0: {  	v61 =	vor.u32 s31, v3  }
0xf1: {  	[tilespmem:v8+s18+$0x0] =	vst.idx.msk vm2, v61  }
0xf2: {  	v8 =	vld [tilespmem:s3+$0x30];
	_ =	sdelay $0x4  }
0xf3: {  	vm3 =	vge.f32 v8, v6  }
0xf4: {  	v8 =	vsel vm3, $0x1, v2  }
0xf5: {  	(xrf0) =	vadd.scan.msk.s32 $0xffff, v8;
	_ =	sdelay $0x1  }
0xf6: {  	v8 =	vmpcnt.ones.xlane vm2;
	_ =	sdelay $0x1  }
0xf7: {  	v7 =	vadd.s32 v7, v8  }
0xf8: {  	vm2 =	vlt.s32 v7, $0x7F0  }
0xf9: {  	v7 =	vnsel vm2, $0x7F0, v7;
	v8, _, _ =	vpop (xrf0)  }
0xfa: {  	v8 =	vadd.s32 v8, v7  }
0xfb: {  	v8 =	vadd.s32 $0xFFFFFFFF, v8  }
0xfc: {  	s0 =	sadd.s32 $0x8, s0;
	vm2 =	vlt.s32 v8, $0x7FF  }
0xfd: {  	p0 =	slt.u32 s0, $0x1860;
	v8 =	vnsel vm2, $0x7FF, v8  }
.Ltmp2:
0xfe: {  	v62 =	vmpcnt.ones.xlane vm3;
	(pc) =	sbr.rel @p0 .LBB2_7-.Ltmp2, $4  }
0xff: {  	_ = 	snop  }
0x100: {  	v7 =	vadd.s32 v7, v62  }
0x101: {  	v63 =	vor.u32 s1, v3;
	vm2 =	vlt.s32 v7, $0x7F0  }
0x102: {  	s1 =	sadd.s32 $0x80, s1;
	s3 =	sadd.s32 $0x80, s3;
	v7 =	vnsel vm2, $0x7F0, v7;
	[tilespmem:v8+s18+$0x0] =	vst.idx.msk vm3, v63  }
0x103: {  	v8 =	vld [tilespmem:$0x18680];
	_ =	sdelay $0x4  }
0x104: {  	vm2 =	vge.f32 v8, v6  }
0x105: {  	v8 =	vsel vm2, $0x1, v2  }
0x106: {  	(xrf0) =	vadd.scan.msk.s32 $0xffff, v8;
	_ =	sdelay $0x5  }
0x107: {  	v8, _, _ =	vpop (xrf0)  }
0x108: {  	v8 =	vadd.s32 v8, v7  }
0x109: {  	v8 =	vadd.s32 $0xFFFFFFFF, v8  }
0x10a: {  	vm3 =	vlt.s32 v8, $0x7FF  }
0x10b: {  	v8 =	vnsel vm3, $0x7FF, v8;
	_ =	sdelay $0x3  }
0x10c: {  	v9 =	vor.u32 $0x18680, v3  }
0x10d: {  	[tilespmem:v8+s18+$0x0] =	vst.idx.msk vm2, v9  }
0x10e: {  	v8 =	vld [tilespmem:$0x18690];
	_ =	sdelay $0x3  }
0x10f: {  	v63 =	vmpcnt.ones.xlane vm2  }
0x110: {  	vm2 =	vge.f32 v8, v6  }
0x111: {  	v6 =	vadd.s32 v7, v63;
	v7 =	vsel vm2, $0x1, v2  }
0x112: {  	vm3 =	vlt.s32 v6, $0x7F0;
	(xrf0) =	vadd.scan.msk.s32 $0xffff, v7;
	v7 =	vmpcnt.ones.xlane vm2  }
0x113: {  	v6 =	vnsel vm3, $0x7F0, v6  }
0x114: {  	v7 =	vadd.s32 v6, v7  }
0x115: {  	vm3 =	vlt.s32 v7, $0x7F0  }
0x116: {  	v7 =	vnsel vm3, $0x7F0, v7  }
0x117: {  	(v2sf) =	vpush v7, $0x0  }
0x118: {  	v8, _, _ =	vpop (xrf0)  }
0x119: {  	v6 =	vadd.s32 v8, v6  }
0x11a: {  	v6 =	vadd.s32 $0xFFFFFFFF, v6  }
0x11b: {  	vm3 =	vlt.s32 v6, $0x7FF  }
0x11c: {  	v6 =	vnsel vm3, $0x7FF, v6;
	_ =	sdelay $0x3  }
0x11d: {  	v8 =	vor.u32 $0x18690, v3  }
0x11e: {  	[tilespmem:v6+s18+$0x0] =	vst.idx.msk vm2, v8  }
0x11f: {  	[tilespmem:$0x18F00] =	vst v0  }
0x120: {  	[tilespmem:$0x18F80] =	vst v2  }
0x121: {  	[tilespmem:$0x18F10] =	vst v0  }
.Ltmp3:
0x122: {  	[tilespmem:$0x18F90] =	vst v2;
	(pc) =	sbr.rel .LBB2_9-.Ltmp3, $4  }
0x123: {  	[tilespmem:$0x18F20] =	vst v0;
	s0 =	spop (v2sf)  }
0x124: {  	[tilespmem:$0x18FA0] =	vst v2;
	s0 =	sadd.s32 $0xF, s0  }
0x125: {  	[tilespmem:$0x18F30] =	vst v0;
	s31 =	sshra.s32 s0, $0x4  }
0x126: {  	s5 =	simm.s32 $0x0;
	v6 =	vbroadcast v7, $0x0;
	[tilespmem:$0x18FB0] =	vst v2;
	s0 =	simm.s32 $0x0;
	p0 =	slt.s32 s31, $0x1  }
.LBB2_10:
0x127: {  	_ = 	snop  }
0x128: {  	s1 =	simm.s32 $0xFFFFFFFF;
	v7 =	vmov v1  }
.LBB2_27:
0x129: {  	v8 =	vmov s1;
	_ =	sdelay $0x4  }
0x12a: {  	v8 =	vld.idx.msk [tilespmem:v8+s18+$0x0], $0xffff;
	_ =	sdelay $0x3  }
0x12b: {  	v9 =	vmov s5  }
0x12c: {  	s5 =	sadd.s32 $0x1, s5;
	v8 =	vbroadcast v8, $0x0  }
0x12d: {  	p1 =	sne.s32 s5, $0x32  }
.Ltmp4:
0x12e: {  	_ = 	snop;
	(pc) =	sbr.rel @!p1 .LBB2_28-.Ltmp4, $4  }
0x12f: {  	_ = 	snop  }
0x130: {  	[tilespmem:v9+s19+$0x0] =	vst.idx.msk $0x1, v7  }
0x131: {  	[tilespmem:v9+s20+$0x0] =	vst.idx.msk $0x1, v8  }
0x132: {  	[tilespmem:v8+s6+$0x0] =	vst.idx.msk $0x1, v0  }
.LBB2_9:
.Ltmp5:
0x133: {  	(pc) =	sbr.rel @p0 .LBB2_10-.Ltmp5, $1  }
0x134: {  	_ =	sdelay $0x3  }
0x135: {  	p2 =	sne.s32 s31, $0x1  }
.Ltmp6:
0x136: {  	_ = 	snop;
	(pc) =	sbr.rel @!p2 .LBB2_12-.Ltmp6, $3  }
0x137: {  	_ =	sdelay $0x1  }
0x138: {  	s10 =	simm.s32 $0x18700  }
0x139: {  	v7 =	vimm.f32 $-3.000000010e+38;
	s4 =	sadd.s32 $0xFFFFFFFF, s31;
	p1 =	por $0x0, $0x0;
	v8 =	vld [tilespmem:s10+$0x0]  }
0x13a: {  	_ = 	snop  }
0x13b: {  	v9 =	vor.u32 s0, v3  }
0x13c: {  	vm2 =	vlt.s32 v9, v6;
	_ =	sdelay $0x1  }
0x13d: {  	p4 =	sne.s32 s4, $0x1  }
.Ltmp7:
0x13e: {  	_ = 	snop;
	(pc) =	sbr.rel @!p4 .LBB2_14-.Ltmp7, $3  }
0x13f: {  	_ =	sdelay $0x1  }
0x140: {  	s2 =	simm.s32 $0x18710;
	v9 =	vld.idx.msk [tilespmem:v8+s6+$0x0], vm2  }
0x141: {  	s3 =	sadd.s32 $0xFFFFFFFF, s4;
	s1 =	simm.s32 $0x10;
	p3 =	por $0x1, $0x1;
	v10 =	vimm.f32 $-3.000000010e+38;
	vm2 =	vmmov vm2;
	v8 =	vld [tilespmem:s2+$0x0]  }
.LBB2_15:
0x142: {  	p4 =	sne.s32 s3, $0x1;
	v11 =	vor.u32 s1, v3  }
0x143: {  	vm3 =	vlt.s32 v11, v6;
	_ =	sdelay $0x2  }
.Ltmp8:
0x144: {  	v9 =	vnsel vm2, $0xFF61B1E6, v9;
	vm2 =	vmmov vm3;
	(pc) =	sbr.rel @p4 .LBB2_15-.Ltmp8, $3  }
0x145: {  	v10 =	vmax.f32 v10, v9;
	_ =	sdelay $0x1  }
0x146: {  	s2 =	sadd.s32 $0x10, s2;
	v9 =	vld.idx.msk [tilespmem:v8+s6+$0x0], vm3  }
0x147: {  	s3 =	sadd.s32 $0xFFFFFFFF, s3;
	s1 =	sadd.s32 $0x10, s1;
	v8 =	vld [tilespmem:s2+$0x0]  }
.LBB2_16:
0x148: {  	_ = 	snop  }
0x149: {  	v11 =	vor.u32 s1, v3  }
0x14a: {  	vm3 =	vlt.s32 v11, v6;
	_ =	sdelay $0x5  }
0x14b: {  	v8 =	vld.idx.msk [tilespmem:v8+s6+$0x0], vm3;
	_ =	sdelay $0x2  }
0x14c: {  	v9 =	vnsel @p3 vm2, $0xFF61B1E6, v9  }
0x14d: {  	vm2 =	vmmov vm3;
	v9 =	vmax.f32 @p3 v10, v9  }
0x14e: {  	v7 =	vpsel p3, v9, v7;
	v8 =	vnsel vm2, $0xFF61B1E6, v8  }
0x14f: {  	v7 =	vmax.f32 v7, v8  }
0x150: {  	(xrf0) =	vmax.scan.msk.f32 $0xffff, v7;
	_ =	sdelay $0x2  }
.Ltmp9:
0x151: {  	_ = 	snop;
	(pc) =	sbr.rel @!p2 .LBB2_17-.Ltmp9, $3  }
0x152: {  	_ =	sdelay $0x1  }
0x153: {  	v7, _, _ =	vpop (xrf0)  }
0x154: {  	s1 =	simm.s32 $0xFFFFFFFF;
	s3 =	simm.s32 $0x0;
	v8 =	vld [tilespmem:s10+$0x0];
	v7 =	vbroadcast v7, $0xF  }
0x155: {  	_ = 	snop  }
0x156: {  	v9 =	vor.u32 s3, v3  }
0x157: {  	vm2 =	vlt.s32 v9, v6;
	_ =	sdelay $0x1  }
0x158: {  	p3 =	sne.s32 s4, $0x1  }
.Ltmp10:
0x159: {  	_ = 	snop;
	(pc) =	sbr.rel @!p3 .LBB2_19-.Ltmp10, $3  }
0x15a: {  	_ =	sdelay $0x1  }
0x15b: {  	s2 =	simm.s32 $0x18710;
	v9 =	vld.idx.msk [tilespmem:v8+s6+$0x0], vm2  }
0x15c: {  	s4 =	sadd.s32 $0xFFFFFFFF, s4;
	p2 =	por $0x1, $0x1;
	vm2 =	vmmov vm2;
	v8 =	vld [tilespmem:s2+$0x0];
	s2 =	simm.s32 $0x10  }
0x15d: {  	_ =	sdelay $0x2  }
0x15e: {  	v9 =	vnsel vm2, $0xFF61B1E6, v9  }
0x15f: {  	v10 =	vor.u32 s2, v3;
	vm2 =	veq.f32 v9, v7  }
0x160: {  	vm3 =	vlt.s32 v10, v6;
	v10 =	vmctz.xlane vm2;
	_ =	sdelay $0x1  }
0x161: {  	(v2sf) =	vpush v10, $0x0;
	_ =	sdelay $0x3  }
0x162: {  	p4 =	sne.s32 s4, $0x1  }
.Ltmp11:
0x163: {  	_ = 	snop;
	(pc) =	sbr.rel @!p4 .LBB2_21-.Ltmp11, $3  }
0x164: {  	_ =	sdelay $0x1  }
0x165: {  	s10 =	simm.s32 $0x18720;
	v9 =	vld.idx.msk [tilespmem:v8+s6+$0x0], vm3  }
0x166: {  	s4 =	sadd.s32 $0xFFFFFFFF, s4;
	p3 =	por $0x1, $0x1;
	vm2 =	vmmov vm3;
	v8 =	vld [tilespmem:s10+$0x0];
	s10 =	simm.s32 $0x20  }
0x167: {  	_ =	sdelay $0x2  }
0x168: {  	v9 =	vnsel vm2, $0xFF61B1E6, v9  }
0x169: {  	v10 =	vor.u32 s10, v3;
	vm2 =	veq.f32 v9, v7  }
0x16a: {  	vm3 =	vlt.s32 v10, v6;
	v10 =	vmctz.xlane vm2;
	_ =	sdelay $0x1  }
0x16b: {  	p4 =	sne.s32 s4, $0x1;
	(v2sf) =	vpush v10, $0x0  }
.Ltmp12:
0x16c: {  	_ = 	snop;
	(pc) =	sbr.rel @!p4 .LBB2_23-.Ltmp12, $3  }
0x16d: {  	_ =	sdelay $0x1  }
0x16e: {  	s16 =	simm.s32 $0x18730;
	s17 =	sadd.s32 $0xFFFFFFFF, s4;
	s4 =	simm.s32 $0x30;
	v9 =	vld.idx.msk [tilespmem:v8+s6+$0x0], vm3  }
0x16f: {  	p1 =	por $0x1, $0x1;
	s28 =	simm.s32 $0x0;
	s11 =	simm.s32 $0xFFFFFFFF;
	vm2 =	vmmov vm3;
	v8 =	vld [tilespmem:s16+$0x0]  }
.LBB2_24:
0x170: {  	p4 =	sne.s32 s17, $0x1;
	v10 =	vor.u32 s4, v3;
	s22 =	smov.u32 s2;
	s2 =	smov.u32 s10  }
0x171: {  	s10 =	smov.u32 s4;
	vm3 =	vlt.s32 v10, v6;
	_ =	sdelay $0x2  }
0x172: {  	v9 =	vnsel vm2, $0xFF61B1E6, v9;
	vm2 =	vmmov vm3  }
.Ltmp13:
0x173: {  	s23 =	spop (v2sf);
	(pc) =	sbr.rel @p4 .LBB2_24-.Ltmp13, $4  }
0x174: {  	vm4 =	veq.f32 v9, v7;
	p5 =	slt.s32 s23, $0x10  }
0x175: {  	v10 =	vmctz.xlane vm4;
	s23 =	sadd.s32 s28, s23;
	s28 =	smov.u32 s22;
	s22 =	smov.u32 s11  }
0x176: {  	s16 =	sadd.s32 $0x10, s16;
	p6 =	slt.s32 s11, $0x0;
	v9 =	vld.idx.msk [tilespmem:v8+s6+$0x0], vm3;
	s22 =	smov.u32 @p5 s23  }
0x177: {  	s17 =	sadd.s32 $0xFFFFFFFF, s17;
	s4 =	sadd.s32 $0x10, s4;
	v8 =	vld [tilespmem:s16+$0x0];
	(v2sf) =	vpush v10, $0x0;
	s11 =	smov.u32 @p6 s22  }
0x178: {  	s16 =	smov.u32 s2;
	s2 =	smov.u32 s10  }
.LBB2_26:
0x179: {  	v10 =	vor.u32 s4, v3  }
0x17a: {  	vm3 =	vlt.s32 v10, v6;
	_ =	sdelay $0x5  }
0x17b: {  	v9 =	vnsel @p2 vm2, $0xFF61B1E6, v9;
	v8 =	vld.idx.msk [tilespmem:v8+s6+$0x0], vm3  }
0x17c: {  	vm2 =	veq.f32 @p2 v9, v7  }
0x17d: {  	v9 =	vmctz.xlane @p2 vm2;
	_ =	sdelay $0x1  }
0x17e: {  	vm2 =	vmmov vm3;
	(v2sf) =	vpush @p2 v9, $0x0  }
0x17f: {  	v8 =	vnsel vm2, $0xFF61B1E6, v8  }
0x180: {  	vm2 =	veq.f32 v8, v7  }
0x181: {  	v8 =	vmctz.xlane vm2;
	_ =	sdelay $0x1  }
0x182: {  	(v2sf) =	vpush v8, $0x0;
	_ =	sdelay $0x1  }
0x183: {  	s10 =	spop @p1 (v2sf)  }
0x184: {  	p4 =	slt.s32 @p1 s10, $0x10  }
0x185: {  	p5 =	slt.s32 @p1 s11, $0x0;
	s10 =	sadd.s32 @p1 s28, s10;
	p4 =	por !p4, !p1  }
0x186: {  	s3 =	smov.u32 @p2 s2;
	s10 =	smov.u32 @p4 s11;
	p4 =	por !p5, !p1  }
0x187: {  	s10 =	smov.u32 @p4 s11;
	s11 =	simm.s32 $0xFFFFFFFF;
	s17 =	spop @p3 (v2sf)  }
0x188: {  	s2 =	smov.u32 @p3 s16;
	s11 =	smov.u32 @p1 s10;
	p1 =	slt.s32 @p3 s17, $0x10  }
0x189: {  	p4 =	slt.s32 @p3 s11, $0x0;
	s2 =	sadd.s32 @p3 s2, s17;
	p1 =	por !p1, !p3  }
0x18a: {  	s2 =	smov.u32 @p1 s11;
	p1 =	por !p4, !p3  }
0x18b: {  	s10 =	simm.s32 $0xFFFFFFFF;
	s2 =	smov.u32 @p1 s11;
	s11 =	spop @p2 (v2sf)  }
0x18c: {  	s3 =	smov.u32 @p2 s3;
	s10 =	smov.u32 @p3 s2;
	p1 =	slt.s32 @p2 s11, $0x10  }
0x18d: {  	p3 =	slt.s32 @p2 s10, $0x0;
	s2 =	sadd.s32 @p2 s3, s11;
	p1 =	por !p1, !p2  }
0x18e: {  	s2 =	smov.u32 @p1 s10;
	p1 =	por !p3, !p2  }
.Ltmp14:
0x18f: {  	s2 =	smov.u32 @p1 s10;
	(pc) =	sbr.rel .LBB2_27-.Ltmp14, $4  }
0x190: {  	s1 =	smov.u32 @p2 s2;
	s28 =	spop (v2sf)  }
0x191: {  	s3 =	smov.u32 s1;
	p1 =	slt.s32 s28, $0x10;
	s2 =	sadd.s32 s4, s28  }
0x192: {  	p2 =	slt.s32 s1, $0x0;
	s3 =	smov.u32 @p1 s2  }
0x193: {  	s1 =	smov.u32 @p2 s3  }
.LBB2_12:
.Ltmp15:
0x194: {  	(pc) =	sbr.rel .LBB2_16-.Ltmp15, $2  }
0x195: {  	_ =	sdelay $0x2  }
0x196: {  	s1 =	simm.s32 $0x0;
	v10 =	vimm.f32 $-3.000000010e+38;
	p3 =	por $0x0, $0x0  }
.LBB2_17:
.Ltmp16:
0x197: {  	(pc) =	sbr.rel .LBB2_26-.Ltmp16, $3  }
0x198: {  	_ =	sdelay $0x1  }
0x199: {  	s4 =	simm.s32 $0x0  }
0x19a: {  	s11 =	simm.s32 $0xFFFFFFFF;
	p2 =	por $0x0, $0x0;
	p3 =	por $0x0, $0x0  }
.LBB2_14:
.Ltmp17:
0x19b: {  	(pc) =	sbr.rel .LBB2_16-.Ltmp17, $2  }
0x19c: {  	_ =	sdelay $0x2  }
0x19d: {  	v10 =	vimm.f32 $-3.000000010e+38  }
.LBB2_19:
.Ltmp18:
0x19e: {  	(pc) =	sbr.rel .LBB2_26-.Ltmp18, $3  }
0x19f: {  	_ =	sdelay $0x1  }
0x1a0: {  	s4 =	simm.s32 $0x10  }
0x1a1: {  	s2 =	simm.s32 $0x0;
	s11 =	simm.s32 $0xFFFFFFFF;
	p3 =	por $0x0, $0x0  }
.LBB2_21:
.Ltmp19:
0x1a2: {  	(pc) =	sbr.rel .LBB2_26-.Ltmp19, $2  }
0x1a3: {  	_ =	sdelay $0x2  }
0x1a4: {  	s4 =	simm.s32 $0x20;
	s16 =	simm.s32 $0x0;
	s11 =	simm.s32 $0xFFFFFFFF  }
.LBB2_23:
.Ltmp20:
0x1a5: {  	(pc) =	sbr.rel .LBB2_26-.Ltmp20, $3  }
0x1a6: {  	_ =	sdelay $0x1  }
0x1a7: {  	s16 =	simm.s32 $0x10  }
0x1a8: {  	s2 =	simm.s32 $0x20;
	s28 =	simm.s32 $0x0;
	s11 =	simm.s32 $0xFFFFFFFF  }
.LBB2_28:
0x1a9: {  	v6 =	vmov s30;
	_ =	sdelay $0x4  }
0x1aa: {  	v8 =	vld.idx.msk [tilespmem:v6+s14+$0x0], $0xffff;
	_ =	sdelay $0x2  }
0x1ab: {  	v7 =	vld.idx.msk [tilespmem:v6+s12+$0x0], $0xffff;
	_ =	sdelay $0x1  }
0x1ac: {  	(v2sf) =	vpush v8, $0x0;
	_ =	sdelay $0x2  }
0x1ad: {  	v8 =	vbroadcast v7, $0x0;
	_ =	sdelay $0x1  }
0x1ae: {  	(erf) = vrcp.f32 v8;
	_ =	sdelay $0x3  }
0x1af: {  	v9 =	vld [tilespmem:$0x18F10]  }
0x1b0: {  	v8 =	vld [tilespmem:$0x18F00];
	_ =	sdelay $0x1  }
0x1b1: {  	v10 =	vld [tilespmem:$0x18F20]  }
0x1b2: {  	v11 =	vld [tilespmem:$0x18F30]  }
0x1b3: {  	v12 =	vpop (erf)  }
0x1b4: {  	v15 =	vor.u32 $0x20, v3;
	v13 =	vmul.f32 v8, v12;
	v14 =	vmul.f32 v9, v12;
	s0 =	spop (v2sf)  }
0x1b5: {  	v16 =	vor.u32 $0x30, v3;
	vm3 =	vgt.f32 v9, $-9.999999930e+36;
	vm2 =	vgt.f32 v8, $-9.999999930e+36;
	p0 =	sgt.s32 s0, $0x1  }
0x1b6: {  	v8 =	vnsel vm2, $0xFF61B1E6, v13;
	v9 =	vnsel vm3, $0xFF61B1E6, v14;
	v13 =	vmul.f32 v10, v12;
	s0 =	simm.s32 @!p0 $0x1  }
0x1b7: {  	v12 =	vmul.f32 v11, v12;
	vm2 =	vgt.f32 v10, $-9.999999930e+36;
	vm3 =	vgt.f32 v11, $-9.999999930e+36;
	s0 =	smin.u32 s0, $0x32  }
0x1b8: {  	v10 =	vnsel vm2, $0xFF61B1E6, v13;
	v13 =	vor.u32 $0x10, v3;
	v14 =	vmov s0  }
0x1b9: {  	v11 =	vnsel vm3, $0xFF61B1E6, v12;
	vm4 =	vgt.u32 v14, v3;
	vm2 =	vgt.u32 v14, v13  }
0x1ba: {  	vm3 =	vgt.u32 v14, v15;
	v12 =	vnsel vm4, $0x7F61B1E6, v8;
	vm4 =	vgt.u32 v14, v16  }
0x1bb: {  	v13 =	vnsel vm2, $0x7F61B1E6, v9;
	v14 =	vnsel vm3, $0x7F61B1E6, v10;
	v15 =	vnsel vm4, $0x7F61B1E6, v11  }
0x1bc: {  	v12 =	vmin.f32 v12, v13;
	v13 =	vmin.f32 v14, v15  }
0x1bd: {  	v12 =	vmin.f32 v12, v13  }
0x1be: {  	(xrf0) =	vmin.scan.msk.f32 $0xffff, v12;
	_ =	sdelay $0x5  }
0x1bf: {  	v12, _, _ =	vpop (xrf0)  }
0x1c0: {  	v12 =	vbroadcast v12, $0xF;
	_ =	sdelay $0x1  }
0x1c1: {  	vm2 =	vge.f32 v8, v12;
	vm3 =	vge.f32 v10, v12  }
0x1c2: {  	vm4 =	vge.f32 v11, v12;
	v8 =	vnsel vm2, $0xFF61B1E6, v8;
	vm2 =	vge.f32 v9, v12  }
0x1c3: {  	v10 =	vnsel vm3, $0xFF61B1E6, v10;
	v12 =	vnsel vm4, $0xFF61B1E6, v11;
	v9 =	vnsel vm2, $0xFF61B1E6, v9  }
0x1c4: {  	v13 =	vmax.f32 v10, v12;
	v11 =	vmax.f32 v8, v9  }
0x1c5: {  	v11 =	vmax.f32 v11, v13  }
0x1c6: {  	(xrf0) =	vmax.scan.msk.f32 $0xffff, v11;
	_ =	sdelay $0x5  }
0x1c7: {  	v11, _, _ =	vpop (xrf0)  }
0x1c8: {  	v11 =	vbroadcast v11, $0xF;
	_ =	sdelay $0x1  }
0x1c9: {  	v13 =	vsub.f32 v8, v11  }
0x1ca: {  	v14 =	vsub.f32 v9, v11  }
0x1cb: {  	v15 =	vsub.f32 v10, v11;
	v13 =	vmul.f32 $1.442695020e+00, v13  }
0x1cc: {  	v11 =	vsub.f32 v12, v11;
	v14 =	vmul.f32 $1.442695020e+00, v14  }
0x1cd: {  	(erf) = vpow2.f32 v13;
	v13 =	vmul.f32 $1.442695020e+00, v15  }
0x1ce: {  	v11 =	vmul.f32 $1.442695020e+00, v11;
	(erf) = vpow2.f32 v14  }
0x1cf: {  	(erf) = vpow2.f32 v13  }
0x1d0: {  	(erf) = vpow2.f32 v11;
	_ =	sdelay $0x5  }
0x1d1: {  	v11 =	vpop (erf)  }
0x1d2: {  	v13 =	vpop (erf)  }
0x1d3: {  	v14 =	vpop (erf)  }
0x1d4: {  	v15 =	vpop (erf)  }
0x1d5: {  	v16 =	vadd.f32 v13, v11;
	v17 =	vadd.f32 v15, v14;
	_ =	sdelay $0x1  }
0x1d6: {  	v16 =	vadd.f32 v17, v16;
	_ =	sdelay $0x1  }
0x1d7: {  	(xrf2) =	vadd.scan.msk.f32 $0xffff, v16;
	_ =	sdelay $0x9  }
0x1d8: {  	v16, _, _ =	vpop (xrf2)  }
0x1d9: {  	v16 =	vbroadcast v16, $0xF;
	_ =	sdelay $0x1  }
0x1da: {  	(erf) = vrcp.f32 v16;
	_ =	sdelay $0x8  }
0x1db: {  	v17 =	vmul.u32 $0xFFFFFFFF, v3;
	v16 =	vpop (erf)  }
0x1dc: {  	v15 =	vmul.f32 v16, v15  }
0x1dd: {  	v17 =	vadd.s32 $0xF, v17  }
0x1de: {  	v14 =	vmul.f32 v16, v14;
	v15 =	vperm.xlane v15, v17;
	_ =	sdelay $0x1  }
0x1df: {  	v13 =	vmul.f32 v16, v13;
	v14 =	vperm.xlane v14, v17;
	(xrf2) =	vadd.scan.msk.f32 $0xffff, v15;
	_ =	sdelay $0x1  }
0x1e0: {  	v13 =	vperm.xlane v13, v17;
	(xrf2) =	vadd.scan.msk.f32 $0xffff, v14;
	_ =	sdelay $0x1  }
0x1e1: {  	(xrf2) =	vadd.scan.msk.f32 $0xffff, v13  }
0x1e2: {  	v6 =	vld.idx.msk [tilespmem:v6+s15+$0x0], $0xffff;
	_ =	sdelay $0x4  }
0x1e3: {  	(v2sf) =	vpush v6, $0x0;
	v13, _, _ =	vpop (xrf2)  }
0x1e4: {  	(v2sf) =	vpush v13, $0xF  }
0x1e5: {  	v6, _, _ =	vpop (xrf2)  }
0x1e6: {  	(v2sf) =	vpush v6, $0xF  }
0x1e7: {  	v14, _, _ =	vpop (xrf2)  }
0x1e8: {  	(v2sf) =	vpush v14, $0xF;
	_ =	sdelay $0x2  }
0x1e9: {  	v11 =	vmul.f32 v16, v11;
	_ =	sdelay $0x1  }
0x1ea: {  	v11 =	vperm.xlane v11, v17;
	_ =	sdelay $0x1  }
0x1eb: {  	(xrf2) =	vadd.scan.msk.f32 $0xffff, v11;
	_ =	sdelay $0x2  }
0x1ec: {  	s16 =	spop (v2sf)  }
0x1ed: {  	s1 =	spop (v2sf)  }
0x1ee: {  	s1 =	sadd.f32 $0.0e+00, s1  }
0x1ef: {  	s2 =	spop (v2sf)  }
0x1f0: {  	s2 =	sadd.f32 s2, s1  }
0x1f1: {  	s3 =	spop (v2sf)  }
0x1f2: {  	s3 =	sadd.f32 s3, s2  }
0x1f3: {  	v11, _, _ =	vpop (xrf2)  }
0x1f4: {  	v11 =	vadd.f32 s3, v11;
	_ =	sdelay $0x1  }
0x1f5: {  	s0 =	ssub.f32 $1.000000000e+00, s16;
	v6 =	vadd.f32 s1, v6;
	v14 =	vadd.f32 s2, v14;
	v11 =	vperm.xlane v11, v17  }
0x1f6: {  	v13 =	vadd.f32 $0.0e+00, v13  }
0x1f7: {  	v6 =	vperm.xlane v6, v17;
	v14 =	vperm.xlane v14, v17;
	vm2 =	vle.f32 v11, s0  }
0x1f8: {  	v11 =	vperm.xlane v13, v17;
	vm2 =	vmand vm2, vm0  }
0x1f9: {  	vm4 =	vle.f32 v6, s0;
	vm3 =	vle.f32 v14, s0;
	v14 =	vsel vm2, $0xFF61B1E6, v8  }
0x1fa: {  	v13 =	vsel vm3, $0xFF61B1E6, v9;
	vm2 =	vle.f32 v11, s0;
	vm5 =	vgt.f32 v14, $-9.999999930e+36  }
0x1fb: {  	v11 =	vsel vm4, $0xFF61B1E6, v10;
	vm4 =	vgt.f32 v13, $-9.999999930e+36;
	v8 =	vmpcnt.ones.xlane vm5  }
0x1fc: {  	v6 =	vld [tilespmem:$0x18F80];
	v9 =	vmpcnt.ones.xlane vm4  }
0x1fd: {  	v10 =	vld [tilespmem:$0x18F90];
	v12 =	vsel vm2, $0xFF61B1E6, v12;
	vm3 =	vgt.f32 v11, $-9.999999930e+36;
	v8 =	vxor.u32 $0x80000000, v8  }
0x1fe: {  	vm2 =	vgt.f32 v12, $-9.999999930e+36;
	v15 =	vmpcnt.ones.xlane vm3;
	(xrf0) =	vmax.scan.msk.u32 $0xffff, v8;
	v8 =	vxor.u32 $0x80000000, v9;
	v9 =	vld [tilespmem:$0x18FA0]  }
0x1ff: {  	v16 =	vmpcnt.ones.xlane vm2;
	(xrf0) =	vmax.scan.msk.u32 $0xffff, v8;
	v8 =	vld [tilespmem:$0x18FB0]  }
0x200: {  	[tilespmem:$0x19180] =	vst v2;
	v15 =	vxor.u32 $0x80000000, v15  }
0x201: {  	[tilespmem:$0x19190] =	vst v2;
	vm6 =	vlt.s32 v6, $0x80;
	(xrf0) =	vmax.scan.msk.u32 $0xffff, v15;
	v15 =	vxor.u32 $0x80000000, v16  }
0x202: {  	[tilespmem:$0x191A0] =	vst v2;
	vm6 =	vmand vm6, vm5;
	vm7 =	vlt.s32 v10, $0x80;
	(xrf0) =	vmax.scan.msk.u32 $0xffff, v15  }
0x203: {  	[tilespmem:$0x191B0] =	vst v2;
	vm7 =	vmand vm7, vm4;
	vm8 =	vlt.s32 v9, $0x80  }
0x204: {  	[tilespmem:$0x191C0] =	vst v2;
	vm8 =	vmand vm8, vm3;
	vm9 =	vlt.s32 v8, $0x80  }
0x205: {  	[tilespmem:$0x191D0] =	vst v2;
	v15, _, _ =	vpop (xrf0);
	vm9 =	vmand vm9, vm2  }
0x206: {  	[tilespmem:$0x191E0] =	vst v2;
	v16, _, _ =	vpop (xrf0);
	(v2sf) =	vpush v15, $0xF  }
0x207: {  	s17 =	simm.s32 $0x19180;
	[tilespmem:$0x191F0] =	vst v2;
	(v2sf) =	vpush v16, $0xF;
	v15, _, _ =	vpop (xrf0)  }
0x208: {  	[tilespmem:v6+s17+$0x0] =	vst.idx.msk vm6, v5;
	(v2sf) =	vpush v15, $0xF;
	v15, _, _ =	vpop (xrf0)  }
0x209: {  	[tilespmem:v10+s17+$0x0] =	vst.idx.msk vm7, v5;
	(v2sf) =	vpush v15, $0xF  }
0x20a: {  	[tilespmem:v9+s17+$0x0] =	vst.idx.msk vm8, v5  }
0x20b: {  	[tilespmem:v8+s17+$0x0] =	vst.idx.msk vm9, v5  }
0x20c: {  	v15 =	vld [tilespmem:s17+$0x0];
	_ =	sdelay $0x4  }
0x20d: {  	vm6 =	veq.s32 v15, $0x0  }
0x20e: {  	v15 =	vsel vm6, $0x1, v2  }
0x20f: {  	(xrf0) =	vadd.scan.msk.s32 $0xffff, v15;
	v15 =	vmpcnt.ones.xlane vm6;
	_ =	sdelay $0x1  }
0x210: {  	s22 =	spop (v2sf);
	v15 =	vxor.u32 $0x80000000, v15  }
0x211: {  	s23 =	spop (v2sf);
	(xrf0) =	vmax.scan.msk.u32 $0xffff, v15  }
0x212: {  	s0 =	sxor.u32 $0x7FFFFFFF, s22;
	s28 =	spop (v2sf);
	s1 =	sxor.u32 $0x7FFFFFFF, s23  }
0x213: {  	s2 =	sxor.u32 $0x7FFFFFFF, s28;
	s30 =	spop (v2sf);
	s0 =	sadd.s32 s1, s0  }
0x214: {  	s31 =	sxor.u32 $0x7FFFFFFF, s30;
	s0 =	sadd.s32 s2, s0  }
0x215: {  	s0 =	sadd.s32 s31, s0  }
0x216: {  	s3 =	simm.s32 $0x0;
	v16, _, _ =	vpop (xrf0);
	s0 =	sadd.s32 $0x36, s0  }
0x217: {  	v16 =	vadd.s32 s3, v16;
	v15 =	vmov s0;
	v17, _, _ =	vpop (xrf0)  }
0x218: {  	p0 =	sgt.s32 s0, $0x0;
	s1 =	smov.u32 s0;
	vm7 =	vle.s32 v16, v15;
	(v2sf) =	vpush v17, $0xF  }
0x219: {  	s1 =	smov.u32 @p0 s3;
	v16 =	vor.u32 s3, v3;
	vm6 =	vmand vm6, vm7  }
0x21a: {  	s2 =	simm.s32 $0x19190;
	[tilespmem:s1+$0x19200] =	vst.msk vm6, v16  }
0x21b: {  	s4 =	simm.s32 $0x20;
	s1 =	simm.s32 $0x10;
	v16 =	vld [tilespmem:s2+$0x0]  }
.LBB2_29:
0x21c: {  	p0 =	sne.s32 s4, $0x70;
	_ =	sdelay $0x3  }
0x21d: {  	vm6 =	veq.s32 v16, $0x0  }
0x21e: {  	v16 =	vsel vm6, $0x1, v2;
	v17 =	vmpcnt.ones.xlane vm6;
	_ =	sdelay $0x1  }
0x21f: {  	v17 =	vxor.u32 $0x80000000, v17;
	(xrf0) =	vadd.scan.msk.s32 $0xffff, v16  }
0x220: {  	(xrf0) =	vmax.scan.msk.u32 $0xffff, v17;
	_ =	sdelay $0x2  }
0x221: {  	s5 =	spop (v2sf)  }
0x222: {  	s3 =	sadd.s32 s5, s3  }
0x223: {  	v16, _, _ =	vpop (xrf0);
	s3 =	sadd.s32 $0x80000000, s3  }
.Ltmp21:
0x224: {  	v16 =	vadd.s32 s3, v16;
	v17, _, _ =	vpop (xrf0);
	(pc) =	sbr.rel @p0 .LBB2_29-.Ltmp21, $4  }
0x225: {  	s5 =	smov.u32 s0;
	p1 =	slt.s32 s3, s0;
	vm7 =	vle.s32 v16, v15;
	(v2sf) =	vpush v17, $0xF  }
0x226: {  	s5 =	smov.u32 @p1 s3;
	v16 =	vor.u32 s1, v3;
	s1 =	smov.u32 s4;
	vm6 =	vmand vm6, vm7  }
0x227: {  	s2 =	sadd.s32 $0x10, s2;
	[tilespmem:s5+$0x19200] =	vst.msk vm6, v16  }
0x228: {  	s4 =	sadd.s32 $0x10, s4;
	v16 =	vld [tilespmem:s2+$0x0]  }
0x229: {  	_ =	sdelay $0x3  }
0x22a: {  	vm9 =	veq.s32 v16, $0x0  }
0x22b: {  	v16 =	vmpcnt.ones.xlane vm9  }
0x22c: {  	vm8 =	vmneg vm5;
	v17 =	vsel vm9, $0x1, v2  }
0x22d: {  	v53 =	vmax.f32 v14, v13;
	v18 =	vmax.f32 v11, v12;
	(xrf0) =	vadd.scan.msk.s32 $0xffff, v17;
	v16 =	vxor.u32 $0x80000000, v16  }
0x22e: {  	v54 =	vmax.f32 v53, v18;
	v55 =	vmpcnt.ones.xlane vm8;
	(xrf0) =	vmax.scan.msk.u32 $0xffff, v16  }
0x22f: {  	v56 =	vsel vm8, $0x1, v2;
	(xrf0) =	vmax.scan.msk.f32 $0xffff, v54  }
0x230: {  	v57 =	vxor.u32 $0x80000000, v55;
	(xrf0) =	vadd.scan.msk.s32 $0xffff, v56  }
0x231: {  	(xrf0) =	vmax.scan.msk.u32 $0xffff, v57;
	_ =	sdelay $0x1  }
0x232: {  	v58, _, _ =	vpop (xrf0)  }
0x233: {  	v59, _, _ =	vpop (xrf0)  }
0x234: {  	v60, _, _ =	vpop (xrf0)  }
0x235: {  	vm7 =	vmneg vm4;
	(v2sf) =	vpush v59, $0xF;
	v61, _, _ =	vpop (xrf0)  }
0x236: {  	v19 =	vmpcnt.ones.xlane vm7;
	(v2sf) =	vpush v7, $0x0;
	v7, _, _ =	vpop (xrf0)  }
0x237: {  	(v2sf) =	vpush v7, $0xF;
	v7 =	vsel vm7, $0x1, v2  }
0x238: {  	(xrf0) =	vadd.scan.msk.s32 $0xffff, v7;
	v7 =	vxor.u32 $0x80000000, v19  }
0x239: {  	(xrf0) =	vmax.scan.msk.u32 $0xffff, v7;
	_ =	sdelay $0x4  }
0x23a: {  	v7, _, _ =	vpop (xrf0)  }
0x23b: {  	vm6 =	vmneg vm3;
	v62, _, _ =	vpop (xrf0)  }
0x23c: {  	v63 =	vmpcnt.ones.xlane vm6;
	s2 =	spop (v2sf);
	(v2sf) =	vpush v62, $0xF  }
0x23d: {  	v20 =	vsel vm6, $0x1, v2;
	s2 =	sadd.s32 s2, s3  }
0x23e: {  	s2 =	sadd.s32 $0x80000000, s2;
	v17 =	vadd.s32 $0xFFFFFFFF, v61;
	v19 =	vxor.u32 $0x80000000, v63;
	(xrf0) =	vadd.scan.msk.s32 $0xffff, v20  }
0x23f: {  	v16 =	vadd.s32 s2, v58;
	v18 =	vbroadcast v60, $0xF;
	(xrf0) =	vmax.scan.msk.u32 $0xffff, v19  }
0x240: {  	p0 =	slt.s32 s2, s0;
	vm10 =	vle.s32 v16, v15;
	s31 =	spop (v2sf)  }
0x241: {  	v23 =	vor.u32 s1, v3;
	s0 =	smov.u32 @p0 s2;
	vm9 =	vmand vm9, vm10;
	v22 =	vsub.f32 v14, v18;
	s30 =	spop (v2sf)  }
0x242: {  	[tilespmem:s0+$0x19200] =	vst.msk vm9, v23;
	v24 =	vsub.f32 v13, v18;
	v25 =	vsub.f32 v11, v18;
	s3 =	spop (v2sf)  }
0x243: {  	v26 =	vsub.f32 v12, v18;
	v14 =	vmul.f32 $1.442695020e+00, v22;
	v15 =	vld.idx.msk [tilespmem:v17+s21+$0x0], vm8;
	s0 =	sxor.u32 $0x80000000, s3  }
0x244: {  	v13 =	vmul.f32 $1.442695020e+00, v24;
	v11 =	vmul.f32 $1.442695020e+00, v25;
	v28, _, _ =	vpop (xrf0);
	v27 =	vmov s0  }
0x245: {  	v12 =	vmul.f32 $1.442695020e+00, v26;
	(erf) = vpow2.f32 v14;
	v30, _, _ =	vpop (xrf0);
	v29 =	vadd.s32 $0xFFFFFFFF, v27  }
0x246: {  	(erf) = vpow2.f32 v13;
	(v2sf) =	vpush v30, $0xF;
	v31 =	vbroadcast v29, $0x0  }
0x247: {  	(erf) = vpow2.f32 v11  }
0x248: {  	(erf) = vpow2.f32 v12;
	v32 =	vsel vm5, v6, v15;
	v7 =	vadd.s32 v7, v31  }
0x249: {  	vm12 =	vgt.s32 v32, $0x0  }
0x24a: {  	v33 =	vnsel vm12, $0x0, v32  }
0x24b: {  	v11 =	vmin.u32 v33, $0x1869F;
	s4 =	spop (v2sf)  }
0x24c: {  	[tilespmem:$0x19280] =	vst v11;
	s0 =	sadd.s32 s4, s0  }
0x24d: {  	v7 =	vld.idx.msk [tilespmem:v7+s21+$0x0], vm7;
	s0 =	sadd.s32 $0x80000000, s0  }
0x24e: {  	v34 =	vpop (erf);
	v36 =	vmov s0  }
0x24f: {  	v35 =	vpop (erf);
	v15 =	vadd.s32 $0xFFFFFFFF, v36  }
0x250: {  	v37 =	vpop (erf);
	v15 =	vbroadcast v15, $0x0  }
0x251: {  	vm13 =	vmneg vm2;
	vm14 =	vmmov $0x3;
	v39 =	vadd.f32 v35, v34;
	v38 =	vpop (erf)  }
0x252: {  	v40 =	vadd.f32 v38, v37;
	v21 =	vsel vm4, v10, v7;
	v7 =	vadd.s32 v28, v15  }
0x253: {  	vm8 =	vmand vm13, vm14;
	vm15 =	vgt.s32 v21, $0x0  }
0x254: {  	v42 =	vsel vm8, $0x1, v2;
	v41 =	vadd.f32 v40, v39;
	v10 =	vnsel vm15, $0x0, v21  }
0x255: {  	(xrf0) =	vadd.scan.msk.s32 $0xffff, v42;
	s5 =	spop (v2sf);
	v10 =	vmin.u32 v10, $0x1869F  }
0x256: {  	(xrf2) =	vadd.scan.msk.f32 $0xffff, v41;
	s0 =	sadd.s32 s5, s0;
	[tilespmem:$0x19290] =	vst v10  }
0x257: {  	s0 =	sadd.s32 $0x80000000, s0;
	v7 =	vld.idx.msk [tilespmem:v7+s21+$0x0], vm6  }
0x258: {  	v43 =	vmov s0  }
0x259: {  	v15 =	vadd.s32 $0xFFFFFFFF, v43  }
0x25a: {  	v15 =	vbroadcast v15, $0x0  }
0x25b: {  	v16, _, _ =	vpop (xrf0)  }
0x25c: {  	v44 =	vsel vm3, v9, v7;
	v7 =	vadd.s32 v16, v15  }
0x25d: {  	vm10 =	vgt.s32 v44, $0x0  }
0x25e: {  	v9 =	vnsel vm10, $0x0, v44  }
0x25f: {  	v9 =	vmin.u32 v9, $0x1869F  }
0x260: {  	v45, _, _ =	vpop (xrf2);
	[tilespmem:$0x192A0] =	vst v9  }
0x261: {  	v15 =	vbroadcast v45, $0xF;
	v7 =	vld.idx.msk [tilespmem:v7+s21+$0x0], vm8;
	_ =	sdelay $0x1  }
0x262: {  	(erf) = vrcp.f32 v15;
	_ =	sdelay $0x2  }
0x263: {  	v7 =	vsel vm8, v7, v8  }
0x264: {  	v8 =	vnsel vm14, $0x0, v7  }
0x265: {  	vm11 =	vgt.s32 v8, $0x0  }
0x266: {  	v7 =	vnsel vm11, $0x0, v8  }
0x267: {  	v7 =	vmin.u32 v7, $0x1869F  }
0x268: {  	s10 =	rddreg [dreg:$0x2];
	s11 =	simm.s32 $0x40;
	s16 =	simm.s32 $0x19280;
	[tilespmem:$0x192B0] =	vst v7  }
0x269: {  	v15 =	vpop (erf);
	[tilespmem:s24], [sflag:$0x1] =	stream.indirect.gather [hbm4b:s10+s11], $0x1, s16, s11, $0xb8;
	[tilespmem:$0x19400] =	vst v63  }
0x26a: {  	_ =	swait.ge [sflag:s25], $0x40  }
0x26b: {  	[sflag:s25] =	ssyncset.done $0x0  }
0x26c: {  	[sflag:s25] =	ssyncadd.s32 $0xFFFFFFC0  }
0x26d: {  	v46 =	vld [tilespmem:$0x19300]  }
0x26e: {  	v47 =	vld [tilespmem:$0x19310]  }
0x26f: {  	v22 =	vld [tilespmem:$0x19330]  }
0x270: {  	v23 =	vld [tilespmem:$0x19320];
	_ =	sdelay $0x3  }
0x271: {  	v16 =	vcvt.s32.f32 v46;
	v22 =	vcvt.s32.f32 v22  }
0x272: {  	v20 =	vcvt.s32.f32 v47;
	v23 =	vcvt.s32.f32 v23  }
0x273: {  	v22 =	vnsel vm14, $0xF149F2CA, v22  }
0x274: {  	v24 =	vmax.f32 v16, v20;
	v25 =	vmax.f32 v23, v22  }
0x275: {  	v24 =	vmax.f32 v24, v25  }
0x276: {  	(xrf0) =	vmax.scan.msk.f32 $0xffff, v24;
	_ =	sdelay $0x5  }
0x277: {  	v24, _, _ =	vpop (xrf0)  }
0x278: {  	v24 =	vbroadcast v24, $0xF;
	_ =	sdelay $0x1  }
0x279: {  	v16 =	vsub.f32 v16, v24  }
0x27a: {  	v20 =	vsub.f32 v20, v24  }
0x27b: {  	v23 =	vsub.f32 v23, v24;
	v16 =	vmul.f32 $1.442695020e+00, v16  }
0x27c: {  	v22 =	vsub.f32 v22, v24;
	v20 =	vmul.f32 $1.442695020e+00, v20  }
0x27d: {  	v48 =	vmul.f32 $1.442695020e+00, v23;
	(erf) = vpow2.f32 v16  }
0x27e: {  	v49 =	vmul.f32 $1.442695020e+00, v22;
	(erf) = vpow2.f32 v20  }
0x27f: {  	(erf) = vpow2.f32 v48  }
0x280: {  	(erf) = vpow2.f32 v49;
	_ =	sdelay $0x5  }
0x281: {  	v50 =	vpop (erf)  }
0x282: {  	v51 =	vpop (erf)  }
0x283: {  	v52 =	vpop (erf)  }
0x284: {  	v53 =	vpop (erf)  }
0x285: {  	v54 =	vadd.f32 v51, v50;
	v55 =	vadd.f32 v53, v52;
	_ =	sdelay $0x1  }
0x286: {  	vm12 =	veq.s32 v32, $0x2;
	v13 =	vmul.f32 v15, v34;
	v24 =	vadd.f32 v55, v54  }
0x287: {  	vm13 =	vmand vm5, vm12  }
0x288: {  	v56 =	vmul.f32 v15, v35;
	v57 =	vnsel vm13, $0x0, v13;
	vm14 =	veq.s32 v21, $0x2;
	(xrf2) =	vadd.scan.msk.f32 $0xffff, v24  }
0x289: {  	vm15 =	vmand vm4, vm14;
	(xrf2) =	vadd.scan.msk.f32 $0xffff, v57  }
0x28a: {  	vm9 =	veq.s32 v44, $0x2;
	v58 =	vmul.f32 v15, v37;
	v59 =	vnsel vm15, $0x0, v56  }
0x28b: {  	v60 =	vmpcnt.ones.xlane vm13;
	vm3 =	vmand vm3, vm9;
	(xrf2) =	vadd.scan.msk.f32 $0xffff, v59  }
0x28c: {  	v15 =	vmul.f32 v15, v38;
	vm10 =	veq.s32 v8, $0x2;
	v61 =	vnsel vm3, $0x0, v58  }
0x28d: {  	v62 =	vxor.u32 $0x80000000, v60;
	vm2 =	vmand vm2, vm10;
	v63 =	vmpcnt.ones.xlane vm15;
	(xrf2) =	vadd.scan.msk.f32 $0xffff, v61  }
0x28e: {  	v21 =	vnsel vm2, $0x0, v15;
	(xrf0) =	vmax.scan.msk.u32 $0xffff, v62  }
0x28f: {  	v25 =	vmpcnt.ones.xlane vm3;
	v24 =	vxor.u32 $0x80000000, v63;
	(xrf2) =	vadd.scan.msk.f32 $0xffff, v21  }
0x290: {  	(xrf0) =	vmax.scan.msk.u32 $0xffff, v24  }
0x291: {  	v26 =	vxor.u32 $0x80000000, v25  }
0x292: {  	v28 =	vmpcnt.ones.xlane vm2;
	(xrf0) =	vmax.scan.msk.u32 $0xffff, v26;
	v27, _, _ =	vpop (xrf2)  }
0x293: {  	v29, _, _ =	vpop (xrf2)  }
0x294: {  	v8 =	vxor.u32 $0x80000000, v28;
	v30, _, _ =	vpop (xrf0);
	(v2sf) =	vpush v29, $0xF  }
0x295: {  	(xrf0) =	vmax.scan.msk.u32 $0xffff, v8;
	v31, _, _ =	vpop (xrf2);
	(v2sf) =	vpush v30, $0xF  }
0x296: {  	v32, _, _ =	vpop (xrf0);
	(v2sf) =	vpush v31, $0xF  }
0x297: {  	v33, _, _ =	vpop (xrf2);
	(v2sf) =	vpush v32, $0xF  }
0x298: {  	v34, _, _ =	vpop (xrf0);
	(v2sf) =	vpush v33, $0xF  }
0x299: {  	v35, _, _ =	vpop (xrf2);
	(v2sf) =	vpush v34, $0xF  }
0x29a: {  	(v2sf) =	vpush v35, $0xF  }
0x29b: {  	v36, _, _ =	vpop (xrf0)  }
0x29c: {  	(v2sf) =	vpush v36, $0xF;
	_ =	sdelay $0x1  }
0x29d: {  	v17 =	vbroadcast v27, $0xF;
	_ =	sdelay $0x1  }
0x29e: {  	(erf) = vrcp.f32 v17;
	_ =	sdelay $0x2  }
0x29f: {  	s17 =	spop (v2sf)  }
0x2a0: {  	s22 =	spop (v2sf);
	s0 =	sadd.f32 $0.0e+00, s17  }
0x2a1: {  	s23 =	spop (v2sf)  }
0x2a2: {  	s3 =	spop (v2sf);
	s0 =	sadd.f32 s23, s0  }
0x2a3: {  	s28 =	spop (v2sf)  }
0x2a4: {  	v40 =	vmul.f32 $5.000000000e-01, v13;
	v41 =	vmul.f32 $5.000000000e-01, v56;
	s4 =	spop (v2sf);
	s0 =	sadd.f32 s28, s0  }
0x2a5: {  	v43 =	vmul.f32 $5.000000000e-01, v58;
	v44 =	vmul.f32 $5.000000000e-01, v15;
	v37 =	vpop (erf);
	s31 =	spop (v2sf)  }
0x2a6: {  	vm11 =	vge.f32 v13, $1.000000050e-03;
	vm5 =	vge.f32 v56, $1.000000050e-03;
	v16 =	vmul.f32 v37, v50;
	s0 =	sadd.f32 s31, s0  }
0x2a7: {  	vm12 =	vge.f32 v58, $1.000000050e-03;
	v38 =	vmul.f32 v37, v51;
	v39 =	vmul.f32 v37, v52;
	s1 =	sadd.s32 s22, s3;
	s3 =	spop (v2sf)  }
0x2a8: {  	vm13 =	vge.f32 v15, $1.000000050e-03;
	v8 =	vmul.f32 v37, v53;
	s1 =	sadd.s32 s4, s1;
	s2 =	sxor.u32 $0x7FFFFFFF, s3;
	v42 =	vmul.f32 s0, v4  }
0x2a9: {  	vm2 =	vmmov vm1;
	v16 =	vmul.f32 $5.000000000e-01, v16;
	v17 =	vmul.f32 $5.000000000e-01, v38;
	s5 =	sadd.s32 $0x80000000, s1;
	s10 =	sadd.s32 $0x1, s2  }
0x2aa: {  	v18 =	vmul.f32 $5.000000000e-01, v39;
	v8 =	vmul.f32 $5.000000000e-01, v8;
	p0 =	seq.s32 s5, s10;
	v21 =	vmax.f32 v42, $4.999999890e-03  }
0x2ab: {  	v16 =	vadd.f32 v16, v40;
	vm2 =	vmneg @p0 vm2;
	vm3 =	vge.f32 v13, v21  }
0x2ac: {  	v17 =	vadd.f32 v17, v41;
	v18 =	vadd.f32 v18, v43;
	vm3 =	vmor vm3, vm2  }
0x2ad: {  	v8 =	vadd.f32 v8, v44;
	vm14 =	vge.f32 v58, v21;
	vm3 =	vmand vm11, vm3  }
0x2ae: {  	vm15 =	vge.f32 v15, v21;
	v45 =	vnsel vm3, $0xFF61B1E6, v16;
	vm3 =	vge.f32 v56, v21  }
0x2af: {  	vm7 =	vmor vm14, vm2;
	vm3 =	vmor vm3, vm2;
	vm2 =	vmor vm15, vm2  }
0x2b0: {  	vm4 =	vmand vm12, vm7;
	vm3 =	vmand vm5, vm3;
	vm2 =	vmand vm13, vm2  }
0x2b1: {  	v47 =	vnsel vm4, $0xFF61B1E6, v18;
	v46 =	vnsel vm3, $0xFF61B1E6, v17;
	v8 =	vnsel vm2, $0xFF61B1E6, v8  }
0x2b2: {  	v48 =	vmax.f32 v45, v46;
	v49 =	vmax.f32 v47, v8  }
0x2b3: {  	v15 =	vmax.f32 v48, v49  }
0x2b4: {  	(xrf0) =	vmax.scan.msk.f32 $0xffff, v15;
	_ =	sdelay $0x5  }
0x2b5: {  	v15, _, _ =	vpop (xrf0)  }
0x2b6: {  	v15 =	vbroadcast v15, $0xF;
	_ =	sdelay $0x1  }
0x2b7: {  	vm2 =	veq.f32 v45, v15  }
0x2b8: {  	v13 =	vsel vm2, $0x1, v2  }
0x2b9: {  	(xrf0) =	vadd.scan.msk.s32 $0xffff, v13;
	_ =	sdelay $0x5  }
0x2ba: {  	v13, _, _ =	vpop (xrf0)  }
0x2bb: {  	vm3 =	veq.s32 v13, $0x1  }
0x2bc: {  	v11 =	vor.u32 $0x80000000, v11;
	v50 =	vmpcnt.ones.xlane vm2;
	vm3 =	vmand vm2, vm3  }
0x2bd: {  	v11 =	vnsel vm3, $0x7FFFFFFF, v11  }
0x2be: {  	v51 =	vxor.u32 $0x80000000, v50;
	(xrf0) =	vmax.scan.msk.u32 $0xffff, v11  }
0x2bf: {  	(xrf0) =	vmax.scan.msk.u32 $0xffff, v51;
	_ =	sdelay $0x4  }
0x2c0: {  	v52, _, _ =	vpop (xrf0)  }
0x2c1: {  	(v2sf) =	vpush v52, $0xF;
	v53, _, _ =	vpop (xrf0)  }
0x2c2: {  	(v2sf) =	vpush v53, $0xF;
	_ =	sdelay $0x7  }
0x2c3: {  	vm2 =	veq.f32 v46, v15  }
0x2c4: {  	v54 =	vsel vm2, $0x1, v2  }
0x2c5: {  	(xrf0) =	vadd.scan.msk.s32 $0xffff, v54;
	_ =	sdelay $0x3  }
0x2c6: {  	s11 =	spop (v2sf)  }
0x2c7: {  	s16 =	spop (v2sf)  }
0x2c8: {  	v11, _, _ =	vpop (xrf0);
	s1 =	sxor.u32 $0x80000000, s16  }
0x2c9: {  	v11 =	vadd.s32 s1, v11  }
0x2ca: {  	vm3 =	veq.s32 v11, $0x1  }
0x2cb: {  	v10 =	vor.u32 $0x80000000, v10;
	v55 =	vmpcnt.ones.xlane vm2;
	vm3 =	vmand vm2, vm3  }
0x2cc: {  	v10 =	vnsel vm3, $0x7FFFFFFF, v10  }
0x2cd: {  	v56 =	vxor.u32 $0x80000000, v55;
	(xrf0) =	vmax.scan.msk.u32 $0xffff, v10  }
0x2ce: {  	(xrf0) =	vmax.scan.msk.u32 $0xffff, v56;
	_ =	sdelay $0x4  }
0x2cf: {  	v57, _, _ =	vpop (xrf0)  }
0x2d0: {  	(v2sf) =	vpush v57, $0xF;
	v58, _, _ =	vpop (xrf0)  }
0x2d1: {  	(v2sf) =	vpush v58, $0xF;
	_ =	sdelay $0x8  }
0x2d2: {  	vm2 =	veq.f32 v47, v15  }
0x2d3: {  	v59 =	vsel vm2, $0x1, v2  }
0x2d4: {  	(xrf0) =	vadd.scan.msk.s32 $0xffff, v59;
	_ =	sdelay $0x2  }
0x2d5: {  	s17 =	spop (v2sf)  }
0x2d6: {  	s22 =	spop (v2sf)  }
0x2d7: {  	s1 =	sadd.s32 s22, s1  }
0x2d8: {  	v10, _, _ =	vpop (xrf0);
	s1 =	sadd.s32 $0x80000000, s1  }
0x2d9: {  	v10 =	vadd.s32 s1, v10  }
0x2da: {  	vm3 =	veq.s32 v10, $0x1  }
0x2db: {  	v9 =	vor.u32 $0x80000000, v9;
	v60 =	vmpcnt.ones.xlane vm2;
	vm3 =	vmand vm2, vm3  }
0x2dc: {  	v9 =	vnsel vm3, $0x7FFFFFFF, v9  }
0x2dd: {  	v61 =	vxor.u32 $0x80000000, v60;
	(xrf0) =	vmax.scan.msk.u32 $0xffff, v9  }
0x2de: {  	(xrf0) =	vmax.scan.msk.u32 $0xffff, v61;
	_ =	sdelay $0x4  }
0x2df: {  	v62, _, _ =	vpop (xrf0)  }
0x2e0: {  	(v2sf) =	vpush v62, $0xF;
	v63, _, _ =	vpop (xrf0)  }
0x2e1: {  	(v2sf) =	vpush v63, $0xF;
	_ =	sdelay $0x8  }
0x2e2: {  	vm2 =	veq.f32 v8, v15  }
0x2e3: {  	v8 =	vsel vm2, $0x1, v2  }
0x2e4: {  	(xrf0) =	vadd.scan.msk.s32 $0xffff, v8;
	_ =	sdelay $0x2  }
0x2e5: {  	s23 =	spop (v2sf)  }
0x2e6: {  	s28 =	spop (v2sf)  }
0x2e7: {  	s1 =	sadd.s32 s28, s1  }
0x2e8: {  	v8, _, _ =	vpop (xrf0);
	s1 =	sadd.s32 $0x80000000, s1  }
0x2e9: {  	v8 =	vadd.s32 s1, v8  }
0x2ea: {  	vm3 =	veq.s32 v8, $0x1  }
0x2eb: {  	v7 =	vor.u32 $0x80000000, v7;
	vm2 =	vmand vm2, vm3  }
0x2ec: {  	v7 =	vnsel vm2, $0x7FFFFFFF, v7  }
0x2ed: {  	(xrf0) =	vmax.scan.msk.u32 $0xffff, v7;
	_ =	sdelay $0x5  }
0x2ee: {  	v7, _, _ =	vpop (xrf0)  }
0x2ef: {  	(v2sf) =	vpush v7, $0xF;
	_ =	sdelay $0x4  }
0x2f0: {  	(v2sf) =	vpush v6, $0x0;
	_ =	sdelay $0x6  }
0x2f1: {  	s0 =	sxor.u32 $0x80000000, s11;
	s1 =	sxor.u32 $0x80000000, s17  }
0x2f2: {  	p0 =	sgt.s32 s0, s1  }
0x2f3: {  	s1 =	smov.u32 @p0 s0;
	s0 =	sxor.u32 $0x80000000, s23  }
0x2f4: {  	p0 =	sgt.s32 s1, s0;
	s31 =	spop (v2sf)  }
0x2f5: {  	s0 =	smov.u32 @p0 s1;
	s1 =	sxor.u32 $0x80000000, s31  }
0x2f6: {  	p0 =	sgt.s32 s0, s1  }
0x2f7: {  	s1 =	smov.u32 @p0 s0  }
0x2f8: {  	p0 =	slt.f32 s30, $9.999999740e-06;
	s0 =	sshra.s32 s1, $0x1F  }
0x2f9: {  	v6 =	vmov s29;
	s29 =	sadd.s32 $0x1, s29;
	s0 =	sor.u32 s0, s1;
	s1 =	spop (v2sf)  }
0x2fa: {  	s0 =	smov.u32 @p0 s1;
	p0 =	sne.s32 s29, $0x4  }
.Ltmp22:
0x2fb: {  	_ = 	snop;
	(pc) =	sbr.rel @p0 .LBB2_2-.Ltmp22, $3  }
0x2fc: {  	_ =	sdelay $0x1  }
0x2fd: {  	v7 =	vmov s0  }
0x2fe: {  	[tilespmem:v6+s26+$0x0] =	vst.idx.msk $0x1, v7  }
0x2ff: {  	s0 =	rddreg [dreg:$0x6]  }
0x300: {  	[hbm4b:s0+s6] =	stream.linear.scatter [tilespmem:s26], [sflag:$0x2], $0x80, $0x38;
	[tilespmem:$0x19400] =	vst v63  }
0x301: {  	_ =	swait.ge [sflag:s13], $0x80  }
0x302: {  	s1 =	rddreg [dreg:$0x8]  }
0x303: {  	s31 =	rddreg [dreg:$0x7];
	s1 =	sadd.s32 $0x1, s1  }
0x304: {  	p0 =	sne.s32 s1, s31  }
.Ltmp23:
0x305: {  	_ = 	snop;
	(pc) =	sbr.rel @p0 .LBB2_1-.Ltmp23, $3  }
0x306: {  	_ =	sdelay $0x1  }
0x307: {  	[sflag:s13] =	ssyncset.done $0x0  }
0x308: {  	[sflag:s13] =	ssyncadd.s32 $0xFFFFFF80  }
0x309: {  	_ =	sfence.sel $0x180000  }
0x30a: {  	[bflag:$0x0] =	sbarrier.arrive $0xFFFF  }
0x30b: {  	_ =	strace $0x90000047  }
0x30c: {  	s0 =	stileid.u32;
	[bflag:$0x2] =	sbarrier.arrive $0xFFFF  }
0x30d: {  	p0 =	sne.s32 s0, $0x0;
	s0 =	rddreg [dreg:$0x5]  }
0x30e: {  	s0 =	sadd.s32 @!p0 $0x100000, s0  }
0x30f: {  	[sflag:s0] =	ssyncadd.tile.s32 @!p0 $0x1;
	_ =	shalt  }
.Lfunc_end2:
_tile_overlayer_lowered:
.L_overlay_start_2:
0x310: {  	(tag) =	ssettag $0x2  }
0x311: {  	s0 =	rddreg [dreg:$0x0];
	s2 =	stileid.u32  }
0x312: {  	s1 =	rddreg [dreg:$0x1];
	p0 =	sne.s32 s2, $0x0  }
0x313: {  	s3 =	rddreg [dreg:$0x2];
	[bflag:$0x3] =	sbarrier.arrive $0xFFFF;
	s2 =	simm.s32 @!p0 $0x1C02  }
0x314: {  	[timem:s3], [sflag:s2] =	dma.local @!p0 [hbm:s0], s1  }
0x315: {  	s0 =	simm.s32 @!p0 $0x2  }
0x316: {  	_ =	swait.ge @!p0 [sflag:s0], s1  }
0x317: {  	s1 =	ssub.s32 @!p0 $0x0, s1;
	[sflag:s0] =	ssyncset.done @!p0 $0x0  }
0x318: {  	[sflag:s0] =	ssyncadd.s32 @!p0 s1  }
0x319: {  	[bflag:$0x3] =	sbarrier.arrive $0xFFFF  }
0x31a: {  	_ =	shalt  }

</sc_bundles>
